<compile_context>
chip_gen: v7x
topology: tpu7x:2x2x1
jax: 0.10.2.dev20260603
libtpu: 0.0.44.dev20260713+nightly
codegen_flags: <defaults>
</compile_context>

<pallas_src>
import functools

import jax
import jax.numpy as jnp
from jax import lax
from jax.experimental import pallas as pl
from jax.experimental.pallas import tpu as pltpu
from jax.experimental.pallas import tpu_sc as plsc

_D = 64
_B = 4096 * 200
_NW = 32
_BLK = 128
_NBLK = _B // _BLK // _NW
_BPW = _NBLK * _BLK
_HB = 4096 // _BLK


def _body(table_hbm, x_hbm, out_hbm, idx_v, rows_v, tbuf, gs0, gs1, os0, os1):
    wid = lax.axis_index("s") * 2 + lax.axis_index("c")
    base = wid * _BPW
    pltpu.sync_copy(x_hbm.at[pl.ds(base, _BPW)], idx_v)

    gsems = (gs0, gs1)
    osems = (os0, os1)
    iota16 = lax.iota(jnp.int32, 16)
    dh_idx = [(iota16 + 16 * k) >> 3 for k in range(4)]
    dl_idx = [(iota16 + 16 * k) & 7 for k in range(4)]

    def sg(g, slot):
        off = pl.multiple_of(g * _BLK, _BLK)
        pltpu.async_copy(
            table_hbm.at[idx_v.at[pl.ds(off, _BLK)]],
            rows_v.at[slot],
            gsems[slot],
        )

    def wg(slot):
        pltpu.make_async_copy(
            table_hbm.at[pl.ds(0, _BLK)], rows_v.at[slot], gsems[slot]
        ).wait()

    def tr(slot):
        @plsc.parallel_loop(0, _BLK, unroll=8)
        def _(b):
            colb = jnp.full((16,), b, jnp.int32)
            for k in range(4):
                vals = rows_v[slot, b, pl.ds(16 * k, 16)]
                plsc.store_scatter(
                    tbuf.at[slot], [dh_idx[k], dl_idx[k], colb], vals
                )

    def so(g, slot):
        t = wid * _NBLK + g
        h = t // _HB
        bh = t % _HB
        pltpu.async_copy(
            tbuf.at[slot, slice(None), slice(None), pl.ds(0, 128)],
            out_hbm.at[h, slice(None), bh],
            osems[slot],
        )

    def wo(slot):
        pltpu.make_async_copy(
            tbuf.at[slot, slice(None), slice(None), pl.ds(0, 128)],
            out_hbm.at[0, slice(None), 0],
            osems[slot],
        ).wait()

    sg(0, 0)
    sg(1, 1)
    wg(0)
    tr(0)
    so(0, 0)
    sg(2, 0)
    wg(1)
    tr(1)
    so(1, 1)
    sg(3, 1)

    @pl.loop(2, _NBLK - 2, step=2)
    def _(g):
        wg(0)
        wo(0)
        tr(0)
        so(g, 0)
        sg(g + 2, 0)
        wg(1)
        wo(1)
        tr(1)
        so(g + 1, 1)
        sg(g + 3, 1)

    wg(0)
    wo(0)
    tr(0)
    so(_NBLK - 2, 0)
    wg(1)
    wo(1)
    tr(1)
    so(_NBLK - 1, 1)
    wo(0)
    wo(1)


_embed_gather = functools.partial(
    pl.kernel,
    out_type=jax.ShapeDtypeStruct((200, 8, _HB, 8, 128), jnp.float32),
    mesh=plsc.VectorSubcoreMesh(core_axis_name="c", subcore_axis_name="s"),
    scratch_types=[
        pltpu.VMEM((_BPW,), jnp.int32),
        pltpu.VMEM((2, _BLK, _D), jnp.float32),
        pltpu.VMEM((2, 8, 8, 133), jnp.float32),
        pltpu.SemaphoreType.DMA,
        pltpu.SemaphoreType.DMA,
        pltpu.SemaphoreType.DMA,
        pltpu.SemaphoreType.DMA,
    ],
    compiler_params=pltpu.CompilerParams(use_tc_tiling_on_sc=False, needs_layout_passes=False),
)(_body)


def kernel(x, table):
    xt = x.T.reshape(-1)
    o5 = _embed_gather(table, xt)
    return jnp.transpose(o5, (2, 4, 0, 1, 3)).reshape(
        x.shape + (table.shape[1],)
    )

# --- scband reference (transcript-rebuilt; emitter-appended) ---
"""Pipeline reference for scband-fixed-embedding-72267119722895 (READ-ONLY COPY).

The authoritative reference and input builder live on the scoring server;
editing this copy changes nothing except your own understanding.
"""

import jax, jax.numpy as jnp
import numpy as np

VOCAB = 1000000
EMBED_DIM = 64
BATCH = 4096
HIST = 200


def setup_inputs(seed: int = 0) -> dict:
    key = jax.random.key(seed)
    k1, k2 = jax.random.split(key)
    x = jax.random.randint(k1, (BATCH, HIST), 0, VOCAB, dtype=jnp.int32)
    # embed_mat passed to __init__ and wrapped as the (frozen) embedding table
    table = jax.random.normal(k2, (VOCAB, EMBED_DIM), dtype=jnp.float32) * 0.02
    return {"x": x, "table": table}


def reference(x, table):
    # FixedEmbedding.forward: embedding lookup; drop_ratio=0.0 so dropout branch
    # is never constructed/applied. Eval-mode dropout would also be identity.
    out = jnp.take(table, x, axis=0)
    return out

if __name__ == "__main__":
    import jax
    _d = setup_inputs()
    print(jax.jit(kernel)(*tuple(_d.values())))

</pallas_src>

<mosaic_0001>
#map = affine_map<(d0, d1) -> (0, 0)>
#map1 = affine_map<(d0, d1) -> (0)>
#map2 = affine_map<(d0, d1) -> (0, 0, 0, 0, 0)>
module attributes {stable_mosaic.version = 14 : i64} {
  func.func @_body(%arg0: i32, %arg1: i32, %arg2: memref<1000000x64xf32, #tpu.memory_space<hbm>>, %arg3: memref<819200xi32, #tpu.memory_space<hbm>>, %arg4: memref<200x8x32x8x128xf32, #tpu.memory_space<hbm>>, %arg5: memref<25600xi32, #tpu.memory_space<vmem>>, %arg6: memref<2x128x64xf32, #tpu.memory_space<vmem>>, %arg7: memref<2x8x8x133xf32, #tpu.memory_space<vmem>>, %arg8: memref<!tpu.dma_semaphore, #tpu.memory_space<semaphore_mem>>, %arg9: memref<!tpu.dma_semaphore, #tpu.memory_space<semaphore_mem>>, %arg10: memref<!tpu.dma_semaphore, #tpu.memory_space<semaphore_mem>>, %arg11: memref<!tpu.dma_semaphore, #tpu.memory_space<semaphore_mem>>) attributes {dimension_semantics = [#tpu.dimension_semantics<core_parallel>, #tpu.dimension_semantics<subcore_parallel>], iteration_bounds = array<i64: 2, 16>, scalar_prefetch = 0 : i64, scratch_operands = 7 : i64, tpu.core_type = #tpu.core_type<sc_vector_subcore>, window_params = [{transform_indices = #map}, {transform_indices = #map1}, {transform_indices = #map2}]} {
    %mul3A = arith.constant 2 : i32
    %mul3A_0 = arith.muli %arg1, %mul3A : i32
    %add3A = arith.addi %mul3A_0, %arg0 : i32
    %mul3A_1 = arith.constant 25600 : i32
    %mul3A_2 = arith.muli %add3A, %mul3A_1 : i32
    "tpu.region"() ({
      %run_scoped3A = tpu.sem_alloc : memref<!tpu.dma_semaphore, #tpu.memory_space<semaphore_mem>>
      %dma_start3A_508 = tpu.memref_slice %arg3[%mul3A_2] : memref<819200xi32, #tpu.memory_space<hbm>> -> memref<25600xi32, #tpu.memory_space<hbm>>
      %dma_start3A_509 = tpu.memref_slice %arg3[%mul3A_2] : memref<819200xi32, #tpu.memory_space<hbm>> -> memref<25600xi32, #tpu.memory_space<hbm>>
      tpu.enqueue_dma source(%dma_start3A_509 : memref<25600xi32, #tpu.memory_space<hbm>>) target(%arg5 : memref<25600xi32, #tpu.memory_space<vmem>>) target_semaphore(%run_scoped3A : memref<!tpu.dma_semaphore, #tpu.memory_space<semaphore_mem>>)
      %dma_wait3A_510 = tpu.memref_slice %arg3[%mul3A_2] : memref<819200xi32, #tpu.memory_space<hbm>> -> memref<25600xi32, #tpu.memory_space<hbm>>
      %dma_wait3A_511 = tpu.memref_slice %arg3[%mul3A_2] : memref<819200xi32, #tpu.memory_space<hbm>> -> memref<25600xi32, #tpu.memory_space<hbm>>
      tpu.wait_dma2 semaphore(%run_scoped3A : memref<!tpu.dma_semaphore, #tpu.memory_space<semaphore_mem>>) src(%dma_wait3A_511 : memref<25600xi32, #tpu.memory_space<hbm>>) dst(%arg5 : memref<25600xi32, #tpu.memory_space<vmem>>)
      tpu.yield
    }) : () -> ()
    %iota3A = tpu.iota {dimensions = array<i32: 0>} : vector<16xi32>
    %add3A_3 = arith.constant 0 : i32
    %add3A_4 = vector.broadcast %add3A_3 : i32 to vector<16xi32>
    %add3A_5 = arith.addi %iota3A, %add3A_4 : vector<16xi32>
    %shift_right_arithmetic3A = arith.constant 3 : i32
    %shift_right_arithmetic3A_6 = vector.broadcast %shift_right_arithmetic3A : i32 to vector<16xi32>
    %shift_right_arithmetic3A_7 = arith.shrsi %add3A_5, %shift_right_arithmetic3A_6 : vector<16xi32>
    %add3A_8 = arith.constant 16 : i32
    %add3A_9 = vector.broadcast %add3A_8 : i32 to vector<16xi32>
    %add3A_10 = arith.addi %iota3A, %add3A_9 : vector<16xi32>
    %shift_right_arithmetic3A_11 = arith.constant 3 : i32
    %shift_right_arithmetic3A_12 = vector.broadcast %shift_right_arithmetic3A_11 : i32 to vector<16xi32>
    %shift_right_arithmetic3A_13 = arith.shrsi %add3A_10, %shift_right_arithmetic3A_12 : vector<16xi32>
    %add3A_14 = arith.constant 32 : i32
    %add3A_15 = vector.broadcast %add3A_14 : i32 to vector<16xi32>
    %add3A_16 = arith.addi %iota3A, %add3A_15 : vector<16xi32>
    %shift_right_arithmetic3A_17 = arith.constant 3 : i32
    %shift_right_arithmetic3A_18 = vector.broadcast %shift_right_arithmetic3A_17 : i32 to vector<16xi32>
    %shift_right_arithmetic3A_19 = arith.shrsi %add3A_16, %shift_right_arithmetic3A_18 : vector<16xi32>
    %add3A_20 = arith.constant 48 : i32
    %add3A_21 = vector.broadcast %add3A_20 : i32 to vector<16xi32>
    %add3A_22 = arith.addi %iota3A, %add3A_21 : vector<16xi32>
    %shift_right_arithmetic3A_23 = arith.constant 3 : i32
    %shift_right_arithmetic3A_24 = vector.broadcast %shift_right_arithmetic3A_23 : i32 to vector<16xi32>
    %shift_right_arithmetic3A_25 = arith.shrsi %add3A_22, %shift_right_arithmetic3A_24 : vector<16xi32>
    %add3A_26 = arith.constant 0 : i32
    %add3A_27 = vector.broadcast %add3A_26 : i32 to vector<16xi32>
    %add3A_28 = arith.addi %iota3A, %add3A_27 : vector<16xi32>
    %and3A = arith.constant 7 : i32
    %and3A_29 = vector.broadcast %and3A : i32 to vector<16xi32>
    %and3A_30 = arith.andi %add3A_28, %and3A_29 : vector<16xi32>
    %add3A_31 = arith.constant 16 : i32
    %add3A_32 = vector.broadcast %add3A_31 : i32 to vector<16xi32>
    %add3A_33 = arith.addi %iota3A, %add3A_32 : vector<16xi32>
    %and3A_34 = arith.constant 7 : i32
    %and3A_35 = vector.broadcast %and3A_34 : i32 to vector<16xi32>
    %and3A_36 = arith.andi %add3A_33, %and3A_35 : vector<16xi32>
    %add3A_37 = arith.constant 32 : i32
    %add3A_38 = vector.broadcast %add3A_37 : i32 to vector<16xi32>
    %add3A_39 = arith.addi %iota3A, %add3A_38 : vector<16xi32>
    %and3A_40 = arith.constant 7 : i32
    %and3A_41 = vector.broadcast %and3A_40 : i32 to vector<16xi32>
    %and3A_42 = arith.andi %add3A_39, %and3A_41 : vector<16xi32>
    %add3A_43 = arith.constant 48 : i32
    %add3A_44 = vector.broadcast %add3A_43 : i32 to vector<16xi32>
    %add3A_45 = arith.addi %iota3A, %add3A_44 : vector<16xi32>
    %and3A_46 = arith.constant 7 : i32
    %and3A_47 = vector.broadcast %and3A_46 : i32 to vector<16xi32>
    %and3A_48 = arith.andi %add3A_45, %and3A_47 : vector<16xi32>
    %multiple_of3A = arith.constant 0 : i32
    %multiple_of3A_49 = tpu.assume_multiple %multiple_of3A, 128 : i32
    %dma_start3A = arith.constant 0 : i32
    %dma_start3A_50 = arith.constant 0 : i32
    %dma_start3A_51 = arith.constant 0 : i32
    %dma_start3A_52 = tpu.memref_slice %arg6[%dma_start3A, %dma_start3A_50, %dma_start3A_51] : memref<2x128x64xf32, #tpu.memory_space<vmem>> -> memref<1x128x64xf32, #tpu.memory_space<vmem>>
    %dma_start3A_53 = tpu.memref_squeeze %dma_start3A_52 : memref<1x128x64xf32, #tpu.memory_space<vmem>> -> memref<128x64xf32, #tpu.memory_space<vmem>>
    %dma_start3A_54 = tpu.memref_slice %arg5[%multiple_of3A_49] : memref<25600xi32, #tpu.memory_space<vmem>> -> memref<128xi32, #tpu.memory_space<vmem>>
    %dma_start3A_55 = arith.constant 0 : i32
    %dma_start3A_56 = arith.constant 0 : i32
    %dma_start3A_57 = tpu.memref_slice %arg2[%dma_start3A_55, %dma_start3A_56] : memref<1000000x64xf32, #tpu.memory_space<hbm>> -> memref<1000000x64xf32, #tpu.memory_space<hbm>>
    tpu.enqueue_indirect_dma source(%dma_start3A_57 : memref<1000000x64xf32, #tpu.memory_space<hbm>>) target(%dma_start3A_53 : memref<128x64xf32, #tpu.memory_space<vmem>>) offsets(%dma_start3A_54 : memref<128xi32, #tpu.memory_space<vmem>>) semaphore(%arg8 : memref<!tpu.dma_semaphore, #tpu.memory_space<semaphore_mem>>)
    %multiple_of3A_58 = arith.constant 128 : i32
    %multiple_of3A_59 = tpu.assume_multiple %multiple_of3A_58, 128 : i32
    %dma_start3A_60 = arith.constant 1 : i32
    %dma_start3A_61 = arith.constant 0 : i32
    %dma_start3A_62 = arith.constant 0 : i32
    %dma_start3A_63 = tpu.memref_slice %arg6[%dma_start3A_60, %dma_start3A_61, %dma_start3A_62] : memref<2x128x64xf32, #tpu.memory_space<vmem>> -> memref<1x128x64xf32, #tpu.memory_space<vmem>>
    %dma_start3A_64 = tpu.memref_squeeze %dma_start3A_63 : memref<1x128x64xf32, #tpu.memory_space<vmem>> -> memref<128x64xf32, #tpu.memory_space<vmem>>
    %dma_start3A_65 = tpu.memref_slice %arg5[%multiple_of3A_59] : memref<25600xi32, #tpu.memory_space<vmem>> -> memref<128xi32, #tpu.memory_space<vmem>>
    %dma_start3A_66 = arith.constant 0 : i32
    %dma_start3A_67 = arith.constant 0 : i32
    %dma_start3A_68 = tpu.memref_slice %arg2[%dma_start3A_66, %dma_start3A_67] : memref<1000000x64xf32, #tpu.memory_space<hbm>> -> memref<1000000x64xf32, #tpu.memory_space<hbm>>
    tpu.enqueue_indirect_dma source(%dma_start3A_68 : memref<1000000x64xf32, #tpu.memory_space<hbm>>) target(%dma_start3A_64 : memref<128x64xf32, #tpu.memory_space<vmem>>) offsets(%dma_start3A_65 : memref<128xi32, #tpu.memory_space<vmem>>) semaphore(%arg9 : memref<!tpu.dma_semaphore, #tpu.memory_space<semaphore_mem>>)
    %dma_wait3A = arith.constant 0 : i32
    %dma_wait3A_69 = arith.constant 0 : i32
    %dma_wait3A_70 = arith.constant 0 : i32
    %dma_wait3A_71 = tpu.memref_slice %arg6[%dma_wait3A, %dma_wait3A_69, %dma_wait3A_70] : memref<2x128x64xf32, #tpu.memory_space<vmem>> -> memref<1x128x64xf32, #tpu.memory_space<vmem>>
    %dma_wait3A_72 = tpu.memref_squeeze %dma_wait3A_71 : memref<1x128x64xf32, #tpu.memory_space<vmem>> -> memref<128x64xf32, #tpu.memory_space<vmem>>
    %dma_wait3A_73 = arith.constant 0 : i32
    %dma_wait3A_74 = arith.constant 0 : i32
    %dma_wait3A_75 = tpu.memref_slice %arg2[%dma_wait3A_73, %dma_wait3A_74] : memref<1000000x64xf32, #tpu.memory_space<hbm>> -> memref<128x64xf32, #tpu.memory_space<hbm>>
    %dma_wait3A_76 = arith.constant 0 : i32
    %dma_wait3A_77 = arith.constant 0 : i32
    %dma_wait3A_78 = tpu.memref_slice %arg6[%dma_wait3A, %dma_wait3A_76, %dma_wait3A_77] : memref<2x128x64xf32, #tpu.memory_space<vmem>> -> memref<1x128x64xf32, #tpu.memory_space<vmem>>
    %dma_wait3A_79 = tpu.memref_squeeze %dma_wait3A_78 : memref<1x128x64xf32, #tpu.memory_space<vmem>> -> memref<128x64xf32, #tpu.memory_space<vmem>>
    %dma_wait3A_80 = arith.constant 0 : i32
    %dma_wait3A_81 = arith.constant 0 : i32
    %dma_wait3A_82 = tpu.memref_slice %arg2[%dma_wait3A_80, %dma_wait3A_81] : memref<1000000x64xf32, #tpu.memory_space<hbm>> -> memref<128x64xf32, #tpu.memory_space<hbm>>
    tpu.wait_dma2 semaphore(%arg8 : memref<!tpu.dma_semaphore, #tpu.memory_space<semaphore_mem>>) src(%dma_wait3A_82 : memref<128x64xf32, #tpu.memory_space<hbm>>) dst(%dma_wait3A_79 : memref<128x64xf32, #tpu.memory_space<vmem>>)
    %parallel_loop3A = arith.constant 0 : i32
    %parallel_loop3A_83 = arith.constant 128 : i32
    %parallel_loop3A_84 = arith.constant 1 : i32
    scf.for %parallel_loop3A_508 = %parallel_loop3A to %parallel_loop3A_83 step %parallel_loop3A_84  : i32 {
      %parallel_loop3A_509 = vector.broadcast %parallel_loop3A_508 : i32 to vector<16xi32>
      %parallel_loop3A_510 = arith.constant 0 : i32
      %parallel_loop3A_511 = arith.index_cast %parallel_loop3A_510 : i32 to index
      %parallel_loop3A_512 = arith.index_cast %parallel_loop3A_508 : i32 to index
      %parallel_loop3A_513 = arith.constant 0 : index
      %parallel_loop3A_514 = tpu.vector_load %arg6[%parallel_loop3A_511, %parallel_loop3A_512, %parallel_loop3A_513] {strides = array<i32>} : memref<2x128x64xf32, #tpu.memory_space<vmem>>, vector<16xf32>,
      %parallel_loop3A_515 = arith.constant 0 : i32
      %parallel_loop3A_516 = arith.constant 0 : i32
      %parallel_loop3A_517 = arith.constant 0 : i32
      %parallel_loop3A_518 = arith.constant 0 : i32
      %parallel_loop3A_519 = tpu.memref_slice %arg7[%parallel_loop3A_515, %parallel_loop3A_516, %parallel_loop3A_517, %parallel_loop3A_518] : memref<2x8x8x133xf32, #tpu.memory_space<vmem>> -> memref<1x8x8x133xf32, #tpu.memory_space<vmem>>
      %parallel_loop3A_520 = tpu.memref_squeeze %parallel_loop3A_519 : memref<1x8x8x133xf32, #tpu.memory_space<vmem>> -> memref<8x8x133xf32, #tpu.memory_space<vmem>>
      tpu.vector_store_idx %parallel_loop3A_520[%shift_right_arithmetic3A_7, %and3A_30, %parallel_loop3A_509], %parallel_loop3A_514 : memref<8x8x133xf32, #tpu.memory_space<vmem>>[vector<16xi32>, vector<16xi32>, vector<16xi32>], vector<16xf32>,
      %parallel_loop3A_521 = arith.constant 0 : i32
      %parallel_loop3A_522 = arith.index_cast %parallel_loop3A_521 : i32 to index
      %parallel_loop3A_523 = arith.index_cast %parallel_loop3A_508 : i32 to index
      %parallel_loop3A_524 = arith.constant 16 : index
      %parallel_loop3A_525 = tpu.vector_load %arg6[%parallel_loop3A_522, %parallel_loop3A_523, %parallel_loop3A_524] {strides = array<i32>} : memref<2x128x64xf32, #tpu.memory_space<vmem>>, vector<16xf32>,
      %parallel_loop3A_526 = arith.constant 0 : i32
      %parallel_loop3A_527 = arith.constant 0 : i32
      %parallel_loop3A_528 = arith.constant 0 : i32
      %parallel_loop3A_529 = arith.constant 0 : i32
      %parallel_loop3A_530 = tpu.memref_slice %arg7[%parallel_loop3A_526, %parallel_loop3A_527, %parallel_loop3A_528, %parallel_loop3A_529] : memref<2x8x8x133xf32, #tpu.memory_space<vmem>> -> memref<1x8x8x133xf32, #tpu.memory_space<vmem>>
      %parallel_loop3A_531 = tpu.memref_squeeze %parallel_loop3A_530 : memref<1x8x8x133xf32, #tpu.memory_space<vmem>> -> memref<8x8x133xf32, #tpu.memory_space<vmem>>
      tpu.vector_store_idx %parallel_loop3A_531[%shift_right_arithmetic3A_13, %and3A_36, %parallel_loop3A_509], %parallel_loop3A_525 : memref<8x8x133xf32, #tpu.memory_space<vmem>>[vector<16xi32>, vector<16xi32>, vector<16xi32>], vector<16xf32>,
      %parallel_loop3A_532 = arith.constant 0 : i32
      %parallel_loop3A_533 = arith.index_cast %parallel_loop3A_532 : i32 to index
      %parallel_loop3A_534 = arith.index_cast %parallel_loop3A_508 : i32 to index
      %parallel_loop3A_535 = arith.constant 32 : index
      %parallel_loop3A_536 = tpu.vector_load %arg6[%parallel_loop3A_533, %parallel_loop3A_534, %parallel_loop3A_535] {strides = array<i32>} : memref<2x128x64xf32, #tpu.memory_space<vmem>>, vector<16xf32>,
      %parallel_loop3A_537 = arith.constant 0 : i32
      %parallel_loop3A_538 = arith.constant 0 : i32
      %parallel_loop3A_539 = arith.constant 0 : i32
      %parallel_loop3A_540 = arith.constant 0 : i32
      %parallel_loop3A_541 = tpu.memref_slice %arg7[%parallel_loop3A_537, %parallel_loop3A_538, %parallel_loop3A_539, %parallel_loop3A_540] : memref<2x8x8x133xf32, #tpu.memory_space<vmem>> -> memref<1x8x8x133xf32, #tpu.memory_space<vmem>>
      %parallel_loop3A_542 = tpu.memref_squeeze %parallel_loop3A_541 : memref<1x8x8x133xf32, #tpu.memory_space<vmem>> -> memref<8x8x133xf32, #tpu.memory_space<vmem>>
      tpu.vector_store_idx %parallel_loop3A_542[%shift_right_arithmetic3A_19, %and3A_42, %parallel_loop3A_509], %parallel_loop3A_536 : memref<8x8x133xf32, #tpu.memory_space<vmem>>[vector<16xi32>, vector<16xi32>, vector<16xi32>], vector<16xf32>,
      %parallel_loop3A_543 = arith.constant 0 : i32
      %parallel_loop3A_544 = arith.index_cast %parallel_loop3A_543 : i32 to index
      %parallel_loop3A_545 = arith.index_cast %parallel_loop3A_508 : i32 to index
      %parallel_loop3A_546 = arith.constant 48 : index
      %parallel_loop3A_547 = tpu.vector_load %arg6[%parallel_loop3A_544, %parallel_loop3A_545, %parallel_loop3A_546] {strides = array<i32>} : memref<2x128x64xf32, #tpu.memory_space<vmem>>, vector<16xf32>,
      %parallel_loop3A_548 = arith.constant 0 : i32
      %parallel_loop3A_549 = arith.constant 0 : i32
      %parallel_loop3A_550 = arith.constant 0 : i32
      %parallel_loop3A_551 = arith.constant 0 : i32
      %parallel_loop3A_552 = tpu.memref_slice %arg7[%parallel_loop3A_548, %parallel_loop3A_549, %parallel_loop3A_550, %parallel_loop3A_551] : memref<2x8x8x133xf32, #tpu.memory_space<vmem>> -> memref<1x8x8x133xf32, #tpu.memory_space<vmem>>
      %parallel_loop3A_553 = tpu.memref_squeeze %parallel_loop3A_552 : memref<1x8x8x133xf32, #tpu.memory_space<vmem>> -> memref<8x8x133xf32, #tpu.memory_space<vmem>>
      tpu.vector_store_idx %parallel_loop3A_553[%shift_right_arithmetic3A_25, %and3A_48, %parallel_loop3A_509], %parallel_loop3A_547 : memref<8x8x133xf32, #tpu.memory_space<vmem>>[vector<16xi32>, vector<16xi32>, vector<16xi32>], vector<16xf32>,
    } {sc.loop_unroll_factor = 8 : i64, sc.parallel_access}
    %mul3A_85 = arith.constant 200 : i32
    %mul3A_86 = arith.muli %add3A, %mul3A_85 : i32
    %add3A_87 = arith.constant 0 : i32
    %add3A_88 = arith.addi %mul3A_86, %add3A_87 : i32
    %jit3A = arith.constant 32 : i32
    %div3A = arith.divsi %add3A_88, %jit3A : i32
    %sign3A = arith.constant 0 : i32
    %sign3A_89 = arith.cmpi sgt, %add3A_88, %sign3A : i32
    %sign3A_90 = arith.extui %sign3A_89 : i1 to i32
    %sign3A_91 = arith.constant 0 : i32
    %sign3A_92 = arith.cmpi slt, %add3A_88, %sign3A_91 : i32
    %sign3A_93 = arith.extui %sign3A_92 : i1 to i32
    %sign3A_94 = arith.subi %sign3A_90, %sign3A_93 : i32
    %sign3A_95 = arith.constant 0 : i32
    %sign3A_96 = arith.cmpi sgt, %jit3A, %sign3A_95 : i32
    %sign3A_97 = arith.extui %sign3A_96 : i1 to i32
    %sign3A_98 = arith.constant 0 : i32
    %sign3A_99 = arith.cmpi slt, %jit3A, %sign3A_98 : i32
    %sign3A_100 = arith.extui %sign3A_99 : i1 to i32
    %sign3A_101 = arith.subi %sign3A_97, %sign3A_100 : i32
    %ne3A = arith.cmpi ne, %sign3A_94, %sign3A_101 : i32
    %rem3A = arith.remsi %add3A_88, %jit3A : i32
    %ne3A_102 = arith.constant 0 : i32
    %ne3A_103 = arith.cmpi ne, %rem3A, %ne3A_102 : i32
    %and3A_104 = arith.andi %ne3A, %ne3A_103 : i1
    %sub3A = arith.constant 1 : i32
    %sub3A_105 = arith.subi %div3A, %sub3A : i32
    %select_n3A = arith.select %and3A_104, %sub3A_105, %div3A : i32
    %jit3A_106 = arith.constant 32 : i32
    %eq3A = arith.constant 0 : i32
    %eq3A_107 = arith.cmpi eq, %jit3A_106, %eq3A : i32
    %jit3A_108 = arith.constant 1 : i32
    %select_n3A_109 = arith.select %eq3A_107, %jit3A_108, %jit3A_106 : i32
    %rem3A_110 = arith.remsi %add3A_88, %select_n3A_109 : i32
    %ne3A_111 = arith.constant 0 : i32
    %ne3A_112 = arith.cmpi ne, %rem3A_110, %ne3A_111 : i32
    %lt3A = arith.constant 0 : i32
    %lt3A_113 = arith.cmpi slt, %rem3A_110, %lt3A : i32
    %lt3A_114 = arith.constant 0 : i32
    %lt3A_115 = arith.cmpi slt, %select_n3A_109, %lt3A_114 : i32
    %ne3A_116 = arith.xori %lt3A_113, %lt3A_115 : i1
    %and3A_117 = arith.andi %ne3A_116, %ne3A_112 : i1
    %add3A_118 = arith.addi %rem3A_110, %select_n3A_109 : i32
    %select_n3A_119 = arith.select %and3A_117, %add3A_118, %rem3A_110 : i32
    %dma_start3A_120 = arith.constant 0 : i32
    %dma_start3A_121 = arith.constant 0 : i32
    %dma_start3A_122 = arith.constant 0 : i32
    %dma_start3A_123 = arith.constant 0 : i32
    %dma_start3A_124 = tpu.memref_slice %arg7[%dma_start3A_120, %dma_start3A_121, %dma_start3A_122, %dma_start3A_123] : memref<2x8x8x133xf32, #tpu.memory_space<vmem>> -> memref<1x8x8x128xf32, #tpu.memory_space<vmem>>
    %dma_start3A_125 = tpu.memref_squeeze %dma_start3A_124 : memref<1x8x8x128xf32, #tpu.memory_space<vmem>> -> memref<8x8x128xf32, #tpu.memory_space<vmem>>
    %dma_start3A_126 = arith.constant 0 : i32
    %dma_start3A_127 = arith.constant 0 : i32
    %dma_start3A_128 = arith.constant 0 : i32
    %dma_start3A_129 = tpu.memref_slice %arg4[%select_n3A, %dma_start3A_126, %select_n3A_119, %dma_start3A_127, %dma_start3A_128] : memref<200x8x32x8x128xf32, #tpu.memory_space<hbm>> -> memref<1x8x1x8x128xf32, #tpu.memory_space<hbm>>
    %dma_start3A_130 = tpu.memref_squeeze %dma_start3A_129 : memref<1x8x1x8x128xf32, #tpu.memory_space<hbm>> -> memref<8x8x128xf32, #tpu.memory_space<hbm>>
    %dma_start3A_131 = arith.constant 0 : i32
    %dma_start3A_132 = arith.constant 0 : i32
    %dma_start3A_133 = arith.constant 0 : i32
    %dma_start3A_134 = tpu.memref_slice %arg4[%select_n3A, %dma_start3A_131, %select_n3A_119, %dma_start3A_132, %dma_start3A_133] : memref<200x8x32x8x128xf32, #tpu.memory_space<hbm>> -> memref<1x8x1x8x128xf32, #tpu.memory_space<hbm>>
    %dma_start3A_135 = tpu.memref_squeeze %dma_start3A_134 : memref<1x8x1x8x128xf32, #tpu.memory_space<hbm>> -> memref<8x8x128xf32, #tpu.memory_space<hbm>>
    %dma_start3A_136 = arith.constant 0 : i32
    %dma_start3A_137 = arith.constant 0 : i32
    %dma_start3A_138 = arith.constant 0 : i32
    %dma_start3A_139 = tpu.memref_slice %arg7[%dma_start3A_120, %dma_start3A_136, %dma_start3A_137, %dma_start3A_138] : memref<2x8x8x133xf32, #tpu.memory_space<vmem>> -> memref<1x8x8x128xf32, #tpu.memory_space<vmem>>
    %dma_start3A_140 = tpu.memref_squeeze %dma_start3A_139 : memref<1x8x8x128xf32, #tpu.memory_space<vmem>> -> memref<8x8x128xf32, #tpu.memory_space<vmem>>
    tpu.enqueue_dma source(%dma_start3A_140 : memref<8x8x128xf32, #tpu.memory_space<vmem>>) target(%dma_start3A_135 : memref<8x8x128xf32, #tpu.memory_space<hbm>>) target_semaphore(%arg10 : memref<!tpu.dma_semaphore, #tpu.memory_space<semaphore_mem>>)
    %multiple_of3A_141 = arith.constant 256 : i32
    %multiple_of3A_142 = tpu.assume_multiple %multiple_of3A_141, 128 : i32
    %dma_start3A_143 = arith.constant 0 : i32
    %dma_start3A_144 = arith.constant 0 : i32
    %dma_start3A_145 = arith.constant 0 : i32
    %dma_start3A_146 = tpu.memref_slice %arg6[%dma_start3A_143, %dma_start3A_144, %dma_start3A_145] : memref<2x128x64xf32, #tpu.memory_space<vmem>> -> memref<1x128x64xf32, #tpu.memory_space<vmem>>
    %dma_start3A_147 = tpu.memref_squeeze %dma_start3A_146 : memref<1x128x64xf32, #tpu.memory_space<vmem>> -> memref<128x64xf32, #tpu.memory_space<vmem>>
    %dma_start3A_148 = tpu.memref_slice %arg5[%multiple_of3A_142] : memref<25600xi32, #tpu.memory_space<vmem>> -> memref<128xi32, #tpu.memory_space<vmem>>
    %dma_start3A_149 = arith.constant 0 : i32
    %dma_start3A_150 = arith.constant 0 : i32
    %dma_start3A_151 = tpu.memref_slice %arg2[%dma_start3A_149, %dma_start3A_150] : memref<1000000x64xf32, #tpu.memory_space<hbm>> -> memref<1000000x64xf32, #tpu.memory_space<hbm>>
    tpu.enqueue_indirect_dma source(%dma_start3A_151 : memref<1000000x64xf32, #tpu.memory_space<hbm>>) target(%dma_start3A_147 : memref<128x64xf32, #tpu.memory_space<vmem>>) offsets(%dma_start3A_148 : memref<128xi32, #tpu.memory_space<vmem>>) semaphore(%arg8 : memref<!tpu.dma_semaphore, #tpu.memory_space<semaphore_mem>>)
    %dma_wait3A_152 = arith.constant 1 : i32
    %dma_wait3A_153 = arith.constant 0 : i32
    %dma_wait3A_154 = arith.constant 0 : i32
    %dma_wait3A_155 = tpu.memref_slice %arg6[%dma_wait3A_152, %dma_wait3A_153, %dma_wait3A_154] : memref<2x128x64xf32, #tpu.memory_space<vmem>> -> memref<1x128x64xf32, #tpu.memory_space<vmem>>
    %dma_wait3A_156 = tpu.memref_squeeze %dma_wait3A_155 : memref<1x128x64xf32, #tpu.memory_space<vmem>> -> memref<128x64xf32, #tpu.memory_space<vmem>>
    %dma_wait3A_157 = arith.constant 0 : i32
    %dma_wait3A_158 = arith.constant 0 : i32
    %dma_wait3A_159 = tpu.memref_slice %arg2[%dma_wait3A_157, %dma_wait3A_158] : memref<1000000x64xf32, #tpu.memory_space<hbm>> -> memref<128x64xf32, #tpu.memory_space<hbm>>
    %dma_wait3A_160 = arith.constant 0 : i32
    %dma_wait3A_161 = arith.constant 0 : i32
    %dma_wait3A_162 = tpu.memref_slice %arg6[%dma_wait3A_152, %dma_wait3A_160, %dma_wait3A_161] : memref<2x128x64xf32, #tpu.memory_space<vmem>> -> memref<1x128x64xf32, #tpu.memory_space<vmem>>
    %dma_wait3A_163 = tpu.memref_squeeze %dma_wait3A_162 : memref<1x128x64xf32, #tpu.memory_space<vmem>> -> memref<128x64xf32, #tpu.memory_space<vmem>>
    %dma_wait3A_164 = arith.constant 0 : i32
    %dma_wait3A_165 = arith.constant 0 : i32
    %dma_wait3A_166 = tpu.memref_slice %arg2[%dma_wait3A_164, %dma_wait3A_165] : memref<1000000x64xf32, #tpu.memory_space<hbm>> -> memref<128x64xf32, #tpu.memory_space<hbm>>
    tpu.wait_dma2 semaphore(%arg9 : memref<!tpu.dma_semaphore, #tpu.memory_space<semaphore_mem>>) src(%dma_wait3A_166 : memref<128x64xf32, #tpu.memory_space<hbm>>) dst(%dma_wait3A_163 : memref<128x64xf32, #tpu.memory_space<vmem>>)
    %parallel_loop3A_167 = arith.constant 0 : i32
    %parallel_loop3A_168 = arith.constant 128 : i32
    %parallel_loop3A_169 = arith.constant 1 : i32
    scf.for %parallel_loop3A_508 = %parallel_loop3A_167 to %parallel_loop3A_168 step %parallel_loop3A_169  : i32 {
      %parallel_loop3A_509 = vector.broadcast %parallel_loop3A_508 : i32 to vector<16xi32>
      %parallel_loop3A_510 = arith.constant 1 : i32
      %parallel_loop3A_511 = arith.index_cast %parallel_loop3A_510 : i32 to index
      %parallel_loop3A_512 = arith.index_cast %parallel_loop3A_508 : i32 to index
      %parallel_loop3A_513 = arith.constant 0 : index
      %parallel_loop3A_514 = tpu.vector_load %arg6[%parallel_loop3A_511, %parallel_loop3A_512, %parallel_loop3A_513] {strides = array<i32>} : memref<2x128x64xf32, #tpu.memory_space<vmem>>, vector<16xf32>,
      %parallel_loop3A_515 = arith.constant 1 : i32
      %parallel_loop3A_516 = arith.constant 0 : i32
      %parallel_loop3A_517 = arith.constant 0 : i32
      %parallel_loop3A_518 = arith.constant 0 : i32
      %parallel_loop3A_519 = tpu.memref_slice %arg7[%parallel_loop3A_515, %parallel_loop3A_516, %parallel_loop3A_517, %parallel_loop3A_518] : memref<2x8x8x133xf32, #tpu.memory_space<vmem>> -> memref<1x8x8x133xf32, #tpu.memory_space<vmem>>
      %parallel_loop3A_520 = tpu.memref_squeeze %parallel_loop3A_519 : memref<1x8x8x133xf32, #tpu.memory_space<vmem>> -> memref<8x8x133xf32, #tpu.memory_space<vmem>>
      tpu.vector_store_idx %parallel_loop3A_520[%shift_right_arithmetic3A_7, %and3A_30, %parallel_loop3A_509], %parallel_loop3A_514 : memref<8x8x133xf32, #tpu.memory_space<vmem>>[vector<16xi32>, vector<16xi32>, vector<16xi32>], vector<16xf32>,
      %parallel_loop3A_521 = arith.constant 1 : i32
      %parallel_loop3A_522 = arith.index_cast %parallel_loop3A_521 : i32 to index
      %parallel_loop3A_523 = arith.index_cast %parallel_loop3A_508 : i32 to index
      %parallel_loop3A_524 = arith.constant 16 : index
      %parallel_loop3A_525 = tpu.vector_load %arg6[%parallel_loop3A_522, %parallel_loop3A_523, %parallel_loop3A_524] {strides = array<i32>} : memref<2x128x64xf32, #tpu.memory_space<vmem>>, vector<16xf32>,
      %parallel_loop3A_526 = arith.constant 1 : i32
      %parallel_loop3A_527 = arith.constant 0 : i32
      %parallel_loop3A_528 = arith.constant 0 : i32
      %parallel_loop3A_529 = arith.constant 0 : i32
      %parallel_loop3A_530 = tpu.memref_slice %arg7[%parallel_loop3A_526, %parallel_loop3A_527, %parallel_loop3A_528, %parallel_loop3A_529] : memref<2x8x8x133xf32, #tpu.memory_space<vmem>> -> memref<1x8x8x133xf32, #tpu.memory_space<vmem>>
      %parallel_loop3A_531 = tpu.memref_squeeze %parallel_loop3A_530 : memref<1x8x8x133xf32, #tpu.memory_space<vmem>> -> memref<8x8x133xf32, #tpu.memory_space<vmem>>
      tpu.vector_store_idx %parallel_loop3A_531[%shift_right_arithmetic3A_13, %and3A_36, %parallel_loop3A_509], %parallel_loop3A_525 : memref<8x8x133xf32, #tpu.memory_space<vmem>>[vector<16xi32>, vector<16xi32>, vector<16xi32>], vector<16xf32>,
      %parallel_loop3A_532 = arith.constant 1 : i32
      %parallel_loop3A_533 = arith.index_cast %parallel_loop3A_532 : i32 to index
      %parallel_loop3A_534 = arith.index_cast %parallel_loop3A_508 : i32 to index
      %parallel_loop3A_535 = arith.constant 32 : index
      %parallel_loop3A_536 = tpu.vector_load %arg6[%parallel_loop3A_533, %parallel_loop3A_534, %parallel_loop3A_535] {strides = array<i32>} : memref<2x128x64xf32, #tpu.memory_space<vmem>>, vector<16xf32>,
      %parallel_loop3A_537 = arith.constant 1 : i32
      %parallel_loop3A_538 = arith.constant 0 : i32
      %parallel_loop3A_539 = arith.constant 0 : i32
      %parallel_loop3A_540 = arith.constant 0 : i32
      %parallel_loop3A_541 = tpu.memref_slice %arg7[%parallel_loop3A_537, %parallel_loop3A_538, %parallel_loop3A_539, %parallel_loop3A_540] : memref<2x8x8x133xf32, #tpu.memory_space<vmem>> -> memref<1x8x8x133xf32, #tpu.memory_space<vmem>>
      %parallel_loop3A_542 = tpu.memref_squeeze %parallel_loop3A_541 : memref<1x8x8x133xf32, #tpu.memory_space<vmem>> -> memref<8x8x133xf32, #tpu.memory_space<vmem>>
      tpu.vector_store_idx %parallel_loop3A_542[%shift_right_arithmetic3A_19, %and3A_42, %parallel_loop3A_509], %parallel_loop3A_536 : memref<8x8x133xf32, #tpu.memory_space<vmem>>[vector<16xi32>, vector<16xi32>, vector<16xi32>], vector<16xf32>,
      %parallel_loop3A_543 = arith.constant 1 : i32
      %parallel_loop3A_544 = arith.index_cast %parallel_loop3A_543 : i32 to index
      %parallel_loop3A_545 = arith.index_cast %parallel_loop3A_508 : i32 to index
      %parallel_loop3A_546 = arith.constant 48 : index
      %parallel_loop3A_547 = tpu.vector_load %arg6[%parallel_loop3A_544, %parallel_loop3A_545, %parallel_loop3A_546] {strides = array<i32>} : memref<2x128x64xf32, #tpu.memory_space<vmem>>, vector<16xf32>,
      %parallel_loop3A_548 = arith.constant 1 : i32
      %parallel_loop3A_549 = arith.constant 0 : i32
      %parallel_loop3A_550 = arith.constant 0 : i32
      %parallel_loop3A_551 = arith.constant 0 : i32
      %parallel_loop3A_552 = tpu.memref_slice %arg7[%parallel_loop3A_548, %parallel_loop3A_549, %parallel_loop3A_550, %parallel_loop3A_551] : memref<2x8x8x133xf32, #tpu.memory_space<vmem>> -> memref<1x8x8x133xf32, #tpu.memory_space<vmem>>
      %parallel_loop3A_553 = tpu.memref_squeeze %parallel_loop3A_552 : memref<1x8x8x133xf32, #tpu.memory_space<vmem>> -> memref<8x8x133xf32, #tpu.memory_space<vmem>>
      tpu.vector_store_idx %parallel_loop3A_553[%shift_right_arithmetic3A_25, %and3A_48, %parallel_loop3A_509], %parallel_loop3A_547 : memref<8x8x133xf32, #tpu.memory_space<vmem>>[vector<16xi32>, vector<16xi32>, vector<16xi32>], vector<16xf32>,
    } {sc.loop_unroll_factor = 8 : i64, sc.parallel_access}
    %mul3A_170 = arith.constant 200 : i32
    %mul3A_171 = arith.muli %add3A, %mul3A_170 : i32
    %add3A_172 = arith.constant 1 : i32
    %add3A_173 = arith.addi %mul3A_171, %add3A_172 : i32
    %jit3A_174 = arith.constant 32 : i32
    %div3A_175 = arith.divsi %add3A_173, %jit3A_174 : i32
    %sign3A_176 = arith.constant 0 : i32
    %sign3A_177 = arith.cmpi sgt, %add3A_173, %sign3A_176 : i32
    %sign3A_178 = arith.extui %sign3A_177 : i1 to i32
    %sign3A_179 = arith.constant 0 : i32
    %sign3A_180 = arith.cmpi slt, %add3A_173, %sign3A_179 : i32
    %sign3A_181 = arith.extui %sign3A_180 : i1 to i32
    %sign3A_182 = arith.subi %sign3A_178, %sign3A_181 : i32
    %sign3A_183 = arith.constant 0 : i32
    %sign3A_184 = arith.cmpi sgt, %jit3A_174, %sign3A_183 : i32
    %sign3A_185 = arith.extui %sign3A_184 : i1 to i32
    %sign3A_186 = arith.constant 0 : i32
    %sign3A_187 = arith.cmpi slt, %jit3A_174, %sign3A_186 : i32
    %sign3A_188 = arith.extui %sign3A_187 : i1 to i32
    %sign3A_189 = arith.subi %sign3A_185, %sign3A_188 : i32
    %ne3A_190 = arith.cmpi ne, %sign3A_182, %sign3A_189 : i32
    %rem3A_191 = arith.remsi %add3A_173, %jit3A_174 : i32
    %ne3A_192 = arith.constant 0 : i32
    %ne3A_193 = arith.cmpi ne, %rem3A_191, %ne3A_192 : i32
    %and3A_194 = arith.andi %ne3A_190, %ne3A_193 : i1
    %sub3A_195 = arith.constant 1 : i32
    %sub3A_196 = arith.subi %div3A_175, %sub3A_195 : i32
    %select_n3A_197 = arith.select %and3A_194, %sub3A_196, %div3A_175 : i32
    %jit3A_198 = arith.constant 32 : i32
    %eq3A_199 = arith.constant 0 : i32
    %eq3A_200 = arith.cmpi eq, %jit3A_198, %eq3A_199 : i32
    %jit3A_201 = arith.constant 1 : i32
    %select_n3A_202 = arith.select %eq3A_200, %jit3A_201, %jit3A_198 : i32
    %rem3A_203 = arith.remsi %add3A_173, %select_n3A_202 : i32
    %ne3A_204 = arith.constant 0 : i32
    %ne3A_205 = arith.cmpi ne, %rem3A_203, %ne3A_204 : i32
    %lt3A_206 = arith.constant 0 : i32
    %lt3A_207 = arith.cmpi slt, %rem3A_203, %lt3A_206 : i32
    %lt3A_208 = arith.constant 0 : i32
    %lt3A_209 = arith.cmpi slt, %select_n3A_202, %lt3A_208 : i32
    %ne3A_210 = arith.xori %lt3A_207, %lt3A_209 : i1
    %and3A_211 = arith.andi %ne3A_210, %ne3A_205 : i1
    %add3A_212 = arith.addi %rem3A_203, %select_n3A_202 : i32
    %select_n3A_213 = arith.select %and3A_211, %add3A_212, %rem3A_203 : i32
    %dma_start3A_214 = arith.constant 1 : i32
    %dma_start3A_215 = arith.constant 0 : i32
    %dma_start3A_216 = arith.constant 0 : i32
    %dma_start3A_217 = arith.constant 0 : i32
    %dma_start3A_218 = tpu.memref_slice %arg7[%dma_start3A_214, %dma_start3A_215, %dma_start3A_216, %dma_start3A_217] : memref<2x8x8x133xf32, #tpu.memory_space<vmem>> -> memref<1x8x8x128xf32, #tpu.memory_space<vmem>>
    %dma_start3A_219 = tpu.memref_squeeze %dma_start3A_218 : memref<1x8x8x128xf32, #tpu.memory_space<vmem>> -> memref<8x8x128xf32, #tpu.memory_space<vmem>>
    %dma_start3A_220 = arith.constant 0 : i32
    %dma_start3A_221 = arith.constant 0 : i32
    %dma_start3A_222 = arith.constant 0 : i32
    %dma_start3A_223 = tpu.memref_slice %arg4[%select_n3A_197, %dma_start3A_220, %select_n3A_213, %dma_start3A_221, %dma_start3A_222] : memref<200x8x32x8x128xf32, #tpu.memory_space<hbm>> -> memref<1x8x1x8x128xf32, #tpu.memory_space<hbm>>
    %dma_start3A_224 = tpu.memref_squeeze %dma_start3A_223 : memref<1x8x1x8x128xf32, #tpu.memory_space<hbm>> -> memref<8x8x128xf32, #tpu.memory_space<hbm>>
    %dma_start3A_225 = arith.constant 0 : i32
    %dma_start3A_226 = arith.constant 0 : i32
    %dma_start3A_227 = arith.constant 0 : i32
    %dma_start3A_228 = tpu.memref_slice %arg4[%select_n3A_197, %dma_start3A_225, %select_n3A_213, %dma_start3A_226, %dma_start3A_227] : memref<200x8x32x8x128xf32, #tpu.memory_space<hbm>> -> memref<1x8x1x8x128xf32, #tpu.memory_space<hbm>>
    %dma_start3A_229 = tpu.memref_squeeze %dma_start3A_228 : memref<1x8x1x8x128xf32, #tpu.memory_space<hbm>> -> memref<8x8x128xf32, #tpu.memory_space<hbm>>
    %dma_start3A_230 = arith.constant 0 : i32
    %dma_start3A_231 = arith.constant 0 : i32
    %dma_start3A_232 = arith.constant 0 : i32
    %dma_start3A_233 = tpu.memref_slice %arg7[%dma_start3A_214, %dma_start3A_230, %dma_start3A_231, %dma_start3A_232] : memref<2x8x8x133xf32, #tpu.memory_space<vmem>> -> memref<1x8x8x128xf32, #tpu.memory_space<vmem>>
    %dma_start3A_234 = tpu.memref_squeeze %dma_start3A_233 : memref<1x8x8x128xf32, #tpu.memory_space<vmem>> -> memref<8x8x128xf32, #tpu.memory_space<vmem>>
    tpu.enqueue_dma source(%dma_start3A_234 : memref<8x8x128xf32, #tpu.memory_space<vmem>>) target(%dma_start3A_229 : memref<8x8x128xf32, #tpu.memory_space<hbm>>) target_semaphore(%arg11 : memref<!tpu.dma_semaphore, #tpu.memory_space<semaphore_mem>>)
    %multiple_of3A_235 = arith.constant 384 : i32
    %multiple_of3A_236 = tpu.assume_multiple %multiple_of3A_235, 128 : i32
    %dma_start3A_237 = arith.constant 1 : i32
    %dma_start3A_238 = arith.constant 0 : i32
    %dma_start3A_239 = arith.constant 0 : i32
    %dma_start3A_240 = tpu.memref_slice %arg6[%dma_start3A_237, %dma_start3A_238, %dma_start3A_239] : memref<2x128x64xf32, #tpu.memory_space<vmem>> -> memref<1x128x64xf32, #tpu.memory_space<vmem>>
    %dma_start3A_241 = tpu.memref_squeeze %dma_start3A_240 : memref<1x128x64xf32, #tpu.memory_space<vmem>> -> memref<128x64xf32, #tpu.memory_space<vmem>>
    %dma_start3A_242 = tpu.memref_slice %arg5[%multiple_of3A_236] : memref<25600xi32, #tpu.memory_space<vmem>> -> memref<128xi32, #tpu.memory_space<vmem>>
    %dma_start3A_243 = arith.constant 0 : i32
    %dma_start3A_244 = arith.constant 0 : i32
    %dma_start3A_245 = tpu.memref_slice %arg2[%dma_start3A_243, %dma_start3A_244] : memref<1000000x64xf32, #tpu.memory_space<hbm>> -> memref<1000000x64xf32, #tpu.memory_space<hbm>>
    tpu.enqueue_indirect_dma source(%dma_start3A_245 : memref<1000000x64xf32, #tpu.memory_space<hbm>>) target(%dma_start3A_241 : memref<128x64xf32, #tpu.memory_space<vmem>>) offsets(%dma_start3A_242 : memref<128xi32, #tpu.memory_space<vmem>>) semaphore(%arg9 : memref<!tpu.dma_semaphore, #tpu.memory_space<semaphore_mem>>)
    %scan3A = arith.constant 0 : i32
    %scan3A_246 = arith.constant 98 : i32
    %scan3A_247 = arith.addi %scan3A, %scan3A_246 : i32
    %scan3A_248 = arith.constant 1 : i32
    scf.for %scan3A_508 = %scan3A to %scan3A_247 step %scan3A_248  : i32 {
      %mul3A_509 = arith.constant 2 : i32
      %mul3A_510 = arith.muli %scan3A_508, %mul3A_509 : i32
      %add3A_511 = arith.constant 2 : i32
      %add3A_512 = arith.addi %add3A_511, %mul3A_510 : i32
      %dma_wait3A_513 = arith.constant 0 : i32
      %dma_wait3A_514 = arith.constant 0 : i32
      %dma_wait3A_515 = arith.constant 0 : i32
      %dma_wait3A_516 = tpu.memref_slice %arg6[%dma_wait3A_513, %dma_wait3A_514, %dma_wait3A_515] : memref<2x128x64xf32, #tpu.memory_space<vmem>> -> memref<1x128x64xf32, #tpu.memory_space<vmem>>
      %dma_wait3A_517 = tpu.memref_squeeze %dma_wait3A_516 : memref<1x128x64xf32, #tpu.memory_space<vmem>> -> memref<128x64xf32, #tpu.memory_space<vmem>>
      %dma_wait3A_518 = arith.constant 0 : i32
      %dma_wait3A_519 = arith.constant 0 : i32
      %dma_wait3A_520 = tpu.memref_slice %arg2[%dma_wait3A_518, %dma_wait3A_519] : memref<1000000x64xf32, #tpu.memory_space<hbm>> -> memref<128x64xf32, #tpu.memory_space<hbm>>
      %dma_wait3A_521 = arith.constant 0 : i32
      %dma_wait3A_522 = arith.constant 0 : i32
      %dma_wait3A_523 = tpu.memref_slice %arg6[%dma_wait3A_513, %dma_wait3A_521, %dma_wait3A_522] : memref<2x128x64xf32, #tpu.memory_space<vmem>> -> memref<1x128x64xf32, #tpu.memory_space<vmem>>
      %dma_wait3A_524 = tpu.memref_squeeze %dma_wait3A_523 : memref<1x128x64xf32, #tpu.memory_space<vmem>> -> memref<128x64xf32, #tpu.memory_space<vmem>>
      %dma_wait3A_525 = arith.constant 0 : i32
      %dma_wait3A_526 = arith.constant 0 : i32
      %dma_wait3A_527 = tpu.memref_slice %arg2[%dma_wait3A_525, %dma_wait3A_526] : memref<1000000x64xf32, #tpu.memory_space<hbm>> -> memref<128x64xf32, #tpu.memory_space<hbm>>
      tpu.wait_dma2 semaphore(%arg8 : memref<!tpu.dma_semaphore, #tpu.memory_space<semaphore_mem>>) src(%dma_wait3A_527 : memref<128x64xf32, #tpu.memory_space<hbm>>) dst(%dma_wait3A_524 : memref<128x64xf32, #tpu.memory_space<vmem>>)
      %dma_wait3A_528 = arith.constant 0 : i32
      %dma_wait3A_529 = arith.constant 0 : i32
      %dma_wait3A_530 = arith.constant 0 : i32
      %dma_wait3A_531 = arith.constant 0 : i32
      %dma_wait3A_532 = arith.constant 0 : i32
      %dma_wait3A_533 = arith.constant 0 : i32
      %dma_wait3A_534 = tpu.memref_slice %arg7[%dma_wait3A_528, %dma_wait3A_531, %dma_wait3A_532, %dma_wait3A_533] : memref<2x8x8x133xf32, #tpu.memory_space<vmem>> -> memref<1x8x8x128xf32, #tpu.memory_space<vmem>>
      %dma_wait3A_535 = tpu.memref_squeeze %dma_wait3A_534 : memref<1x8x8x128xf32, #tpu.memory_space<vmem>> -> memref<8x8x128xf32, #tpu.memory_space<vmem>>
      %dma_wait3A_536 = arith.constant 0 : i32
      %dma_wait3A_537 = arith.constant 0 : i32
      %dma_wait3A_538 = arith.constant 0 : i32
      %dma_wait3A_539 = tpu.memref_slice %arg4[%dma_wait3A_529, %dma_wait3A_536, %dma_wait3A_530, %dma_wait3A_537, %dma_wait3A_538] : memref<200x8x32x8x128xf32, #tpu.memory_space<hbm>> -> memref<1x8x1x8x128xf32, #tpu.memory_space<hbm>>
      %dma_wait3A_540 = tpu.memref_squeeze %dma_wait3A_539 : memref<1x8x1x8x128xf32, #tpu.memory_space<hbm>> -> memref<8x8x128xf32, #tpu.memory_space<hbm>>
      %dma_wait3A_541 = arith.constant 0 : i32
      %dma_wait3A_542 = arith.constant 0 : i32
      %dma_wait3A_543 = arith.constant 0 : i32
      %dma_wait3A_544 = tpu.memref_slice %arg4[%dma_wait3A_529, %dma_wait3A_541, %dma_wait3A_530, %dma_wait3A_542, %dma_wait3A_543] : memref<200x8x32x8x128xf32, #tpu.memory_space<hbm>> -> memref<1x8x1x8x128xf32, #tpu.memory_space<hbm>>
      %dma_wait3A_545 = tpu.memref_squeeze %dma_wait3A_544 : memref<1x8x1x8x128xf32, #tpu.memory_space<hbm>> -> memref<8x8x128xf32, #tpu.memory_space<hbm>>
      %dma_wait3A_546 = arith.constant 0 : i32
      %dma_wait3A_547 = arith.constant 0 : i32
      %dma_wait3A_548 = arith.constant 0 : i32
      %dma_wait3A_549 = tpu.memref_slice %arg7[%dma_wait3A_528, %dma_wait3A_546, %dma_wait3A_547, %dma_wait3A_548] : memref<2x8x8x133xf32, #tpu.memory_space<vmem>> -> memref<1x8x8x128xf32, #tpu.memory_space<vmem>>
      %dma_wait3A_550 = tpu.memref_squeeze %dma_wait3A_549 : memref<1x8x8x128xf32, #tpu.memory_space<vmem>> -> memref<8x8x128xf32, #tpu.memory_space<vmem>>
      tpu.wait_dma2 semaphore(%arg10 : memref<!tpu.dma_semaphore, #tpu.memory_space<semaphore_mem>>) src(%dma_wait3A_550 : memref<8x8x128xf32, #tpu.memory_space<vmem>>) dst(%dma_wait3A_545 : memref<8x8x128xf32, #tpu.memory_space<hbm>>)
      %parallel_loop3A_551 = arith.constant 0 : i32
      %parallel_loop3A_552 = arith.constant 128 : i32
      %parallel_loop3A_553 = arith.constant 1 : i32
      scf.for %parallel_loop3A_753 = %parallel_loop3A_551 to %parallel_loop3A_552 step %parallel_loop3A_553  : i32 {
        %parallel_loop3A_754 = vector.broadcast %parallel_loop3A_753 : i32 to vector<16xi32>
        %parallel_loop3A_755 = arith.constant 0 : i32
        %parallel_loop3A_756 = arith.index_cast %parallel_loop3A_755 : i32 to index
        %parallel_loop3A_757 = arith.index_cast %parallel_loop3A_753 : i32 to index
        %parallel_loop3A_758 = arith.constant 0 : index
        %parallel_loop3A_759 = tpu.vector_load %arg6[%parallel_loop3A_756, %parallel_loop3A_757, %parallel_loop3A_758] {strides = array<i32>} : memref<2x128x64xf32, #tpu.memory_space<vmem>>, vector<16xf32>,
        %parallel_loop3A_760 = arith.constant 0 : i32
        %parallel_loop3A_761 = arith.constant 0 : i32
        %parallel_loop3A_762 = arith.constant 0 : i32
        %parallel_loop3A_763 = arith.constant 0 : i32
        %parallel_loop3A_764 = tpu.memref_slice %arg7[%parallel_loop3A_760, %parallel_loop3A_761, %parallel_loop3A_762, %parallel_loop3A_763] : memref<2x8x8x133xf32, #tpu.memory_space<vmem>> -> memref<1x8x8x133xf32, #tpu.memory_space<vmem>>
        %parallel_loop3A_765 = tpu.memref_squeeze %parallel_loop3A_764 : memref<1x8x8x133xf32, #tpu.memory_space<vmem>> -> memref<8x8x133xf32, #tpu.memory_space<vmem>>
        tpu.vector_store_idx %parallel_loop3A_765[%shift_right_arithmetic3A_7, %and3A_30, %parallel_loop3A_754], %parallel_loop3A_759 : memref<8x8x133xf32, #tpu.memory_space<vmem>>[vector<16xi32>, vector<16xi32>, vector<16xi32>], vector<16xf32>,
        %parallel_loop3A_766 = arith.constant 0 : i32
        %parallel_loop3A_767 = arith.index_cast %parallel_loop3A_766 : i32 to index
        %parallel_loop3A_768 = arith.index_cast %parallel_loop3A_753 : i32 to index
        %parallel_loop3A_769 = arith.constant 16 : index
        %parallel_loop3A_770 = tpu.vector_load %arg6[%parallel_loop3A_767, %parallel_loop3A_768, %parallel_loop3A_769] {strides = array<i32>} : memref<2x128x64xf32, #tpu.memory_space<vmem>>, vector<16xf32>,
        %parallel_loop3A_771 = arith.constant 0 : i32
        %parallel_loop3A_772 = arith.constant 0 : i32
        %parallel_loop3A_773 = arith.constant 0 : i32
        %parallel_loop3A_774 = arith.constant 0 : i32
        %parallel_loop3A_775 = tpu.memref_slice %arg7[%parallel_loop3A_771, %parallel_loop3A_772, %parallel_loop3A_773, %parallel_loop3A_774] : memref<2x8x8x133xf32, #tpu.memory_space<vmem>> -> memref<1x8x8x133xf32, #tpu.memory_space<vmem>>
        %parallel_loop3A_776 = tpu.memref_squeeze %parallel_loop3A_775 : memref<1x8x8x133xf32, #tpu.memory_space<vmem>> -> memref<8x8x133xf32, #tpu.memory_space<vmem>>
        tpu.vector_store_idx %parallel_loop3A_776[%shift_right_arithmetic3A_13, %and3A_36, %parallel_loop3A_754], %parallel_loop3A_770 : memref<8x8x133xf32, #tpu.memory_space<vmem>>[vector<16xi32>, vector<16xi32>, vector<16xi32>], vector<16xf32>,
        %parallel_loop3A_777 = arith.constant 0 : i32
        %parallel_loop3A_778 = arith.index_cast %parallel_loop3A_777 : i32 to index
        %parallel_loop3A_779 = arith.index_cast %parallel_loop3A_753 : i32 to index
        %parallel_loop3A_780 = arith.constant 32 : index
        %parallel_loop3A_781 = tpu.vector_load %arg6[%parallel_loop3A_778, %parallel_loop3A_779, %parallel_loop3A_780] {strides = array<i32>} : memref<2x128x64xf32, #tpu.memory_space<vmem>>, vector<16xf32>,
        %parallel_loop3A_782 = arith.constant 0 : i32
        %parallel_loop3A_783 = arith.constant 0 : i32
        %parallel_loop3A_784 = arith.constant 0 : i32
        %parallel_loop3A_785 = arith.constant 0 : i32
        %parallel_loop3A_786 = tpu.memref_slice %arg7[%parallel_loop3A_782, %parallel_loop3A_783, %parallel_loop3A_784, %parallel_loop3A_785] : memref<2x8x8x133xf32, #tpu.memory_space<vmem>> -> memref<1x8x8x133xf32, #tpu.memory_space<vmem>>
        %parallel_loop3A_787 = tpu.memref_squeeze %parallel_loop3A_786 : memref<1x8x8x133xf32, #tpu.memory_space<vmem>> -> memref<8x8x133xf32, #tpu.memory_space<vmem>>
        tpu.vector_store_idx %parallel_loop3A_787[%shift_right_arithmetic3A_19, %and3A_42, %parallel_loop3A_754], %parallel_loop3A_781 : memref<8x8x133xf32, #tpu.memory_space<vmem>>[vector<16xi32>, vector<16xi32>, vector<16xi32>], vector<16xf32>,
        %parallel_loop3A_788 = arith.constant 0 : i32
        %parallel_loop3A_789 = arith.index_cast %parallel_loop3A_788 : i32 to index
        %parallel_loop3A_790 = arith.index_cast %parallel_loop3A_753 : i32 to index
        %parallel_loop3A_791 = arith.constant 48 : index
        %parallel_loop3A_792 = tpu.vector_load %arg6[%parallel_loop3A_789, %parallel_loop3A_790, %parallel_loop3A_791] {strides = array<i32>} : memref<2x128x64xf32, #tpu.memory_space<vmem>>, vector<16xf32>,
        %parallel_loop3A_793 = arith.constant 0 : i32
        %parallel_loop3A_794 = arith.constant 0 : i32
        %parallel_loop3A_795 = arith.constant 0 : i32
        %parallel_loop3A_796 = arith.constant 0 : i32
        %parallel_loop3A_797 = tpu.memref_slice %arg7[%parallel_loop3A_793, %parallel_loop3A_794, %parallel_loop3A_795, %parallel_loop3A_796] : memref<2x8x8x133xf32, #tpu.memory_space<vmem>> -> memref<1x8x8x133xf32, #tpu.memory_space<vmem>>
        %parallel_loop3A_798 = tpu.memref_squeeze %parallel_loop3A_797 : memref<1x8x8x133xf32, #tpu.memory_space<vmem>> -> memref<8x8x133xf32, #tpu.memory_space<vmem>>
        tpu.vector_store_idx %parallel_loop3A_798[%shift_right_arithmetic3A_25, %and3A_48, %parallel_loop3A_754], %parallel_loop3A_792 : memref<8x8x133xf32, #tpu.memory_space<vmem>>[vector<16xi32>, vector<16xi32>, vector<16xi32>], vector<16xf32>,
      } {sc.loop_unroll_factor = 8 : i64, sc.parallel_access}
      %mul3A_554 = arith.constant 200 : i32
      %mul3A_555 = arith.muli %add3A, %mul3A_554 : i32
      %add3A_556 = arith.addi %mul3A_555, %add3A_512 : i32
      %jit3A_557 = arith.constant 32 : i32
      %div3A_558 = arith.divsi %add3A_556, %jit3A_557 : i32
      %sign3A_559 = arith.constant 0 : i32
      %sign3A_560 = arith.cmpi sgt, %add3A_556, %sign3A_559 : i32
      %sign3A_561 = arith.extui %sign3A_560 : i1 to i32
      %sign3A_562 = arith.constant 0 : i32
      %sign3A_563 = arith.cmpi slt, %add3A_556, %sign3A_562 : i32
      %sign3A_564 = arith.extui %sign3A_563 : i1 to i32
      %sign3A_565 = arith.subi %sign3A_561, %sign3A_564 : i32
      %sign3A_566 = arith.constant 0 : i32
      %sign3A_567 = arith.cmpi sgt, %jit3A_557, %sign3A_566 : i32
      %sign3A_568 = arith.extui %sign3A_567 : i1 to i32
      %sign3A_569 = arith.constant 0 : i32
      %sign3A_570 = arith.cmpi slt, %jit3A_557, %sign3A_569 : i32
      %sign3A_571 = arith.extui %sign3A_570 : i1 to i32
      %sign3A_572 = arith.subi %sign3A_568, %sign3A_571 : i32
      %ne3A_573 = arith.cmpi ne, %sign3A_565, %sign3A_572 : i32
      %rem3A_574 = arith.remsi %add3A_556, %jit3A_557 : i32
      %ne3A_575 = arith.constant 0 : i32
      %ne3A_576 = arith.cmpi ne, %rem3A_574, %ne3A_575 : i32
      %and3A_577 = arith.andi %ne3A_573, %ne3A_576 : i1
      %sub3A_578 = arith.constant 1 : i32
      %sub3A_579 = arith.subi %div3A_558, %sub3A_578 : i32
      %select_n3A_580 = arith.select %and3A_577, %sub3A_579, %div3A_558 : i32
      %jit3A_581 = arith.constant 32 : i32
      %eq3A_582 = arith.constant 0 : i32
      %eq3A_583 = arith.cmpi eq, %jit3A_581, %eq3A_582 : i32
      %jit3A_584 = arith.constant 1 : i32
      %select_n3A_585 = arith.select %eq3A_583, %jit3A_584, %jit3A_581 : i32
      %rem3A_586 = arith.remsi %add3A_556, %select_n3A_585 : i32
      %ne3A_587 = arith.constant 0 : i32
      %ne3A_588 = arith.cmpi ne, %rem3A_586, %ne3A_587 : i32
      %lt3A_589 = arith.constant 0 : i32
      %lt3A_590 = arith.cmpi slt, %rem3A_586, %lt3A_589 : i32
      %lt3A_591 = arith.constant 0 : i32
      %lt3A_592 = arith.cmpi slt, %select_n3A_585, %lt3A_591 : i32
      %ne3A_593 = arith.xori %lt3A_590, %lt3A_592 : i1
      %and3A_594 = arith.andi %ne3A_593, %ne3A_588 : i1
      %add3A_595 = arith.addi %rem3A_586, %select_n3A_585 : i32
      %select_n3A_596 = arith.select %and3A_594, %add3A_595, %rem3A_586 : i32
      %dma_start3A_597 = arith.constant 0 : i32
      %dma_start3A_598 = arith.constant 0 : i32
      %dma_start3A_599 = arith.constant 0 : i32
      %dma_start3A_600 = arith.constant 0 : i32
      %dma_start3A_601 = tpu.memref_slice %arg7[%dma_start3A_597, %dma_start3A_598, %dma_start3A_599, %dma_start3A_600] : memref<2x8x8x133xf32, #tpu.memory_space<vmem>> -> memref<1x8x8x128xf32, #tpu.memory_space<vmem>>
      %dma_start3A_602 = tpu.memref_squeeze %dma_start3A_601 : memref<1x8x8x128xf32, #tpu.memory_space<vmem>> -> memref<8x8x128xf32, #tpu.memory_space<vmem>>
      %dma_start3A_603 = arith.constant 0 : i32
      %dma_start3A_604 = arith.constant 0 : i32
      %dma_start3A_605 = arith.constant 0 : i32
      %dma_start3A_606 = tpu.memref_slice %arg4[%select_n3A_580, %dma_start3A_603, %select_n3A_596, %dma_start3A_604, %dma_start3A_605] : memref<200x8x32x8x128xf32, #tpu.memory_space<hbm>> -> memref<1x8x1x8x128xf32, #tpu.memory_space<hbm>>
      %dma_start3A_607 = tpu.memref_squeeze %dma_start3A_606 : memref<1x8x1x8x128xf32, #tpu.memory_space<hbm>> -> memref<8x8x128xf32, #tpu.memory_space<hbm>>
      %dma_start3A_608 = arith.constant 0 : i32
      %dma_start3A_609 = arith.constant 0 : i32
      %dma_start3A_610 = arith.constant 0 : i32
      %dma_start3A_611 = tpu.memref_slice %arg4[%select_n3A_580, %dma_start3A_608, %select_n3A_596, %dma_start3A_609, %dma_start3A_610] : memref<200x8x32x8x128xf32, #tpu.memory_space<hbm>> -> memref<1x8x1x8x128xf32, #tpu.memory_space<hbm>>
      %dma_start3A_612 = tpu.memref_squeeze %dma_start3A_611 : memref<1x8x1x8x128xf32, #tpu.memory_space<hbm>> -> memref<8x8x128xf32, #tpu.memory_space<hbm>>
      %dma_start3A_613 = arith.constant 0 : i32
      %dma_start3A_614 = arith.constant 0 : i32
      %dma_start3A_615 = arith.constant 0 : i32
      %dma_start3A_616 = tpu.memref_slice %arg7[%dma_start3A_597, %dma_start3A_613, %dma_start3A_614, %dma_start3A_615] : memref<2x8x8x133xf32, #tpu.memory_space<vmem>> -> memref<1x8x8x128xf32, #tpu.memory_space<vmem>>
      %dma_start3A_617 = tpu.memref_squeeze %dma_start3A_616 : memref<1x8x8x128xf32, #tpu.memory_space<vmem>> -> memref<8x8x128xf32, #tpu.memory_space<vmem>>
      tpu.enqueue_dma source(%dma_start3A_617 : memref<8x8x128xf32, #tpu.memory_space<vmem>>) target(%dma_start3A_612 : memref<8x8x128xf32, #tpu.memory_space<hbm>>) target_semaphore(%arg10 : memref<!tpu.dma_semaphore, #tpu.memory_space<semaphore_mem>>)
      %add3A_618 = arith.constant 2 : i32
      %add3A_619 = arith.addi %add3A_512, %add3A_618 : i32
      %mul3A_620 = arith.constant 128 : i32
      %mul3A_621 = arith.muli %add3A_619, %mul3A_620 : i32
      %multiple_of3A_622 = tpu.assume_multiple %mul3A_621, 128 : i32
      %dma_start3A_623 = arith.constant 0 : i32
      %dma_start3A_624 = arith.constant 0 : i32
      %dma_start3A_625 = arith.constant 0 : i32
      %dma_start3A_626 = tpu.memref_slice %arg6[%dma_start3A_623, %dma_start3A_624, %dma_start3A_625] : memref<2x128x64xf32, #tpu.memory_space<vmem>> -> memref<1x128x64xf32, #tpu.memory_space<vmem>>
      %dma_start3A_627 = tpu.memref_squeeze %dma_start3A_626 : memref<1x128x64xf32, #tpu.memory_space<vmem>> -> memref<128x64xf32, #tpu.memory_space<vmem>>
      %dma_start3A_628 = tpu.memref_slice %arg5[%multiple_of3A_622] : memref<25600xi32, #tpu.memory_space<vmem>> -> memref<128xi32, #tpu.memory_space<vmem>>
      %dma_start3A_629 = arith.constant 0 : i32
      %dma_start3A_630 = arith.constant 0 : i32
      %dma_start3A_631 = tpu.memref_slice %arg2[%dma_start3A_629, %dma_start3A_630] : memref<1000000x64xf32, #tpu.memory_space<hbm>> -> memref<1000000x64xf32, #tpu.memory_space<hbm>>
      tpu.enqueue_indirect_dma source(%dma_start3A_631 : memref<1000000x64xf32, #tpu.memory_space<hbm>>) target(%dma_start3A_627 : memref<128x64xf32, #tpu.memory_space<vmem>>) offsets(%dma_start3A_628 : memref<128xi32, #tpu.memory_space<vmem>>) semaphore(%arg8 : memref<!tpu.dma_semaphore, #tpu.memory_space<semaphore_mem>>)
      %dma_wait3A_632 = arith.constant 1 : i32
      %dma_wait3A_633 = arith.constant 0 : i32
      %dma_wait3A_634 = arith.constant 0 : i32
      %dma_wait3A_635 = tpu.memref_slice %arg6[%dma_wait3A_632, %dma_wait3A_633, %dma_wait3A_634] : memref<2x128x64xf32, #tpu.memory_space<vmem>> -> memref<1x128x64xf32, #tpu.memory_space<vmem>>
      %dma_wait3A_636 = tpu.memref_squeeze %dma_wait3A_635 : memref<1x128x64xf32, #tpu.memory_space<vmem>> -> memref<128x64xf32, #tpu.memory_space<vmem>>
      %dma_wait3A_637 = arith.constant 0 : i32
      %dma_wait3A_638 = arith.constant 0 : i32
      %dma_wait3A_639 = tpu.memref_slice %arg2[%dma_wait3A_637, %dma_wait3A_638] : memref<1000000x64xf32, #tpu.memory_space<hbm>> -> memref<128x64xf32, #tpu.memory_space<hbm>>
      %dma_wait3A_640 = arith.constant 0 : i32
      %dma_wait3A_641 = arith.constant 0 : i32
      %dma_wait3A_642 = tpu.memref_slice %arg6[%dma_wait3A_632, %dma_wait3A_640, %dma_wait3A_641] : memref<2x128x64xf32, #tpu.memory_space<vmem>> -> memref<1x128x64xf32, #tpu.memory_space<vmem>>
      %dma_wait3A_643 = tpu.memref_squeeze %dma_wait3A_642 : memref<1x128x64xf32, #tpu.memory_space<vmem>> -> memref<128x64xf32, #tpu.memory_space<vmem>>
      %dma_wait3A_644 = arith.constant 0 : i32
      %dma_wait3A_645 = arith.constant 0 : i32
      %dma_wait3A_646 = tpu.memref_slice %arg2[%dma_wait3A_644, %dma_wait3A_645] : memref<1000000x64xf32, #tpu.memory_space<hbm>> -> memref<128x64xf32, #tpu.memory_space<hbm>>
      tpu.wait_dma2 semaphore(%arg9 : memref<!tpu.dma_semaphore, #tpu.memory_space<semaphore_mem>>) src(%dma_wait3A_646 : memref<128x64xf32, #tpu.memory_space<hbm>>) dst(%dma_wait3A_643 : memref<128x64xf32, #tpu.memory_space<vmem>>)
      %dma_wait3A_647 = arith.constant 1 : i32
      %dma_wait3A_648 = arith.constant 0 : i32
      %dma_wait3A_649 = arith.constant 0 : i32
      %dma_wait3A_650 = arith.constant 0 : i32
      %dma_wait3A_651 = arith.constant 0 : i32
      %dma_wait3A_652 = arith.constant 0 : i32
      %dma_wait3A_653 = tpu.memref_slice %arg7[%dma_wait3A_647, %dma_wait3A_650, %dma_wait3A_651, %dma_wait3A_652] : memref<2x8x8x133xf32, #tpu.memory_space<vmem>> -> memref<1x8x8x128xf32, #tpu.memory_space<vmem>>
      %dma_wait3A_654 = tpu.memref_squeeze %dma_wait3A_653 : memref<1x8x8x128xf32, #tpu.memory_space<vmem>> -> memref<8x8x128xf32, #tpu.memory_space<vmem>>
      %dma_wait3A_655 = arith.constant 0 : i32
      %dma_wait3A_656 = arith.constant 0 : i32
      %dma_wait3A_657 = arith.constant 0 : i32
      %dma_wait3A_658 = tpu.memref_slice %arg4[%dma_wait3A_648, %dma_wait3A_655, %dma_wait3A_649, %dma_wait3A_656, %dma_wait3A_657] : memref<200x8x32x8x128xf32, #tpu.memory_space<hbm>> -> memref<1x8x1x8x128xf32, #tpu.memory_space<hbm>>
      %dma_wait3A_659 = tpu.memref_squeeze %dma_wait3A_658 : memref<1x8x1x8x128xf32, #tpu.memory_space<hbm>> -> memref<8x8x128xf32, #tpu.memory_space<hbm>>
      %dma_wait3A_660 = arith.constant 0 : i32
      %dma_wait3A_661 = arith.constant 0 : i32
      %dma_wait3A_662 = arith.constant 0 : i32
      %dma_wait3A_663 = tpu.memref_slice %arg4[%dma_wait3A_648, %dma_wait3A_660, %dma_wait3A_649, %dma_wait3A_661, %dma_wait3A_662] : memref<200x8x32x8x128xf32, #tpu.memory_space<hbm>> -> memref<1x8x1x8x128xf32, #tpu.memory_space<hbm>>
      %dma_wait3A_664 = tpu.memref_squeeze %dma_wait3A_663 : memref<1x8x1x8x128xf32, #tpu.memory_space<hbm>> -> memref<8x8x128xf32, #tpu.memory_space<hbm>>
      %dma_wait3A_665 = arith.constant 0 : i32
      %dma_wait3A_666 = arith.constant 0 : i32
      %dma_wait3A_667 = arith.constant 0 : i32
      %dma_wait3A_668 = tpu.memref_slice %arg7[%dma_wait3A_647, %dma_wait3A_665, %dma_wait3A_666, %dma_wait3A_667] : memref<2x8x8x133xf32, #tpu.memory_space<vmem>> -> memref<1x8x8x128xf32, #tpu.memory_space<vmem>>
      %dma_wait3A_669 = tpu.memref_squeeze %dma_wait3A_668 : memref<1x8x8x128xf32, #tpu.memory_space<vmem>> -> memref<8x8x128xf32, #tpu.memory_space<vmem>>
      tpu.wait_dma2 semaphore(%arg11 : memref<!tpu.dma_semaphore, #tpu.memory_space<semaphore_mem>>) src(%dma_wait3A_669 : memref<8x8x128xf32, #tpu.memory_space<vmem>>) dst(%dma_wait3A_664 : memref<8x8x128xf32, #tpu.memory_space<hbm>>)
      %parallel_loop3A_670 = arith.constant 0 : i32
      %parallel_loop3A_671 = arith.constant 128 : i32
      %parallel_loop3A_672 = arith.constant 1 : i32
      scf.for %parallel_loop3A_753 = %parallel_loop3A_670 to %parallel_loop3A_671 step %parallel_loop3A_672  : i32 {
        %parallel_loop3A_754 = vector.broadcast %parallel_loop3A_753 : i32 to vector<16xi32>
        %parallel_loop3A_755 = arith.constant 1 : i32
        %parallel_loop3A_756 = arith.index_cast %parallel_loop3A_755 : i32 to index
        %parallel_loop3A_757 = arith.index_cast %parallel_loop3A_753 : i32 to index
        %parallel_loop3A_758 = arith.constant 0 : index
        %parallel_loop3A_759 = tpu.vector_load %arg6[%parallel_loop3A_756, %parallel_loop3A_757, %parallel_loop3A_758] {strides = array<i32>} : memref<2x128x64xf32, #tpu.memory_space<vmem>>, vector<16xf32>,
        %parallel_loop3A_760 = arith.constant 1 : i32
        %parallel_loop3A_761 = arith.constant 0 : i32
        %parallel_loop3A_762 = arith.constant 0 : i32
        %parallel_loop3A_763 = arith.constant 0 : i32
        %parallel_loop3A_764 = tpu.memref_slice %arg7[%parallel_loop3A_760, %parallel_loop3A_761, %parallel_loop3A_762, %parallel_loop3A_763] : memref<2x8x8x133xf32, #tpu.memory_space<vmem>> -> memref<1x8x8x133xf32, #tpu.memory_space<vmem>>
        %parallel_loop3A_765 = tpu.memref_squeeze %parallel_loop3A_764 : memref<1x8x8x133xf32, #tpu.memory_space<vmem>> -> memref<8x8x133xf32, #tpu.memory_space<vmem>>
        tpu.vector_store_idx %parallel_loop3A_765[%shift_right_arithmetic3A_7, %and3A_30, %parallel_loop3A_754], %parallel_loop3A_759 : memref<8x8x133xf32, #tpu.memory_space<vmem>>[vector<16xi32>, vector<16xi32>, vector<16xi32>], vector<16xf32>,
        %parallel_loop3A_766 = arith.constant 1 : i32
        %parallel_loop3A_767 = arith.index_cast %parallel_loop3A_766 : i32 to index
        %parallel_loop3A_768 = arith.index_cast %parallel_loop3A_753 : i32 to index
        %parallel_loop3A_769 = arith.constant 16 : index
        %parallel_loop3A_770 = tpu.vector_load %arg6[%parallel_loop3A_767, %parallel_loop3A_768, %parallel_loop3A_769] {strides = array<i32>} : memref<2x128x64xf32, #tpu.memory_space<vmem>>, vector<16xf32>,
        %parallel_loop3A_771 = arith.constant 1 : i32
        %parallel_loop3A_772 = arith.constant 0 : i32
        %parallel_loop3A_773 = arith.constant 0 : i32
        %parallel_loop3A_774 = arith.constant 0 : i32
        %parallel_loop3A_775 = tpu.memref_slice %arg7[%parallel_loop3A_771, %parallel_loop3A_772, %parallel_loop3A_773, %parallel_loop3A_774] : memref<2x8x8x133xf32, #tpu.memory_space<vmem>> -> memref<1x8x8x133xf32, #tpu.memory_space<vmem>>
        %parallel_loop3A_776 = tpu.memref_squeeze %parallel_loop3A_775 : memref<1x8x8x133xf32, #tpu.memory_space<vmem>> -> memref<8x8x133xf32, #tpu.memory_space<vmem>>
        tpu.vector_store_idx %parallel_loop3A_776[%shift_right_arithmetic3A_13, %and3A_36, %parallel_loop3A_754], %parallel_loop3A_770 : memref<8x8x133xf32, #tpu.memory_space<vmem>>[vector<16xi32>, vector<16xi32>, vector<16xi32>], vector<16xf32>,
        %parallel_loop3A_777 = arith.constant 1 : i32
        %parallel_loop3A_778 = arith.index_cast %parallel_loop3A_777 : i32 to index
        %parallel_loop3A_779 = arith.index_cast %parallel_loop3A_753 : i32 to index
        %parallel_loop3A_780 = arith.constant 32 : index
        %parallel_loop3A_781 = tpu.vector_load %arg6[%parallel_loop3A_778, %parallel_loop3A_779, %parallel_loop3A_780] {strides = array<i32>} : memref<2x128x64xf32, #tpu.memory_space<vmem>>, vector<16xf32>,
        %parallel_loop3A_782 = arith.constant 1 : i32
        %parallel_loop3A_783 = arith.constant 0 : i32
        %parallel_loop3A_784 = arith.constant 0 : i32
        %parallel_loop3A_785 = arith.constant 0 : i32
        %parallel_loop3A_786 = tpu.memref_slice %arg7[%parallel_loop3A_782, %parallel_loop3A_783, %parallel_loop3A_784, %parallel_loop3A_785] : memref<2x8x8x133xf32, #tpu.memory_space<vmem>> -> memref<1x8x8x133xf32, #tpu.memory_space<vmem>>
        %parallel_loop3A_787 = tpu.memref_squeeze %parallel_loop3A_786 : memref<1x8x8x133xf32, #tpu.memory_space<vmem>> -> memref<8x8x133xf32, #tpu.memory_space<vmem>>
        tpu.vector_store_idx %parallel_loop3A_787[%shift_right_arithmetic3A_19, %and3A_42, %parallel_loop3A_754], %parallel_loop3A_781 : memref<8x8x133xf32, #tpu.memory_space<vmem>>[vector<16xi32>, vector<16xi32>, vector<16xi32>], vector<16xf32>,
        %parallel_loop3A_788 = arith.constant 1 : i32
        %parallel_loop3A_789 = arith.index_cast %parallel_loop3A_788 : i32 to index
        %parallel_loop3A_790 = arith.index_cast %parallel_loop3A_753 : i32 to index
        %parallel_loop3A_791 = arith.constant 48 : index
        %parallel_loop3A_792 = tpu.vector_load %arg6[%parallel_loop3A_789, %parallel_loop3A_790, %parallel_loop3A_791] {strides = array<i32>} : memref<2x128x64xf32, #tpu.memory_space<vmem>>, vector<16xf32>,
        %parallel_loop3A_793 = arith.constant 1 : i32
        %parallel_loop3A_794 = arith.constant 0 : i32
        %parallel_loop3A_795 = arith.constant 0 : i32
        %parallel_loop3A_796 = arith.constant 0 : i32
        %parallel_loop3A_797 = tpu.memref_slice %arg7[%parallel_loop3A_793, %parallel_loop3A_794, %parallel_loop3A_795, %parallel_loop3A_796] : memref<2x8x8x133xf32, #tpu.memory_space<vmem>> -> memref<1x8x8x133xf32, #tpu.memory_space<vmem>>
        %parallel_loop3A_798 = tpu.memref_squeeze %parallel_loop3A_797 : memref<1x8x8x133xf32, #tpu.memory_space<vmem>> -> memref<8x8x133xf32, #tpu.memory_space<vmem>>
        tpu.vector_store_idx %parallel_loop3A_798[%shift_right_arithmetic3A_25, %and3A_48, %parallel_loop3A_754], %parallel_loop3A_792 : memref<8x8x133xf32, #tpu.memory_space<vmem>>[vector<16xi32>, vector<16xi32>, vector<16xi32>], vector<16xf32>,
      } {sc.loop_unroll_factor = 8 : i64, sc.parallel_access}
      %add3A_673 = arith.constant 1 : i32
      %add3A_674 = arith.addi %add3A_512, %add3A_673 : i32
      %mul3A_675 = arith.constant 200 : i32
      %mul3A_676 = arith.muli %add3A, %mul3A_675 : i32
      %add3A_677 = arith.addi %mul3A_676, %add3A_674 : i32
      %jit3A_678 = arith.constant 32 : i32
      %div3A_679 = arith.divsi %add3A_677, %jit3A_678 : i32
      %sign3A_680 = arith.constant 0 : i32
      %sign3A_681 = arith.cmpi sgt, %add3A_677, %sign3A_680 : i32
      %sign3A_682 = arith.extui %sign3A_681 : i1 to i32
      %sign3A_683 = arith.constant 0 : i32
      %sign3A_684 = arith.cmpi slt, %add3A_677, %sign3A_683 : i32
      %sign3A_685 = arith.extui %sign3A_684 : i1 to i32
      %sign3A_686 = arith.subi %sign3A_682, %sign3A_685 : i32
      %sign3A_687 = arith.constant 0 : i32
      %sign3A_688 = arith.cmpi sgt, %jit3A_678, %sign3A_687 : i32
      %sign3A_689 = arith.extui %sign3A_688 : i1 to i32
      %sign3A_690 = arith.constant 0 : i32
      %sign3A_691 = arith.cmpi slt, %jit3A_678, %sign3A_690 : i32
      %sign3A_692 = arith.extui %sign3A_691 : i1 to i32
      %sign3A_693 = arith.subi %sign3A_689, %sign3A_692 : i32
      %ne3A_694 = arith.cmpi ne, %sign3A_686, %sign3A_693 : i32
      %rem3A_695 = arith.remsi %add3A_677, %jit3A_678 : i32
      %ne3A_696 = arith.constant 0 : i32
      %ne3A_697 = arith.cmpi ne, %rem3A_695, %ne3A_696 : i32
      %and3A_698 = arith.andi %ne3A_694, %ne3A_697 : i1
      %sub3A_699 = arith.constant 1 : i32
      %sub3A_700 = arith.subi %div3A_679, %sub3A_699 : i32
      %select_n3A_701 = arith.select %and3A_698, %sub3A_700, %div3A_679 : i32
      %jit3A_702 = arith.constant 32 : i32
      %eq3A_703 = arith.constant 0 : i32
      %eq3A_704 = arith.cmpi eq, %jit3A_702, %eq3A_703 : i32
      %jit3A_705 = arith.constant 1 : i32
      %select_n3A_706 = arith.select %eq3A_704, %jit3A_705, %jit3A_702 : i32
      %rem3A_707 = arith.remsi %add3A_677, %select_n3A_706 : i32
      %ne3A_708 = arith.constant 0 : i32
      %ne3A_709 = arith.cmpi ne, %rem3A_707, %ne3A_708 : i32
      %lt3A_710 = arith.constant 0 : i32
      %lt3A_711 = arith.cmpi slt, %rem3A_707, %lt3A_710 : i32
      %lt3A_712 = arith.constant 0 : i32
      %lt3A_713 = arith.cmpi slt, %select_n3A_706, %lt3A_712 : i32
      %ne3A_714 = arith.xori %lt3A_711, %lt3A_713 : i1
      %and3A_715 = arith.andi %ne3A_714, %ne3A_709 : i1
      %add3A_716 = arith.addi %rem3A_707, %select_n3A_706 : i32
      %select_n3A_717 = arith.select %and3A_715, %add3A_716, %rem3A_707 : i32
      %dma_start3A_718 = arith.constant 1 : i32
      %dma_start3A_719 = arith.constant 0 : i32
      %dma_start3A_720 = arith.constant 0 : i32
      %dma_start3A_721 = arith.constant 0 : i32
      %dma_start3A_722 = tpu.memref_slice %arg7[%dma_start3A_718, %dma_start3A_719, %dma_start3A_720, %dma_start3A_721] : memref<2x8x8x133xf32, #tpu.memory_space<vmem>> -> memref<1x8x8x128xf32, #tpu.memory_space<vmem>>
      %dma_start3A_723 = tpu.memref_squeeze %dma_start3A_722 : memref<1x8x8x128xf32, #tpu.memory_space<vmem>> -> memref<8x8x128xf32, #tpu.memory_space<vmem>>
      %dma_start3A_724 = arith.constant 0 : i32
      %dma_start3A_725 = arith.constant 0 : i32
      %dma_start3A_726 = arith.constant 0 : i32
      %dma_start3A_727 = tpu.memref_slice %arg4[%select_n3A_701, %dma_start3A_724, %select_n3A_717, %dma_start3A_725, %dma_start3A_726] : memref<200x8x32x8x128xf32, #tpu.memory_space<hbm>> -> memref<1x8x1x8x128xf32, #tpu.memory_space<hbm>>
      %dma_start3A_728 = tpu.memref_squeeze %dma_start3A_727 : memref<1x8x1x8x128xf32, #tpu.memory_space<hbm>> -> memref<8x8x128xf32, #tpu.memory_space<hbm>>
      %dma_start3A_729 = arith.constant 0 : i32
      %dma_start3A_730 = arith.constant 0 : i32
      %dma_start3A_731 = arith.constant 0 : i32
      %dma_start3A_732 = tpu.memref_slice %arg4[%select_n3A_701, %dma_start3A_729, %select_n3A_717, %dma_start3A_730, %dma_start3A_731] : memref<200x8x32x8x128xf32, #tpu.memory_space<hbm>> -> memref<1x8x1x8x128xf32, #tpu.memory_space<hbm>>
      %dma_start3A_733 = tpu.memref_squeeze %dma_start3A_732 : memref<1x8x1x8x128xf32, #tpu.memory_space<hbm>> -> memref<8x8x128xf32, #tpu.memory_space<hbm>>
      %dma_start3A_734 = arith.constant 0 : i32
      %dma_start3A_735 = arith.constant 0 : i32
      %dma_start3A_736 = arith.constant 0 : i32
      %dma_start3A_737 = tpu.memref_slice %arg7[%dma_start3A_718, %dma_start3A_734, %dma_start3A_735, %dma_start3A_736] : memref<2x8x8x133xf32, #tpu.memory_space<vmem>> -> memref<1x8x8x128xf32, #tpu.memory_space<vmem>>
      %dma_start3A_738 = tpu.memref_squeeze %dma_start3A_737 : memref<1x8x8x128xf32, #tpu.memory_space<vmem>> -> memref<8x8x128xf32, #tpu.memory_space<vmem>>
      tpu.enqueue_dma source(%dma_start3A_738 : memref<8x8x128xf32, #tpu.memory_space<vmem>>) target(%dma_start3A_733 : memref<8x8x128xf32, #tpu.memory_space<hbm>>) target_semaphore(%arg11 : memref<!tpu.dma_semaphore, #tpu.memory_space<semaphore_mem>>)
      %add3A_739 = arith.constant 3 : i32
      %add3A_740 = arith.addi %add3A_512, %add3A_739 : i32
      %mul3A_741 = arith.constant 128 : i32
      %mul3A_742 = arith.muli %add3A_740, %mul3A_741 : i32
      %multiple_of3A_743 = tpu.assume_multiple %mul3A_742, 128 : i32
      %dma_start3A_744 = arith.constant 1 : i32
      %dma_start3A_745 = arith.constant 0 : i32
      %dma_start3A_746 = arith.constant 0 : i32
      %dma_start3A_747 = tpu.memref_slice %arg6[%dma_start3A_744, %dma_start3A_745, %dma_start3A_746] : memref<2x128x64xf32, #tpu.memory_space<vmem>> -> memref<1x128x64xf32, #tpu.memory_space<vmem>>
      %dma_start3A_748 = tpu.memref_squeeze %dma_start3A_747 : memref<1x128x64xf32, #tpu.memory_space<vmem>> -> memref<128x64xf32, #tpu.memory_space<vmem>>
      %dma_start3A_749 = tpu.memref_slice %arg5[%multiple_of3A_743] : memref<25600xi32, #tpu.memory_space<vmem>> -> memref<128xi32, #tpu.memory_space<vmem>>
      %dma_start3A_750 = arith.constant 0 : i32
      %dma_start3A_751 = arith.constant 0 : i32
      %dma_start3A_752 = tpu.memref_slice %arg2[%dma_start3A_750, %dma_start3A_751] : memref<1000000x64xf32, #tpu.memory_space<hbm>> -> memref<1000000x64xf32, #tpu.memory_space<hbm>>
      tpu.enqueue_indirect_dma source(%dma_start3A_752 : memref<1000000x64xf32, #tpu.memory_space<hbm>>) target(%dma_start3A_748 : memref<128x64xf32, #tpu.memory_space<vmem>>) offsets(%dma_start3A_749 : memref<128xi32, #tpu.memory_space<vmem>>) semaphore(%arg9 : memref<!tpu.dma_semaphore, #tpu.memory_space<semaphore_mem>>)
    }
    %scan3A_249 = arith.constant 98 : i32
    %dma_wait3A_250 = arith.constant 0 : i32
    %dma_wait3A_251 = arith.constant 0 : i32
    %dma_wait3A_252 = arith.constant 0 : i32
    %dma_wait3A_253 = tpu.memref_slice %arg6[%dma_wait3A_250, %dma_wait3A_251, %dma_wait3A_252] : memref<2x128x64xf32, #tpu.memory_space<vmem>> -> memref<1x128x64xf32, #tpu.memory_space<vmem>>
    %dma_wait3A_254 = tpu.memref_squeeze %dma_wait3A_253 : memref<1x128x64xf32, #tpu.memory_space<vmem>> -> memref<128x64xf32, #tpu.memory_space<vmem>>
    %dma_wait3A_255 = arith.constant 0 : i32
    %dma_wait3A_256 = arith.constant 0 : i32
    %dma_wait3A_257 = tpu.memref_slice %arg2[%dma_wait3A_255, %dma_wait3A_256] : memref<1000000x64xf32, #tpu.memory_space<hbm>> -> memref<128x64xf32, #tpu.memory_space<hbm>>
    %dma_wait3A_258 = arith.constant 0 : i32
    %dma_wait3A_259 = arith.constant 0 : i32
    %dma_wait3A_260 = tpu.memref_slice %arg6[%dma_wait3A_250, %dma_wait3A_258, %dma_wait3A_259] : memref<2x128x64xf32, #tpu.memory_space<vmem>> -> memref<1x128x64xf32, #tpu.memory_space<vmem>>
    %dma_wait3A_261 = tpu.memref_squeeze %dma_wait3A_260 : memref<1x128x64xf32, #tpu.memory_space<vmem>> -> memref<128x64xf32, #tpu.memory_space<vmem>>
    %dma_wait3A_262 = arith.constant 0 : i32
    %dma_wait3A_263 = arith.constant 0 : i32
    %dma_wait3A_264 = tpu.memref_slice %arg2[%dma_wait3A_262, %dma_wait3A_263] : memref<1000000x64xf32, #tpu.memory_space<hbm>> -> memref<128x64xf32, #tpu.memory_space<hbm>>
    tpu.wait_dma2 semaphore(%arg8 : memref<!tpu.dma_semaphore, #tpu.memory_space<semaphore_mem>>) src(%dma_wait3A_264 : memref<128x64xf32, #tpu.memory_space<hbm>>) dst(%dma_wait3A_261 : memref<128x64xf32, #tpu.memory_space<vmem>>)
    %dma_wait3A_265 = arith.constant 0 : i32
    %dma_wait3A_266 = arith.constant 0 : i32
    %dma_wait3A_267 = arith.constant 0 : i32
    %dma_wait3A_268 = arith.constant 0 : i32
    %dma_wait3A_269 = arith.constant 0 : i32
    %dma_wait3A_270 = arith.constant 0 : i32
    %dma_wait3A_271 = tpu.memref_slice %arg7[%dma_wait3A_265, %dma_wait3A_268, %dma_wait3A_269, %dma_wait3A_270] : memref<2x8x8x133xf32, #tpu.memory_space<vmem>> -> memref<1x8x8x128xf32, #tpu.memory_space<vmem>>
    %dma_wait3A_272 = tpu.memref_squeeze %dma_wait3A_271 : memref<1x8x8x128xf32, #tpu.memory_space<vmem>> -> memref<8x8x128xf32, #tpu.memory_space<vmem>>
    %dma_wait3A_273 = arith.constant 0 : i32
    %dma_wait3A_274 = arith.constant 0 : i32
    %dma_wait3A_275 = arith.constant 0 : i32
    %dma_wait3A_276 = tpu.memref_slice %arg4[%dma_wait3A_266, %dma_wait3A_273, %dma_wait3A_267, %dma_wait3A_274, %dma_wait3A_275] : memref<200x8x32x8x128xf32, #tpu.memory_space<hbm>> -> memref<1x8x1x8x128xf32, #tpu.memory_space<hbm>>
    %dma_wait3A_277 = tpu.memref_squeeze %dma_wait3A_276 : memref<1x8x1x8x128xf32, #tpu.memory_space<hbm>> -> memref<8x8x128xf32, #tpu.memory_space<hbm>>
    %dma_wait3A_278 = arith.constant 0 : i32
    %dma_wait3A_279 = arith.constant 0 : i32
    %dma_wait3A_280 = arith.constant 0 : i32
    %dma_wait3A_281 = tpu.memref_slice %arg4[%dma_wait3A_266, %dma_wait3A_278, %dma_wait3A_267, %dma_wait3A_279, %dma_wait3A_280] : memref<200x8x32x8x128xf32, #tpu.memory_space<hbm>> -> memref<1x8x1x8x128xf32, #tpu.memory_space<hbm>>
    %dma_wait3A_282 = tpu.memref_squeeze %dma_wait3A_281 : memref<1x8x1x8x128xf32, #tpu.memory_space<hbm>> -> memref<8x8x128xf32, #tpu.memory_space<hbm>>
    %dma_wait3A_283 = arith.constant 0 : i32
    %dma_wait3A_284 = arith.constant 0 : i32
    %dma_wait3A_285 = arith.constant 0 : i32
    %dma_wait3A_286 = tpu.memref_slice %arg7[%dma_wait3A_265, %dma_wait3A_283, %dma_wait3A_284, %dma_wait3A_285] : memref<2x8x8x133xf32, #tpu.memory_space<vmem>> -> memref<1x8x8x128xf32, #tpu.memory_space<vmem>>
    %dma_wait3A_287 = tpu.memref_squeeze %dma_wait3A_286 : memref<1x8x8x128xf32, #tpu.memory_space<vmem>> -> memref<8x8x128xf32, #tpu.memory_space<vmem>>
    tpu.wait_dma2 semaphore(%arg10 : memref<!tpu.dma_semaphore, #tpu.memory_space<semaphore_mem>>) src(%dma_wait3A_287 : memref<8x8x128xf32, #tpu.memory_space<vmem>>) dst(%dma_wait3A_282 : memref<8x8x128xf32, #tpu.memory_space<hbm>>)
    %parallel_loop3A_288 = arith.constant 0 : i32
    %parallel_loop3A_289 = arith.constant 128 : i32
    %parallel_loop3A_290 = arith.constant 1 : i32
    scf.for %parallel_loop3A_508 = %parallel_loop3A_288 to %parallel_loop3A_289 step %parallel_loop3A_290  : i32 {
      %parallel_loop3A_509 = vector.broadcast %parallel_loop3A_508 : i32 to vector<16xi32>
      %parallel_loop3A_510 = arith.constant 0 : i32
      %parallel_loop3A_511 = arith.index_cast %parallel_loop3A_510 : i32 to index
      %parallel_loop3A_512 = arith.index_cast %parallel_loop3A_508 : i32 to index
      %parallel_loop3A_513 = arith.constant 0 : index
      %parallel_loop3A_514 = tpu.vector_load %arg6[%parallel_loop3A_511, %parallel_loop3A_512, %parallel_loop3A_513] {strides = array<i32>} : memref<2x128x64xf32, #tpu.memory_space<vmem>>, vector<16xf32>,
      %parallel_loop3A_515 = arith.constant 0 : i32
      %parallel_loop3A_516 = arith.constant 0 : i32
      %parallel_loop3A_517 = arith.constant 0 : i32
      %parallel_loop3A_518 = arith.constant 0 : i32
      %parallel_loop3A_519 = tpu.memref_slice %arg7[%parallel_loop3A_515, %parallel_loop3A_516, %parallel_loop3A_517, %parallel_loop3A_518] : memref<2x8x8x133xf32, #tpu.memory_space<vmem>> -> memref<1x8x8x133xf32, #tpu.memory_space<vmem>>
      %parallel_loop3A_520 = tpu.memref_squeeze %parallel_loop3A_519 : memref<1x8x8x133xf32, #tpu.memory_space<vmem>> -> memref<8x8x133xf32, #tpu.memory_space<vmem>>
      tpu.vector_store_idx %parallel_loop3A_520[%shift_right_arithmetic3A_7, %and3A_30, %parallel_loop3A_509], %parallel_loop3A_514 : memref<8x8x133xf32, #tpu.memory_space<vmem>>[vector<16xi32>, vector<16xi32>, vector<16xi32>], vector<16xf32>,
      %parallel_loop3A_521 = arith.constant 0 : i32
      %parallel_loop3A_522 = arith.index_cast %parallel_loop3A_521 : i32 to index
      %parallel_loop3A_523 = arith.index_cast %parallel_loop3A_508 : i32 to index
      %parallel_loop3A_524 = arith.constant 16 : index
      %parallel_loop3A_525 = tpu.vector_load %arg6[%parallel_loop3A_522, %parallel_loop3A_523, %parallel_loop3A_524] {strides = array<i32>} : memref<2x128x64xf32, #tpu.memory_space<vmem>>, vector<16xf32>,
      %parallel_loop3A_526 = arith.constant 0 : i32
      %parallel_loop3A_527 = arith.constant 0 : i32
      %parallel_loop3A_528 = arith.constant 0 : i32
      %parallel_loop3A_529 = arith.constant 0 : i32
      %parallel_loop3A_530 = tpu.memref_slice %arg7[%parallel_loop3A_526, %parallel_loop3A_527, %parallel_loop3A_528, %parallel_loop3A_529] : memref<2x8x8x133xf32, #tpu.memory_space<vmem>> -> memref<1x8x8x133xf32, #tpu.memory_space<vmem>>
      %parallel_loop3A_531 = tpu.memref_squeeze %parallel_loop3A_530 : memref<1x8x8x133xf32, #tpu.memory_space<vmem>> -> memref<8x8x133xf32, #tpu.memory_space<vmem>>
      tpu.vector_store_idx %parallel_loop3A_531[%shift_right_arithmetic3A_13, %and3A_36, %parallel_loop3A_509], %parallel_loop3A_525 : memref<8x8x133xf32, #tpu.memory_space<vmem>>[vector<16xi32>, vector<16xi32>, vector<16xi32>], vector<16xf32>,
      %parallel_loop3A_532 = arith.constant 0 : i32
      %parallel_loop3A_533 = arith.index_cast %parallel_loop3A_532 : i32 to index
      %parallel_loop3A_534 = arith.index_cast %parallel_loop3A_508 : i32 to index
      %parallel_loop3A_535 = arith.constant 32 : index
      %parallel_loop3A_536 = tpu.vector_load %arg6[%parallel_loop3A_533, %parallel_loop3A_534, %parallel_loop3A_535] {strides = array<i32>} : memref<2x128x64xf32, #tpu.memory_space<vmem>>, vector<16xf32>,
      %parallel_loop3A_537 = arith.constant 0 : i32
      %parallel_loop3A_538 = arith.constant 0 : i32
      %parallel_loop3A_539 = arith.constant 0 : i32
      %parallel_loop3A_540 = arith.constant 0 : i32
      %parallel_loop3A_541 = tpu.memref_slice %arg7[%parallel_loop3A_537, %parallel_loop3A_538, %parallel_loop3A_539, %parallel_loop3A_540] : memref<2x8x8x133xf32, #tpu.memory_space<vmem>> -> memref<1x8x8x133xf32, #tpu.memory_space<vmem>>
      %parallel_loop3A_542 = tpu.memref_squeeze %parallel_loop3A_541 : memref<1x8x8x133xf32, #tpu.memory_space<vmem>> -> memref<8x8x133xf32, #tpu.memory_space<vmem>>
      tpu.vector_store_idx %parallel_loop3A_542[%shift_right_arithmetic3A_19, %and3A_42, %parallel_loop3A_509], %parallel_loop3A_536 : memref<8x8x133xf32, #tpu.memory_space<vmem>>[vector<16xi32>, vector<16xi32>, vector<16xi32>], vector<16xf32>,
      %parallel_loop3A_543 = arith.constant 0 : i32
      %parallel_loop3A_544 = arith.index_cast %parallel_loop3A_543 : i32 to index
      %parallel_loop3A_545 = arith.index_cast %parallel_loop3A_508 : i32 to index
      %parallel_loop3A_546 = arith.constant 48 : index
      %parallel_loop3A_547 = tpu.vector_load %arg6[%parallel_loop3A_544, %parallel_loop3A_545, %parallel_loop3A_546] {strides = array<i32>} : memref<2x128x64xf32, #tpu.memory_space<vmem>>, vector<16xf32>,
      %parallel_loop3A_548 = arith.constant 0 : i32
      %parallel_loop3A_549 = arith.constant 0 : i32
      %parallel_loop3A_550 = arith.constant 0 : i32
      %parallel_loop3A_551 = arith.constant 0 : i32
      %parallel_loop3A_552 = tpu.memref_slice %arg7[%parallel_loop3A_548, %parallel_loop3A_549, %parallel_loop3A_550, %parallel_loop3A_551] : memref<2x8x8x133xf32, #tpu.memory_space<vmem>> -> memref<1x8x8x133xf32, #tpu.memory_space<vmem>>
      %parallel_loop3A_553 = tpu.memref_squeeze %parallel_loop3A_552 : memref<1x8x8x133xf32, #tpu.memory_space<vmem>> -> memref<8x8x133xf32, #tpu.memory_space<vmem>>
      tpu.vector_store_idx %parallel_loop3A_553[%shift_right_arithmetic3A_25, %and3A_48, %parallel_loop3A_509], %parallel_loop3A_547 : memref<8x8x133xf32, #tpu.memory_space<vmem>>[vector<16xi32>, vector<16xi32>, vector<16xi32>], vector<16xf32>,
    } {sc.loop_unroll_factor = 8 : i64, sc.parallel_access}
    %mul3A_291 = arith.constant 200 : i32
    %mul3A_292 = arith.muli %add3A, %mul3A_291 : i32
    %add3A_293 = arith.constant 198 : i32
    %add3A_294 = arith.addi %mul3A_292, %add3A_293 : i32
    %jit3A_295 = arith.constant 32 : i32
    %div3A_296 = arith.divsi %add3A_294, %jit3A_295 : i32
    %sign3A_297 = arith.constant 0 : i32
    %sign3A_298 = arith.cmpi sgt, %add3A_294, %sign3A_297 : i32
    %sign3A_299 = arith.extui %sign3A_298 : i1 to i32
    %sign3A_300 = arith.constant 0 : i32
    %sign3A_301 = arith.cmpi slt, %add3A_294, %sign3A_300 : i32
    %sign3A_302 = arith.extui %sign3A_301 : i1 to i32
    %sign3A_303 = arith.subi %sign3A_299, %sign3A_302 : i32
    %sign3A_304 = arith.constant 0 : i32
    %sign3A_305 = arith.cmpi sgt, %jit3A_295, %sign3A_304 : i32
    %sign3A_306 = arith.extui %sign3A_305 : i1 to i32
    %sign3A_307 = arith.constant 0 : i32
    %sign3A_308 = arith.cmpi slt, %jit3A_295, %sign3A_307 : i32
    %sign3A_309 = arith.extui %sign3A_308 : i1 to i32
    %sign3A_310 = arith.subi %sign3A_306, %sign3A_309 : i32
    %ne3A_311 = arith.cmpi ne, %sign3A_303, %sign3A_310 : i32
    %rem3A_312 = arith.remsi %add3A_294, %jit3A_295 : i32
    %ne3A_313 = arith.constant 0 : i32
    %ne3A_314 = arith.cmpi ne, %rem3A_312, %ne3A_313 : i32
    %and3A_315 = arith.andi %ne3A_311, %ne3A_314 : i1
    %sub3A_316 = arith.constant 1 : i32
    %sub3A_317 = arith.subi %div3A_296, %sub3A_316 : i32
    %select_n3A_318 = arith.select %and3A_315, %sub3A_317, %div3A_296 : i32
    %jit3A_319 = arith.constant 32 : i32
    %eq3A_320 = arith.constant 0 : i32
    %eq3A_321 = arith.cmpi eq, %jit3A_319, %eq3A_320 : i32
    %jit3A_322 = arith.constant 1 : i32
    %select_n3A_323 = arith.select %eq3A_321, %jit3A_322, %jit3A_319 : i32
    %rem3A_324 = arith.remsi %add3A_294, %select_n3A_323 : i32
    %ne3A_325 = arith.constant 0 : i32
    %ne3A_326 = arith.cmpi ne, %rem3A_324, %ne3A_325 : i32
    %lt3A_327 = arith.constant 0 : i32
    %lt3A_328 = arith.cmpi slt, %rem3A_324, %lt3A_327 : i32
    %lt3A_329 = arith.constant 0 : i32
    %lt3A_330 = arith.cmpi slt, %select_n3A_323, %lt3A_329 : i32
    %ne3A_331 = arith.xori %lt3A_328, %lt3A_330 : i1
    %and3A_332 = arith.andi %ne3A_331, %ne3A_326 : i1
    %add3A_333 = arith.addi %rem3A_324, %select_n3A_323 : i32
    %select_n3A_334 = arith.select %and3A_332, %add3A_333, %rem3A_324 : i32
    %dma_start3A_335 = arith.constant 0 : i32
    %dma_start3A_336 = arith.constant 0 : i32
    %dma_start3A_337 = arith.constant 0 : i32
    %dma_start3A_338 = arith.constant 0 : i32
    %dma_start3A_339 = tpu.memref_slice %arg7[%dma_start3A_335, %dma_start3A_336, %dma_start3A_337, %dma_start3A_338] : memref<2x8x8x133xf32, #tpu.memory_space<vmem>> -> memref<1x8x8x128xf32, #tpu.memory_space<vmem>>
    %dma_start3A_340 = tpu.memref_squeeze %dma_start3A_339 : memref<1x8x8x128xf32, #tpu.memory_space<vmem>> -> memref<8x8x128xf32, #tpu.memory_space<vmem>>
    %dma_start3A_341 = arith.constant 0 : i32
    %dma_start3A_342 = arith.constant 0 : i32
    %dma_start3A_343 = arith.constant 0 : i32
    %dma_start3A_344 = tpu.memref_slice %arg4[%select_n3A_318, %dma_start3A_341, %select_n3A_334, %dma_start3A_342, %dma_start3A_343] : memref<200x8x32x8x128xf32, #tpu.memory_space<hbm>> -> memref<1x8x1x8x128xf32, #tpu.memory_space<hbm>>
    %dma_start3A_345 = tpu.memref_squeeze %dma_start3A_344 : memref<1x8x1x8x128xf32, #tpu.memory_space<hbm>> -> memref<8x8x128xf32, #tpu.memory_space<hbm>>
    %dma_start3A_346 = arith.constant 0 : i32
    %dma_start3A_347 = arith.constant 0 : i32
    %dma_start3A_348 = arith.constant 0 : i32
    %dma_start3A_349 = tpu.memref_slice %arg4[%select_n3A_318, %dma_start3A_346, %select_n3A_334, %dma_start3A_347, %dma_start3A_348] : memref<200x8x32x8x128xf32, #tpu.memory_space<hbm>> -> memref<1x8x1x8x128xf32, #tpu.memory_space<hbm>>
    %dma_start3A_350 = tpu.memref_squeeze %dma_start3A_349 : memref<1x8x1x8x128xf32, #tpu.memory_space<hbm>> -> memref<8x8x128xf32, #tpu.memory_space<hbm>>
    %dma_start3A_351 = arith.constant 0 : i32
    %dma_start3A_352 = arith.constant 0 : i32
    %dma_start3A_353 = arith.constant 0 : i32
    %dma_start3A_354 = tpu.memref_slice %arg7[%dma_start3A_335, %dma_start3A_351, %dma_start3A_352, %dma_start3A_353] : memref<2x8x8x133xf32, #tpu.memory_space<vmem>> -> memref<1x8x8x128xf32, #tpu.memory_space<vmem>>
    %dma_start3A_355 = tpu.memref_squeeze %dma_start3A_354 : memref<1x8x8x128xf32, #tpu.memory_space<vmem>> -> memref<8x8x128xf32, #tpu.memory_space<vmem>>
    tpu.enqueue_dma source(%dma_start3A_355 : memref<8x8x128xf32, #tpu.memory_space<vmem>>) target(%dma_start3A_350 : memref<8x8x128xf32, #tpu.memory_space<hbm>>) target_semaphore(%arg10 : memref<!tpu.dma_semaphore, #tpu.memory_space<semaphore_mem>>)
    %dma_wait3A_356 = arith.constant 1 : i32
    %dma_wait3A_357 = arith.constant 0 : i32
    %dma_wait3A_358 = arith.constant 0 : i32
    %dma_wait3A_359 = tpu.memref_slice %arg6[%dma_wait3A_356, %dma_wait3A_357, %dma_wait3A_358] : memref<2x128x64xf32, #tpu.memory_space<vmem>> -> memref<1x128x64xf32, #tpu.memory_space<vmem>>
    %dma_wait3A_360 = tpu.memref_squeeze %dma_wait3A_359 : memref<1x128x64xf32, #tpu.memory_space<vmem>> -> memref<128x64xf32, #tpu.memory_space<vmem>>
    %dma_wait3A_361 = arith.constant 0 : i32
    %dma_wait3A_362 = arith.constant 0 : i32
    %dma_wait3A_363 = tpu.memref_slice %arg2[%dma_wait3A_361, %dma_wait3A_362] : memref<1000000x64xf32, #tpu.memory_space<hbm>> -> memref<128x64xf32, #tpu.memory_space<hbm>>
    %dma_wait3A_364 = arith.constant 0 : i32
    %dma_wait3A_365 = arith.constant 0 : i32
    %dma_wait3A_366 = tpu.memref_slice %arg6[%dma_wait3A_356, %dma_wait3A_364, %dma_wait3A_365] : memref<2x128x64xf32, #tpu.memory_space<vmem>> -> memref<1x128x64xf32, #tpu.memory_space<vmem>>
    %dma_wait3A_367 = tpu.memref_squeeze %dma_wait3A_366 : memref<1x128x64xf32, #tpu.memory_space<vmem>> -> memref<128x64xf32, #tpu.memory_space<vmem>>
    %dma_wait3A_368 = arith.constant 0 : i32
    %dma_wait3A_369 = arith.constant 0 : i32
    %dma_wait3A_370 = tpu.memref_slice %arg2[%dma_wait3A_368, %dma_wait3A_369] : memref<1000000x64xf32, #tpu.memory_space<hbm>> -> memref<128x64xf32, #tpu.memory_space<hbm>>
    tpu.wait_dma2 semaphore(%arg9 : memref<!tpu.dma_semaphore, #tpu.memory_space<semaphore_mem>>) src(%dma_wait3A_370 : memref<128x64xf32, #tpu.memory_space<hbm>>) dst(%dma_wait3A_367 : memref<128x64xf32, #tpu.memory_space<vmem>>)
    %dma_wait3A_371 = arith.constant 1 : i32
    %dma_wait3A_372 = arith.constant 0 : i32
    %dma_wait3A_373 = arith.constant 0 : i32
    %dma_wait3A_374 = arith.constant 0 : i32
    %dma_wait3A_375 = arith.constant 0 : i32
    %dma_wait3A_376 = arith.constant 0 : i32
    %dma_wait3A_377 = tpu.memref_slice %arg7[%dma_wait3A_371, %dma_wait3A_374, %dma_wait3A_375, %dma_wait3A_376] : memref<2x8x8x133xf32, #tpu.memory_space<vmem>> -> memref<1x8x8x128xf32, #tpu.memory_space<vmem>>
    %dma_wait3A_378 = tpu.memref_squeeze %dma_wait3A_377 : memref<1x8x8x128xf32, #tpu.memory_space<vmem>> -> memref<8x8x128xf32, #tpu.memory_space<vmem>>
    %dma_wait3A_379 = arith.constant 0 : i32
    %dma_wait3A_380 = arith.constant 0 : i32
    %dma_wait3A_381 = arith.constant 0 : i32
    %dma_wait3A_382 = tpu.memref_slice %arg4[%dma_wait3A_372, %dma_wait3A_379, %dma_wait3A_373, %dma_wait3A_380, %dma_wait3A_381] : memref<200x8x32x8x128xf32, #tpu.memory_space<hbm>> -> memref<1x8x1x8x128xf32, #tpu.memory_space<hbm>>
    %dma_wait3A_383 = tpu.memref_squeeze %dma_wait3A_382 : memref<1x8x1x8x128xf32, #tpu.memory_space<hbm>> -> memref<8x8x128xf32, #tpu.memory_space<hbm>>
    %dma_wait3A_384 = arith.constant 0 : i32
    %dma_wait3A_385 = arith.constant 0 : i32
    %dma_wait3A_386 = arith.constant 0 : i32
    %dma_wait3A_387 = tpu.memref_slice %arg4[%dma_wait3A_372, %dma_wait3A_384, %dma_wait3A_373, %dma_wait3A_385, %dma_wait3A_386] : memref<200x8x32x8x128xf32, #tpu.memory_space<hbm>> -> memref<1x8x1x8x128xf32, #tpu.memory_space<hbm>>
    %dma_wait3A_388 = tpu.memref_squeeze %dma_wait3A_387 : memref<1x8x1x8x128xf32, #tpu.memory_space<hbm>> -> memref<8x8x128xf32, #tpu.memory_space<hbm>>
    %dma_wait3A_389 = arith.constant 0 : i32
    %dma_wait3A_390 = arith.constant 0 : i32
    %dma_wait3A_391 = arith.constant 0 : i32
    %dma_wait3A_392 = tpu.memref_slice %arg7[%dma_wait3A_371, %dma_wait3A_389, %dma_wait3A_390, %dma_wait3A_391] : memref<2x8x8x133xf32, #tpu.memory_space<vmem>> -> memref<1x8x8x128xf32, #tpu.memory_space<vmem>>
    %dma_wait3A_393 = tpu.memref_squeeze %dma_wait3A_392 : memref<1x8x8x128xf32, #tpu.memory_space<vmem>> -> memref<8x8x128xf32, #tpu.memory_space<vmem>>
    tpu.wait_dma2 semaphore(%arg11 : memref<!tpu.dma_semaphore, #tpu.memory_space<semaphore_mem>>) src(%dma_wait3A_393 : memref<8x8x128xf32, #tpu.memory_space<vmem>>) dst(%dma_wait3A_388 : memref<8x8x128xf32, #tpu.memory_space<hbm>>)
    %parallel_loop3A_394 = arith.constant 0 : i32
    %parallel_loop3A_395 = arith.constant 128 : i32
    %parallel_loop3A_396 = arith.constant 1 : i32
    scf.for %parallel_loop3A_508 = %parallel_loop3A_394 to %parallel_loop3A_395 step %parallel_loop3A_396  : i32 {
      %parallel_loop3A_509 = vector.broadcast %parallel_loop3A_508 : i32 to vector<16xi32>
      %parallel_loop3A_510 = arith.constant 1 : i32
      %parallel_loop3A_511 = arith.index_cast %parallel_loop3A_510 : i32 to index
      %parallel_loop3A_512 = arith.index_cast %parallel_loop3A_508 : i32 to index
      %parallel_loop3A_513 = arith.constant 0 : index
      %parallel_loop3A_514 = tpu.vector_load %arg6[%parallel_loop3A_511, %parallel_loop3A_512, %parallel_loop3A_513] {strides = array<i32>} : memref<2x128x64xf32, #tpu.memory_space<vmem>>, vector<16xf32>,
      %parallel_loop3A_515 = arith.constant 1 : i32
      %parallel_loop3A_516 = arith.constant 0 : i32
      %parallel_loop3A_517 = arith.constant 0 : i32
      %parallel_loop3A_518 = arith.constant 0 : i32
      %parallel_loop3A_519 = tpu.memref_slice %arg7[%parallel_loop3A_515, %parallel_loop3A_516, %parallel_loop3A_517, %parallel_loop3A_518] : memref<2x8x8x133xf32, #tpu.memory_space<vmem>> -> memref<1x8x8x133xf32, #tpu.memory_space<vmem>>
      %parallel_loop3A_520 = tpu.memref_squeeze %parallel_loop3A_519 : memref<1x8x8x133xf32, #tpu.memory_space<vmem>> -> memref<8x8x133xf32, #tpu.memory_space<vmem>>
      tpu.vector_store_idx %parallel_loop3A_520[%shift_right_arithmetic3A_7, %and3A_30, %parallel_loop3A_509], %parallel_loop3A_514 : memref<8x8x133xf32, #tpu.memory_space<vmem>>[vector<16xi32>, vector<16xi32>, vector<16xi32>], vector<16xf32>,
      %parallel_loop3A_521 = arith.constant 1 : i32
      %parallel_loop3A_522 = arith.index_cast %parallel_loop3A_521 : i32 to index
      %parallel_loop3A_523 = arith.index_cast %parallel_loop3A_508 : i32 to index
      %parallel_loop3A_524 = arith.constant 16 : index
      %parallel_loop3A_525 = tpu.vector_load %arg6[%parallel_loop3A_522, %parallel_loop3A_523, %parallel_loop3A_524] {strides = array<i32>} : memref<2x128x64xf32, #tpu.memory_space<vmem>>, vector<16xf32>,
      %parallel_loop3A_526 = arith.constant 1 : i32
      %parallel_loop3A_527 = arith.constant 0 : i32
      %parallel_loop3A_528 = arith.constant 0 : i32
      %parallel_loop3A_529 = arith.constant 0 : i32
      %parallel_loop3A_530 = tpu.memref_slice %arg7[%parallel_loop3A_526, %parallel_loop3A_527, %parallel_loop3A_528, %parallel_loop3A_529] : memref<2x8x8x133xf32, #tpu.memory_space<vmem>> -> memref<1x8x8x133xf32, #tpu.memory_space<vmem>>
      %parallel_loop3A_531 = tpu.memref_squeeze %parallel_loop3A_530 : memref<1x8x8x133xf32, #tpu.memory_space<vmem>> -> memref<8x8x133xf32, #tpu.memory_space<vmem>>
      tpu.vector_store_idx %parallel_loop3A_531[%shift_right_arithmetic3A_13, %and3A_36, %parallel_loop3A_509], %parallel_loop3A_525 : memref<8x8x133xf32, #tpu.memory_space<vmem>>[vector<16xi32>, vector<16xi32>, vector<16xi32>], vector<16xf32>,
      %parallel_loop3A_532 = arith.constant 1 : i32
      %parallel_loop3A_533 = arith.index_cast %parallel_loop3A_532 : i32 to index
      %parallel_loop3A_534 = arith.index_cast %parallel_loop3A_508 : i32 to index
      %parallel_loop3A_535 = arith.constant 32 : index
      %parallel_loop3A_536 = tpu.vector_load %arg6[%parallel_loop3A_533, %parallel_loop3A_534, %parallel_loop3A_535] {strides = array<i32>} : memref<2x128x64xf32, #tpu.memory_space<vmem>>, vector<16xf32>,
      %parallel_loop3A_537 = arith.constant 1 : i32
      %parallel_loop3A_538 = arith.constant 0 : i32
      %parallel_loop3A_539 = arith.constant 0 : i32
      %parallel_loop3A_540 = arith.constant 0 : i32
      %parallel_loop3A_541 = tpu.memref_slice %arg7[%parallel_loop3A_537, %parallel_loop3A_538, %parallel_loop3A_539, %parallel_loop3A_540] : memref<2x8x8x133xf32, #tpu.memory_space<vmem>> -> memref<1x8x8x133xf32, #tpu.memory_space<vmem>>
      %parallel_loop3A_542 = tpu.memref_squeeze %parallel_loop3A_541 : memref<1x8x8x133xf32, #tpu.memory_space<vmem>> -> memref<8x8x133xf32, #tpu.memory_space<vmem>>
      tpu.vector_store_idx %parallel_loop3A_542[%shift_right_arithmetic3A_19, %and3A_42, %parallel_loop3A_509], %parallel_loop3A_536 : memref<8x8x133xf32, #tpu.memory_space<vmem>>[vector<16xi32>, vector<16xi32>, vector<16xi32>], vector<16xf32>,
      %parallel_loop3A_543 = arith.constant 1 : i32
      %parallel_loop3A_544 = arith.index_cast %parallel_loop3A_543 : i32 to index
      %parallel_loop3A_545 = arith.index_cast %parallel_loop3A_508 : i32 to index
      %parallel_loop3A_546 = arith.constant 48 : index
      %parallel_loop3A_547 = tpu.vector_load %arg6[%parallel_loop3A_544, %parallel_loop3A_545, %parallel_loop3A_546] {strides = array<i32>} : memref<2x128x64xf32, #tpu.memory_space<vmem>>, vector<16xf32>,
      %parallel_loop3A_548 = arith.constant 1 : i32
      %parallel_loop3A_549 = arith.constant 0 : i32
      %parallel_loop3A_550 = arith.constant 0 : i32
      %parallel_loop3A_551 = arith.constant 0 : i32
      %parallel_loop3A_552 = tpu.memref_slice %arg7[%parallel_loop3A_548, %parallel_loop3A_549, %parallel_loop3A_550, %parallel_loop3A_551] : memref<2x8x8x133xf32, #tpu.memory_space<vmem>> -> memref<1x8x8x133xf32, #tpu.memory_space<vmem>>
      %parallel_loop3A_553 = tpu.memref_squeeze %parallel_loop3A_552 : memref<1x8x8x133xf32, #tpu.memory_space<vmem>> -> memref<8x8x133xf32, #tpu.memory_space<vmem>>
      tpu.vector_store_idx %parallel_loop3A_553[%shift_right_arithmetic3A_25, %and3A_48, %parallel_loop3A_509], %parallel_loop3A_547 : memref<8x8x133xf32, #tpu.memory_space<vmem>>[vector<16xi32>, vector<16xi32>, vector<16xi32>], vector<16xf32>,
    } {sc.loop_unroll_factor = 8 : i64, sc.parallel_access}
    %mul3A_397 = arith.constant 200 : i32
    %mul3A_398 = arith.muli %add3A, %mul3A_397 : i32
    %add3A_399 = arith.constant 199 : i32
    %add3A_400 = arith.addi %mul3A_398, %add3A_399 : i32
    %jit3A_401 = arith.constant 32 : i32
    %div3A_402 = arith.divsi %add3A_400, %jit3A_401 : i32
    %sign3A_403 = arith.constant 0 : i32
    %sign3A_404 = arith.cmpi sgt, %add3A_400, %sign3A_403 : i32
    %sign3A_405 = arith.extui %sign3A_404 : i1 to i32
    %sign3A_406 = arith.constant 0 : i32
    %sign3A_407 = arith.cmpi slt, %add3A_400, %sign3A_406 : i32
    %sign3A_408 = arith.extui %sign3A_407 : i1 to i32
    %sign3A_409 = arith.subi %sign3A_405, %sign3A_408 : i32
    %sign3A_410 = arith.constant 0 : i32
    %sign3A_411 = arith.cmpi sgt, %jit3A_401, %sign3A_410 : i32
    %sign3A_412 = arith.extui %sign3A_411 : i1 to i32
    %sign3A_413 = arith.constant 0 : i32
    %sign3A_414 = arith.cmpi slt, %jit3A_401, %sign3A_413 : i32
    %sign3A_415 = arith.extui %sign3A_414 : i1 to i32
    %sign3A_416 = arith.subi %sign3A_412, %sign3A_415 : i32
    %ne3A_417 = arith.cmpi ne, %sign3A_409, %sign3A_416 : i32
    %rem3A_418 = arith.remsi %add3A_400, %jit3A_401 : i32
    %ne3A_419 = arith.constant 0 : i32
    %ne3A_420 = arith.cmpi ne, %rem3A_418, %ne3A_419 : i32
    %and3A_421 = arith.andi %ne3A_417, %ne3A_420 : i1
    %sub3A_422 = arith.constant 1 : i32
    %sub3A_423 = arith.subi %div3A_402, %sub3A_422 : i32
    %select_n3A_424 = arith.select %and3A_421, %sub3A_423, %div3A_402 : i32
    %jit3A_425 = arith.constant 32 : i32
    %eq3A_426 = arith.constant 0 : i32
    %eq3A_427 = arith.cmpi eq, %jit3A_425, %eq3A_426 : i32
    %jit3A_428 = arith.constant 1 : i32
    %select_n3A_429 = arith.select %eq3A_427, %jit3A_428, %jit3A_425 : i32
    %rem3A_430 = arith.remsi %add3A_400, %select_n3A_429 : i32
    %ne3A_431 = arith.constant 0 : i32
    %ne3A_432 = arith.cmpi ne, %rem3A_430, %ne3A_431 : i32
    %lt3A_433 = arith.constant 0 : i32
    %lt3A_434 = arith.cmpi slt, %rem3A_430, %lt3A_433 : i32
    %lt3A_435 = arith.constant 0 : i32
    %lt3A_436 = arith.cmpi slt, %select_n3A_429, %lt3A_435 : i32
    %ne3A_437 = arith.xori %lt3A_434, %lt3A_436 : i1
    %and3A_438 = arith.andi %ne3A_437, %ne3A_432 : i1
    %add3A_439 = arith.addi %rem3A_430, %select_n3A_429 : i32
    %select_n3A_440 = arith.select %and3A_438, %add3A_439, %rem3A_430 : i32
    %dma_start3A_441 = arith.constant 1 : i32
    %dma_start3A_442 = arith.constant 0 : i32
    %dma_start3A_443 = arith.constant 0 : i32
    %dma_start3A_444 = arith.constant 0 : i32
    %dma_start3A_445 = tpu.memref_slice %arg7[%dma_start3A_441, %dma_start3A_442, %dma_start3A_443, %dma_start3A_444] : memref<2x8x8x133xf32, #tpu.memory_space<vmem>> -> memref<1x8x8x128xf32, #tpu.memory_space<vmem>>
    %dma_start3A_446 = tpu.memref_squeeze %dma_start3A_445 : memref<1x8x8x128xf32, #tpu.memory_space<vmem>> -> memref<8x8x128xf32, #tpu.memory_space<vmem>>
    %dma_start3A_447 = arith.constant 0 : i32
    %dma_start3A_448 = arith.constant 0 : i32
    %dma_start3A_449 = arith.constant 0 : i32
    %dma_start3A_450 = tpu.memref_slice %arg4[%select_n3A_424, %dma_start3A_447, %select_n3A_440, %dma_start3A_448, %dma_start3A_449] : memref<200x8x32x8x128xf32, #tpu.memory_space<hbm>> -> memref<1x8x1x8x128xf32, #tpu.memory_space<hbm>>
    %dma_start3A_451 = tpu.memref_squeeze %dma_start3A_450 : memref<1x8x1x8x128xf32, #tpu.memory_space<hbm>> -> memref<8x8x128xf32, #tpu.memory_space<hbm>>
    %dma_start3A_452 = arith.constant 0 : i32
    %dma_start3A_453 = arith.constant 0 : i32
    %dma_start3A_454 = arith.constant 0 : i32
    %dma_start3A_455 = tpu.memref_slice %arg4[%select_n3A_424, %dma_start3A_452, %select_n3A_440, %dma_start3A_453, %dma_start3A_454] : memref<200x8x32x8x128xf32, #tpu.memory_space<hbm>> -> memref<1x8x1x8x128xf32, #tpu.memory_space<hbm>>
    %dma_start3A_456 = tpu.memref_squeeze %dma_start3A_455 : memref<1x8x1x8x128xf32, #tpu.memory_space<hbm>> -> memref<8x8x128xf32, #tpu.memory_space<hbm>>
    %dma_start3A_457 = arith.constant 0 : i32
    %dma_start3A_458 = arith.constant 0 : i32
    %dma_start3A_459 = arith.constant 0 : i32
    %dma_start3A_460 = tpu.memref_slice %arg7[%dma_start3A_441, %dma_start3A_457, %dma_start3A_458, %dma_start3A_459] : memref<2x8x8x133xf32, #tpu.memory_space<vmem>> -> memref<1x8x8x128xf32, #tpu.memory_space<vmem>>
    %dma_start3A_461 = tpu.memref_squeeze %dma_start3A_460 : memref<1x8x8x128xf32, #tpu.memory_space<vmem>> -> memref<8x8x128xf32, #tpu.memory_space<vmem>>
    tpu.enqueue_dma source(%dma_start3A_461 : memref<8x8x128xf32, #tpu.memory_space<vmem>>) target(%dma_start3A_456 : memref<8x8x128xf32, #tpu.memory_space<hbm>>) target_semaphore(%arg11 : memref<!tpu.dma_semaphore, #tpu.memory_space<semaphore_mem>>)
    %dma_wait3A_462 = arith.constant 0 : i32
    %dma_wait3A_463 = arith.constant 0 : i32
    %dma_wait3A_464 = arith.constant 0 : i32
    %dma_wait3A_465 = arith.constant 0 : i32
    %dma_wait3A_466 = arith.constant 0 : i32
    %dma_wait3A_467 = arith.constant 0 : i32
    %dma_wait3A_468 = tpu.memref_slice %arg7[%dma_wait3A_462, %dma_wait3A_465, %dma_wait3A_466, %dma_wait3A_467] : memref<2x8x8x133xf32, #tpu.memory_space<vmem>> -> memref<1x8x8x128xf32, #tpu.memory_space<vmem>>
    %dma_wait3A_469 = tpu.memref_squeeze %dma_wait3A_468 : memref<1x8x8x128xf32, #tpu.memory_space<vmem>> -> memref<8x8x128xf32, #tpu.memory_space<vmem>>
    %dma_wait3A_470 = arith.constant 0 : i32
    %dma_wait3A_471 = arith.constant 0 : i32
    %dma_wait3A_472 = arith.constant 0 : i32
    %dma_wait3A_473 = tpu.memref_slice %arg4[%dma_wait3A_463, %dma_wait3A_470, %dma_wait3A_464, %dma_wait3A_471, %dma_wait3A_472] : memref<200x8x32x8x128xf32, #tpu.memory_space<hbm>> -> memref<1x8x1x8x128xf32, #tpu.memory_space<hbm>>
    %dma_wait3A_474 = tpu.memref_squeeze %dma_wait3A_473 : memref<1x8x1x8x128xf32, #tpu.memory_space<hbm>> -> memref<8x8x128xf32, #tpu.memory_space<hbm>>
    %dma_wait3A_475 = arith.constant 0 : i32
    %dma_wait3A_476 = arith.constant 0 : i32
    %dma_wait3A_477 = arith.constant 0 : i32
    %dma_wait3A_478 = tpu.memref_slice %arg4[%dma_wait3A_463, %dma_wait3A_475, %dma_wait3A_464, %dma_wait3A_476, %dma_wait3A_477] : memref<200x8x32x8x128xf32, #tpu.memory_space<hbm>> -> memref<1x8x1x8x128xf32, #tpu.memory_space<hbm>>
    %dma_wait3A_479 = tpu.memref_squeeze %dma_wait3A_478 : memref<1x8x1x8x128xf32, #tpu.memory_space<hbm>> -> memref<8x8x128xf32, #tpu.memory_space<hbm>>
    %dma_wait3A_480 = arith.constant 0 : i32
    %dma_wait3A_481 = arith.constant 0 : i32
    %dma_wait3A_482 = arith.constant 0 : i32
    %dma_wait3A_483 = tpu.memref_slice %arg7[%dma_wait3A_462, %dma_wait3A_480, %dma_wait3A_481, %dma_wait3A_482] : memref<2x8x8x133xf32, #tpu.memory_space<vmem>> -> memref<1x8x8x128xf32, #tpu.memory_space<vmem>>
    %dma_wait3A_484 = tpu.memref_squeeze %dma_wait3A_483 : memref<1x8x8x128xf32, #tpu.memory_space<vmem>> -> memref<8x8x128xf32, #tpu.memory_space<vmem>>
    tpu.wait_dma2 semaphore(%arg10 : memref<!tpu.dma_semaphore, #tpu.memory_space<semaphore_mem>>) src(%dma_wait3A_484 : memref<8x8x128xf32, #tpu.memory_space<vmem>>) dst(%dma_wait3A_479 : memref<8x8x128xf32, #tpu.memory_space<hbm>>)
    %dma_wait3A_485 = arith.constant 1 : i32
    %dma_wait3A_486 = arith.constant 0 : i32
    %dma_wait3A_487 = arith.constant 0 : i32
    %dma_wait3A_488 = arith.constant 0 : i32
    %dma_wait3A_489 = arith.constant 0 : i32
    %dma_wait3A_490 = arith.constant 0 : i32
    %dma_wait3A_491 = tpu.memref_slice %arg7[%dma_wait3A_485, %dma_wait3A_488, %dma_wait3A_489, %dma_wait3A_490] : memref<2x8x8x133xf32, #tpu.memory_space<vmem>> -> memref<1x8x8x128xf32, #tpu.memory_space<vmem>>
    %dma_wait3A_492 = tpu.memref_squeeze %dma_wait3A_491 : memref<1x8x8x128xf32, #tpu.memory_space<vmem>> -> memref<8x8x128xf32, #tpu.memory_space<vmem>>
    %dma_wait3A_493 = arith.constant 0 : i32
    %dma_wait3A_494 = arith.constant 0 : i32
    %dma_wait3A_495 = arith.constant 0 : i32
    %dma_wait3A_496 = tpu.memref_slice %arg4[%dma_wait3A_486, %dma_wait3A_493, %dma_wait3A_487, %dma_wait3A_494, %dma_wait3A_495] : memref<200x8x32x8x128xf32, #tpu.memory_space<hbm>> -> memref<1x8x1x8x128xf32, #tpu.memory_space<hbm>>
    %dma_wait3A_497 = tpu.memref_squeeze %dma_wait3A_496 : memref<1x8x1x8x128xf32, #tpu.memory_space<hbm>> -> memref<8x8x128xf32, #tpu.memory_space<hbm>>
    %dma_wait3A_498 = arith.constant 0 : i32
    %dma_wait3A_499 = arith.constant 0 : i32
    %dma_wait3A_500 = arith.constant 0 : i32
    %dma_wait3A_501 = tpu.memref_slice %arg4[%dma_wait3A_486, %dma_wait3A_498, %dma_wait3A_487, %dma_wait3A_499, %dma_wait3A_500] : memref<200x8x32x8x128xf32, #tpu.memory_space<hbm>> -> memref<1x8x1x8x128xf32, #tpu.memory_space<hbm>>
    %dma_wait3A_502 = tpu.memref_squeeze %dma_wait3A_501 : memref<1x8x1x8x128xf32, #tpu.memory_space<hbm>> -> memref<8x8x128xf32, #tpu.memory_space<hbm>>
    %dma_wait3A_503 = arith.constant 0 : i32
    %dma_wait3A_504 = arith.constant 0 : i32
    %dma_wait3A_505 = arith.constant 0 : i32
    %dma_wait3A_506 = tpu.memref_slice %arg7[%dma_wait3A_485, %dma_wait3A_503, %dma_wait3A_504, %dma_wait3A_505] : memref<2x8x8x133xf32, #tpu.memory_space<vmem>> -> memref<1x8x8x128xf32, #tpu.memory_space<vmem>>
    %dma_wait3A_507 = tpu.memref_squeeze %dma_wait3A_506 : memref<1x8x8x128xf32, #tpu.memory_space<vmem>> -> memref<8x8x128xf32, #tpu.memory_space<vmem>>
    tpu.wait_dma2 semaphore(%arg11 : memref<!tpu.dma_semaphore, #tpu.memory_space<semaphore_mem>>) src(%dma_wait3A_507 : memref<8x8x128xf32, #tpu.memory_space<vmem>>) dst(%dma_wait3A_502 : memref<8x8x128xf32, #tpu.memory_space<hbm>>)
    return
  }
}

</mosaic_0001>

<sc_bundles>
// kernel: kernel.3.cloned.1.call-start
scs
__scs_entry_jumppad:
0x0: {  	(pc) =	sbr.rel $0x88, $3  }
0x1: {  	(tag) =	ssettag $0x0;
	lr =	simm.s32 $0x1  }
0x2: {  	[smem:$0x3F9F] =	sst lr;
	_ =	strace $0xD0000000  }
0x3: {  	_ = 	snop  }
0x4: {  	_ = 	snop  }
0x5: {  	_ = 	snop  }
0x6: {  	_ = 	snop  }
0x7: {  	_ = 	snop  }
__scs_overlays_trampoline_lowered:
0x8: {  	[smem:$0x3FAE] =	sst s0  }
0x9: {  	[smem:$0x3FAF] =	sst s1  }
0xa: {  	[smem:$0x3FB0] =	sst s2  }
0xb: {  	[smem:$0x3FB1] =	sst s3  }
0xc: {  	[smem:$0x3FB2] =	sst s4  }
0xd: {  	[smem:$0x3FB3] =	sst s5  }
0xe: {  	[smem:$0x3FB4] =	sst s6  }
0xf: {  	[smem:$0x3FB5] =	sst s7  }
0x10: {  	[smem:$0x3FB6] =	sst s8  }
0x11: {  	[smem:$0x3FB7] =	sst s9;
	s0 =	simm.s32 @!p0 $0x0  }
0x12: {  	s1 =	sld [smem:$0x3F9D];
	s0 =	simm.s32 @p0 $0x1  }
0x13: {  	[smem:$0x3FB8] =	sst s0;
	s0 =	simm.s32 @!p1 $0x0  }
0x14: {  	s2 =	sld [smem:$0x3F9C];
	s0 =	simm.s32 @p1 $0x1  }
0x15: {  	[smem:$0x3FB9] =	sst s0;
	s0 =	simm.s32 @!p2 $0x0  }
0x16: {  	s3 =	sld [smem:$0x3FDB];
	s0 =	simm.s32 @p2 $0x1  }
0x17: {  	s4 =	simm.s32 $0x1BF5;
	[smem:$0x3FBB] =	sst s0  }
0x18: {  	s0 =	sld [smem:$0x3F9E];
	_ =	swait.ge [sflag:s4], $0x0  }
0x19: {  	s7 =	sld [smem:$0x3F9F]  }
0x1a: {  	s8 =	sadd.s32 $0xFFFFE003, lr  }
0x1b: {  	s9 =	sadd.s32 $0xFFFFFEF7, lr;
	s5 =	simm.s32 $0xFFFFFFFF;
	p2 =	slt.u32 s8, $0xFFFFF086  }
0x1c: {  	p1 =	slt.u32 s9, $0xF7A;
	s5 =	simm.s32 @!p2 $0x0  }
0x1d: {  	s5 =	simm.s32 @p1 $0x1;
	p0 =	seq.s32 s7, s2  }
0x1e: {  	s7 =	smul.u32 @!p0 $0xF7A, s2;
	p2 =	seq.s32 @!p0 s5, $0x0  }
0x1f: {  	s9 =	smul.u32 $0xF7A, s1;
	s8 =	simm.s32 @!p0 $0x1BF5;
	p2 =	por !p2, p0  }
0x20: {  	[sflag:s8] =	ssyncset.s32 @!p0 $0xFFFFF086;
	s6 =	sadd.s32 @!p0 s3, s7;
	s7 =	simm.s32 @!p0 $0x108  }
0x21: {  	s3 =	sadd.s32 s3, s9;
	s6 =	sadd.s32 @!p0 $0x88, s6;
	s7 =	simm.s32 @p2 $0x1082  }
0x22: {  	[simem:s7], [sflag:s8] =	dma.local @!p0 [hbm:s6], $0xF7A  }
0x23: {  	s9 =	sor.u32 $0xD0000000, s2;
	s6 =	simm.s32 $0x108;
	_ =	swait.ge @!p0 [sflag:s8], $0x0  }
0x24: {  	s3 =	sadd.s32 $0x88, s3;
	s6 =	simm.s32 @!p1 $0x1082;
	[sflag:s4] =	ssyncset.s32 $0xFFFFF086  }
0x25: {  	[simem:s6], [sflag:s4] =	dma.local [hbm:s3], $0xF7A  }
0x26: {  	[smem:$0x3F9F] =	sst s1;
	(tag) =	ssettag s2;
	_ =	strace s9  }
0x27: {  	s1 =	sld [smem:$0x3FAF]  }
0x28: {  	s2 =	sld [smem:$0x3FB0]  }
0x29: {  	s4 =	sld [smem:$0x3FB2]  }
0x2a: {  	p0 =	seq.s32 s5, $0x0;
	s5 =	sld [smem:$0x3FB3]  }
0x2b: {  	s6 =	sld [smem:$0x3FB4]  }
0x2c: {  	s7 =	sld [smem:$0x3FB5]  }
0x2d: {  	s3 =	simm.s32 $0x108;
	s8 =	sld [smem:$0x3FB6]  }
0x2e: {  	s3 =	simm.s32 @!p0 $0x1082;
	s9 =	sld [smem:$0x3FB7]  }
0x2f: {  	lr =	sadd.s32 s0, s3;
	s0 =	sld [smem:$0x3FAE]  }
0x30: {  	s3 =	sld [smem:$0x3FB1]  }
0x31: {  	[smem:$0x3FBA] =	sst s10  }
0x32: {  	s10 =	sld [smem:$0x3FB8];
	_ =	sdelay $0x3  }
0x33: {  	p0 =	seq.s32 s10, $0x1;
	s10 =	sld [smem:$0x3FBA];
	_ =	sdelay $0x3  }
0x34: {  	[smem:$0x3FBA] =	sst s10  }
0x35: {  	s10 =	sld [smem:$0x3FB9];
	_ =	sdelay $0x3  }
0x36: {  	p1 =	seq.s32 s10, $0x1;
	s10 =	sld [smem:$0x3FBA];
	_ =	sdelay $0x3  }
0x37: {  	[smem:$0x3FBA] =	sst s10  }
0x38: {  	s10 =	sld [smem:$0x3FBB]  }
0x39: {  	_ = 	snop;
	(pc) =	sbr.ind lr, $3  }
0x3a: {  	_ = 	snop  }
0x3b: {  	_ = 	snop  }
0x3c: {  	p2 =	seq.s32 s10, $0x1;
	s10 =	sld [smem:$0x3FBA]  }
0x3d: {  	_ =	shalt  }
0x3e: {  	_ =	shalt  }
0x3f: {  	_ =	shalt  }
0x40: {  	_ =	shalt  }
0x41: {  	_ =	shalt  }
0x42: {  	_ =	shalt  }
0x43: {  	_ =	shalt  }
0x44: {  	_ =	shalt  }
0x45: {  	_ =	shalt  }
0x46: {  	_ =	shalt  }
0x47: {  	_ =	shalt  }
0x48: {  	_ =	shalt  }
0x49: {  	_ =	shalt  }
0x4a: {  	_ =	shalt  }
0x4b: {  	_ =	shalt  }
0x4c: {  	_ =	shalt  }
0x4d: {  	_ =	shalt  }
0x4e: {  	_ =	shalt  }
0x4f: {  	_ =	shalt  }
0x50: {  	_ =	shalt  }
0x51: {  	_ =	shalt  }
0x52: {  	_ =	shalt  }
0x53: {  	_ =	shalt  }
0x54: {  	_ =	shalt  }
0x55: {  	_ =	shalt  }
0x56: {  	_ =	shalt  }
0x57: {  	_ =	shalt  }
0x58: {  	_ =	shalt  }
0x59: {  	_ =	shalt  }
0x5a: {  	_ =	shalt  }
0x5b: {  	_ =	shalt  }
0x5c: {  	_ =	shalt  }
0x5d: {  	_ =	shalt  }
0x5e: {  	_ =	shalt  }
0x5f: {  	_ =	shalt  }
0x60: {  	_ =	shalt  }
0x61: {  	_ =	shalt  }
0x62: {  	_ =	shalt  }
0x63: {  	_ =	shalt  }
0x64: {  	_ =	shalt  }
0x65: {  	_ =	shalt  }
0x66: {  	_ =	shalt  }
0x67: {  	_ =	shalt  }
0x68: {  	_ =	shalt  }
0x69: {  	_ =	shalt  }
0x6a: {  	_ =	shalt  }
0x6b: {  	_ =	shalt  }
0x6c: {  	_ =	shalt  }
0x6d: {  	_ =	shalt  }
0x6e: {  	_ =	shalt  }
0x6f: {  	_ =	shalt  }
0x70: {  	_ =	shalt  }
0x71: {  	_ =	shalt  }
0x72: {  	_ =	shalt  }
0x73: {  	_ =	shalt  }
0x74: {  	_ =	shalt  }
0x75: {  	_ =	shalt  }
0x76: {  	_ =	shalt  }
0x77: {  	_ =	shalt  }
0x78: {  	_ =	shalt  }
0x79: {  	_ =	shalt  }
0x7a: {  	_ =	shalt  }
0x7b: {  	_ =	shalt  }
0x7c: {  	_ =	shalt  }
0x7d: {  	_ =	shalt  }
0x7e: {  	_ =	shalt  }
0x7f: {  	_ =	shalt  }
0x80: {  	_ =	shalt  }
0x81: {  	_ =	shalt  }
0x82: {  	_ =	shalt  }
0x83: {  	_ =	shalt  }
0x84: {  	_ =	shalt  }
0x85: {  	_ =	shalt  }
0x86: {  	_ =	shalt  }
0x87: {  	_ =	shalt  }
.Lfunc_end0:
.L_simem_size_0:
called_computation_lowered:
.L_overlay_start_0:
0x88: {  	s2 =	sld [smem:$0x3FD9]  }
0x89: {  	s3 =	sld [smem:$0x3FFE];
	_ =	sdelay $0x1  }
0x8a: {  	s1 =	srdreg.scid  }
0x8b: {  	s0 =	sand.u32 $0x1, s1  }
0x8c: {  	s17 =	sshll.u32 s0, $0xA;
	s2 =	sadd.s32 s3, s2  }
0x8d: {  	s2 =	sadd.s32 s2, s17  }
0x8e: {  	[smem:$0x3FC6] =	sst s2  }
0x8f: {  	_ = 	snop  }
0x90: {  	s2 =	sld [smem:$0x3FD0];
	(tm) =	ssettm $0x1  }
0x91: {  	s18 =	sld [smem:$0x3FFB];
	_ =	sdelay $0x3  }
0x92: {  	_ =	strace s18  }
0x93: {  	s3 =	sld [smem:$0x3FFC];
	_ =	sdelay $0x3  }
0x94: {  	_ =	strace s3  }
0x95: {  	s3 =	sld [smem:$0x3FFD];
	_ =	sdelay $0x3  }
0x96: {  	_ =	strace s3  }
0x97: {  	_ =	strace $0x8FFFFFFF  }
0x98: {  	s19 =	sld [smem:$0x3FDB];
	_ =	sdelay $0x1  }
0x99: {  	s4 =	simm.s32 $_scs_section_size  }
0x9a: {  	s5 =	simm.s32 $_size__tile_overlayer_lowered;
	s6 =	simm.s32 $_tile_overlayer_lowered  }
0x9b: {  	s22 =	simm.s32 $0x1BFF;
	s21 =	sshll.u32 s6, $0x1;
	s3 =	sadd.s32 s4, s19  }
0x9c: {  	s7 =	simm.s32 $0x0;
	s20 =	sshll.u32 s5, $0x1;
	s5 =	sadd.s32 s21, s3  }
0x9d: {  	[timem:s7], [sflag:s22] =	dma.local [hbm:s5], s20  }
0x9e: {  	_ =	swait.ge [sflag:s22], s20  }
0x9f: {  	s4 =	ssub.s32 $0x0, s20;
	[sflag:s22] =	ssyncset.done $0x0  }
0xa0: {  	[sflag:s22] =	ssyncadd.s32 s4;
	_ =	sdelay $0x1  }
0xa1: {  	s23 =	simm.s32 $0x1B8B  }
0xa2: {  	_ =	swait.ge [sflag:s23], $0x1  }
0xa3: {  	[sflag:s23] =	ssyncset.done $0x0  }
0xa4: {  	s25 =	simm.s32 $0x1B8E;
	s24 =	sld [smem:$0x3FFE];
	[sflag:s23] =	ssyncadd.s32 $0xFFFFFFFF  }
0xa5: {  	s26 =	simm.s32 $execute0_lowered;
	[smem:$0x3FD2] =	sst s25  }
0xa6: {  	s5 =	sshll.u32 s26, $0x1;
	_ =	strace $0x80000046;
	[dreg:$0x1] =	wrdreg $0xFFFFFFFF  }
0xa7: {  	s28 =	simm.s32 $_size_execute0_lowered;
	s3 =	sadd.s32 s3, s5;
	[dreg:$0x0] =	wrdreg $0x0  }
0xa8: {  	s5 =	sshll.u32 s28, $0x1;
	[dreg:$0x2] =	wrdreg s3  }
0xa9: {  	[dreg:$0x3] =	wrdreg s5  }
0xaa: {  	[dreg:$0x4] =	wrdreg $0xC0  }
0xab: {  	_ =	task [dreg:s7], $0x5FFFF  }
0xac: {  	[dreg:$0x1] =	wrdreg $0xFFFFFFFF  }
0xad: {  	[dreg:$0x0] =	wrdreg $0x60  }
0xae: {  	[dreg:$0x2] =	wrdreg s24  }
0xaf: {  	[dreg:$0x3] =	wrdreg s2  }
0xb0: {  	[dreg:$0x4] =	wrdreg $0x9  }
0xb1: {  	_ =	task.clear_ibuf [dreg:s7], $0x5FFFF;
	_ =	strace $0x90000046  }
0xb2: {  	s29 =	simm.s32 $0x9;
	_ =	strace $0x80000048  }
0xb3: {  	_ =	swait.ge [sflag:s29], $0x1  }
0xb4: {  	[sflag:s29] =	ssyncadd.s32 $0xFFFFFFFF  }
0xb5: {  	_ =	strace $0x90000048  }
0xb6: {  	_ =	sfence  }
0xb7: {  	s30 =	sld [smem:$0x0];
	_ =	sdelay $0x2  }
0xb8: {  	s31 =	sshll.u32 s1, $0xD;
	s1 =	sshrl.u32 s1, $0x2  }
0xb9: {  	s3 =	sand.u32 $0x4000, s31;
	s1 =	sadd.s32 s1, s30  }
0xba: {  	s0 =	sor.u32 s3, s0;
	s1 =	sshll.u32 s1, $0x11  }
0xbb: {  	s0 =	sor.u32 s1, s0  }
0xbc: {  	s0 =	sadd.s32 $0x8F2B, s0  }
0xbd: {  	[sflag:s0] =	ssyncadd.remote.s32 $0x1  }
0xbe: {  	_ =	sfence.sel $0xFFFF  }
0xbf: {  	[dreg:$0x0] =	wrdreg $0xFFFFFFFF;
	(pc) =	sbr.abs _section_cstart, $3  }
0xc0: {  	[dreg:$0x1] =	wrdreg $0xFFFFFFFF  }
0xc1: {  	_ =	task.clear_ibuf [dreg:s7], $0x2FFFF;
	_ =	strace $0x9FFFFFFF  }
0xc2: {  	(tm) =	ssettm $0x7FFFFFFF  }
0xc3: {  	_ =	shalt  }
tec
execute0_lowered:
.L_overlay_start_1:
0x0: {  	(tag) =	ssettag $0x1  }
0x1: {  	s0 =	srdreg.scid;
	s2 =	stileid.u32  }
0x2: {  	s1 =	rddreg [dreg:$0x0];
	s14 =	simm.s32 $0x80;
	s15 =	simm.s32 $0x6400  }
0x3: {  	s16 =	simm.s32 $0x8400;
	s17 =	simm.s32 $0x1;
	s18 =	simm.s32 $0xA400  }
0x4: {  	s20 =	simm.s32 $0x2;
	s21 =	simm.s32 $0xC600;
	s23 =	simm.s32 $0x3  }
0x5: {  	v0 =	vlaneseq.u32;
	s24 =	simm.s32 $0x4;
	s0 =	sand.u32 $0x1, s0;
	s3 =	sshll.u32 s2, $0x1  }
0x6: {  	s25 =	simm.s32 $0x0;
	s2 =	rddreg [dreg:$0x1];
	v0 =	vmul.u32 $0x88, v0;
	s5 =	sor.u32 s0, s3  }
0x7: {  	v1 =	vimm.s32 $0x0;
	vm0 =	vcmask $0x300;
	s3 =	simm.s32 $0x0;
	s0 =	ssub.s32 $0x2, s0;
	s4 =	smul.u32 $0x190000, s5  }
0x8: {  	v1 =	vsel vm0, $0x3, v1;
	[smem:$0x7FF] =	sst s3;
	s6 =	sshll.u32 s5, $0xD;
	s7 =	smul.u32 $0xC80, s5;
	v2 =	vadd.s32 $0x880, v0  }
0x9: {  	s28 =	sshrl.u32 s0, $0x1;
	s10 =	smul.u32 $0xC8, s5;
	v3 =	vadd.s32 $0x1100, v0;
	v4 =	vadd.s32 $0x1980, v0;
	v5 =	vor.u32 $0x1, v0;
	_ =	strace $0x80000047  }
0xa: {  	v6 =	vadd.s32 $0x881, v0;
	v7 =	vadd.s32 $0x1101, v0;
	v8 =	vadd.s32 $0x1981, v0;
	s0 =	ssub.s32 s0, s28;
	s6 =	sor.u32 s6, s4;
	s4 =	sadd.s32 $0xF42A00, s1  }
0xb: {  	v9 =	vor.u32 $0x2, v0;
	v10 =	vadd.s32 $0x882, v0;
	v11 =	vadd.s32 $0x1102, v0;
	s1 =	sadd.s32 s7, s1;
	s8 =	sor.u32 $0x2, s10;
	s9 =	sor.u32 $0x3, s10  }
0xc: {  	v12 =	vadd.s32 $0x1982, v0;
	v13 =	vor.u32 $0x3, v0;
	v14 =	vadd.s32 $0x883, v0;
	s29 =	sadd.s32 $0xC6, s10;
	s10 =	sadd.s32 $0xC7, s10;
	s6 =	sand.u32 $0x3FC6000, s6  }
0xd: {  	v15 =	vadd.s32 $0x1103, v0;
	v16 =	vadd.s32 $0x1983, v0;
	v17 =	vor.u32 $0x4, v0;
	s11 =	sshll.u32 s29, $0xA;
	s12 =	sshll.u32 s10, $0x7;
	s13 =	sshll.u32 s10, $0xA  }
0xe: {  	v18 =	vadd.s32 $0x884, v0;
	v19 =	vadd.s32 $0x1104, v0;
	v20 =	vadd.s32 $0x1984, v0;
	s6 =	sshrl.u32 s6, $0x3;
	s11 =	sand.u32 $0xFF8000, s11;
	s12 =	sand.u32 $0xF80, s12  }
0xf: {  	v21 =	vor.u32 $0x5, v0;
	v22 =	vadd.s32 $0x885, v0;
	v23 =	vadd.s32 $0x1105, v0;
	s5 =	sadd.s32 s2, s6;
	s6 =	sadd.s32 $0x600, s1;
	s1 =	sshll.u32 s29, $0x7  }
0x10: {  	v24 =	vadd.s32 $0x1985, v0;
	v25 =	vor.u32 $0x6, v0;
	v26 =	vadd.s32 $0x886, v0;
	s30 =	sand.u32 $0xFF8000, s13;
	s13 =	simm.s32 $0x5;
	s1 =	sand.u32 $0xF00, s1  }
0x11: {  	v27 =	vadd.s32 $0x1106, v0;
	v28 =	vadd.s32 $0x1986, v0;
	v29 =	vor.u32 $0x7, v0;
	s31 =	sadd.s32 s2, s12;
	s12 =	smax.u32 s0, $0x1;
	s1 =	sadd.s32 s2, s1  }
0x12: {  	v30 =	vadd.s32 $0x887, v0;
	v31 =	vadd.s32 $0x1107, v0;
	v32 =	vadd.s32 $0x1987, v0;
	s7 =	sadd.s32 $0x80, s5;
	s10 =	sadd.s32 s11, s1;
	s11 =	sadd.s32 s30, s31  }
.LBB2_1:
0x13: {  	[tilespmem:s3], [sflag:$0x5] =	stream.linear.gather [hbm4b:s6+s3], $0x6400, $0x38;
	[tilespmem:$0xE800] =	vst v63  }
0x14: {  	s0 =	simm.s32 $0x1  }
0x15: {  	s1 =	simm.s32 $0x2;
	s22 =	simm.s32 $0x3;
	_ =	swait.ge [sflag:s13], $0x6400  }
0x16: {  	s26 =	simm.s32 $0x4;
	s19 =	simm.s32 $0x7;
	[sflag:s13] =	ssyncset.done $0x0  }
0x17: {  	v33 =	vmov s3;
	s29 =	simm.s32 $0x5;
	s30 =	simm.s32 $0x6;
	v34 =	vmov s0;
	v35 =	vmov s1;
	[sflag:s13] =	ssyncadd.s32 $0xFFFF9C00  }
0x18: {  	v33 =	vshrl.u32 v33, $0x3;
	v36 =	vmov s22;
	v37 =	vmov s26;
	[tilespmem:s15], [sflag:$0x1] =	stream.indirect.gather [hbm4b:s4+s14], $0x40, s3, s14, $0xb8;
	[tilespmem:$0xE800] =	vst v63  }
0x19: {  	v38 =	vmov s19;
	v39 =	vmov s29;
	v40 =	vmov s30  }
0x1a: {  	v33 =	vshll.u32 v33, v1;
	v38 =	vshrl.u32 v38, $0x3;
	v34 =	vshrl.u32 v34, $0x3;
	[tilespmem:s16], [sflag:$0x2] =	stream.indirect.gather [hbm4b:s4+s14], $0x40, s14, s14, $0xb8;
	[tilespmem:$0xE800] =	vst v63  }
0x1b: {  	v35 =	vshrl.u32 v35, $0x3;
	v36 =	vshrl.u32 v36, $0x3;
	v38 =	vshll.u32 v38, v1;
	_ =	swait.ge [sflag:s17], $0x2000  }
0x1c: {  	v37 =	vshrl.u32 v37, $0x3;
	v55 =	vshrl.u32 v39, $0x3;
	v38 =	vbroadcast v38, $0x0;
	[sflag:s17] =	ssyncset.done $0x0  }
0x1d: {  	s26 =	simm.s32 $0x6500;
	v40 =	vshrl.u32 v40, $0x3;
	v33 =	vbroadcast v33, $0x0;
	v34 =	vshll.u32 v34, v1;
	[sflag:s17] =	ssyncadd.s32 $0xFFFFE000  }
0x1e: {  	v52 =	vshll.u32 v35, v1;
	v45 =	vbroadcast v34, $0x0;
	v42 =	vadd.s32 v29, v38;
	v41 =	vld [tilespmem:s26+$0xC0]  }
0x1f: {  	v53 =	vshll.u32 v36, v1;
	v52 =	vbroadcast v52, $0x0;
	v44 =	vadd.s32 v0, v33;
	v43 =	vld [tilespmem:s26+$0xFFFFFF00]  }
0x20: {  	v54 =	vshll.u32 v37, v1;
	v35 =	vbroadcast v53, $0x0;
	v47 =	vadd.s32 v5, v45;
	v46 =	vld [tilespmem:s26+$0xFFFFFF40]  }
0x21: {  	v36 =	vshll.u32 v55, v1;
	v34 =	vbroadcast v54, $0x0;
	v49 =	vadd.s32 v9, v52;
	v48 =	vld [tilespmem:s26+$0xFFFFFF80]  }
0x22: {  	v56 =	vshll.u32 v40, v1;
	v37 =	vbroadcast v36, $0x0;
	v50 =	vadd.s32 v13, v35;
	v39 =	vld [tilespmem:s26+$0xFFFFFFC0]  }
0x23: {  	v36 =	vbroadcast v56, $0x0;
	v53 =	vadd.s32 v17, v34;
	v51 =	vld [tilespmem:s26+$0x0];
	[tilespmem:v42+s18+$0x0] =	vst.idx.msk $0xffff, v41  }
0x24: {  	v60 =	vadd.s32 v21, v37;
	v59 =	vld [tilespmem:s26+$0x40];
	[tilespmem:v44+s18+$0x0] =	vst.idx.msk $0xffff, v43  }
0x25: {  	v62 =	vadd.s32 v25, v36;
	v61 =	vld [tilespmem:s26+$0x80];
	[tilespmem:v47+s18+$0x0] =	vst.idx.msk $0xffff, v46  }
0x26: {  	v58 =	vadd.s32 v30, v38;
	[tilespmem:v49+s18+$0x0] =	vst.idx.msk $0xffff, v48;
	v57 =	vld [tilespmem:s26+$0xD0]  }
0x27: {  	v63 =	vadd.s32 v6, v45;
	[tilespmem:v50+s18+$0x0] =	vst.idx.msk $0xffff, v39;
	v47 =	vld [tilespmem:s26+$0xFFFFFF50]  }
0x28: {  	v55 =	vadd.s32 v10, v52;
	[tilespmem:v53+s18+$0x0] =	vst.idx.msk $0xffff, v51;
	v54 =	vld [tilespmem:s26+$0xFFFFFF90]  }
0x29: {  	v56 =	vadd.s32 v14, v35;
	[tilespmem:v60+s18+$0x0] =	vst.idx.msk $0xffff, v59;
	v50 =	vld [tilespmem:s26+$0xFFFFFFD0]  }
0x2a: {  	[tilespmem:v62+s18+$0x0] =	vst.idx.msk $0xffff, v61;
	v46 =	vadd.s32 v22, v37;
	v44 =	vld [tilespmem:s26+$0x50]  }
0x2b: {  	v59 =	vadd.s32 v18, v34;
	[tilespmem:v58+s18+$0x0] =	vst.idx.msk $0xffff, v57;
	v58 =	vld [tilespmem:s26+$0x10]  }
0x2c: {  	v57 =	vadd.s32 v31, v38;
	[tilespmem:v63+s18+$0x0] =	vst.idx.msk $0xffff, v47;
	v40 =	vld [tilespmem:s26+$0xE0]  }
0x2d: {  	v60 =	vadd.s32 v26, v36;
	[tilespmem:v55+s18+$0x0] =	vst.idx.msk $0xffff, v54;
	v63 =	vld [tilespmem:s26+$0x90]  }
0x2e: {  	v62 =	vadd.s32 v2, v33;
	v61 =	vld [tilespmem:s26+$0xFFFFFF10];
	[tilespmem:v56+s18+$0x0] =	vst.idx.msk $0xffff, v50  }
0x2f: {  	v51 =	vadd.s32 v7, v45;
	[tilespmem:v46+s18+$0x0] =	vst.idx.msk $0xffff, v44;
	v50 =	vld [tilespmem:s26+$0xFFFFFF60]  }
0x30: {  	v56 =	vadd.s32 v11, v52;
	v55 =	vld [tilespmem:s26+$0xFFFFFFA0];
	[tilespmem:v59+s18+$0x0] =	vst.idx.msk $0xffff, v58  }
0x31: {  	v58 =	vadd.s32 v15, v35;
	[tilespmem:v57+s18+$0x0] =	vst.idx.msk $0xffff, v40;
	v57 =	vld [tilespmem:s26+$0xFFFFFFE0]  }
0x32: {  	[tilespmem:v60+s18+$0x0] =	vst.idx.msk $0xffff, v63;
	v60 =	vadd.s32 v19, v34;
	v59 =	vld [tilespmem:s26+$0x20]  }
0x33: {  	s1 =	simm.s32 $0x9;
	v38 =	vadd.s32 v32, v38;
	[tilespmem:v62+s18+$0x0] =	vst.idx.msk $0xffff, v61;
	v54 =	vld [tilespmem:s26+$0xF0]  }
0x34: {  	s31 =	simm.s32 $0x8;
	v41 =	vadd.s32 v23, v37;
	v53 =	vmov s1;
	[tilespmem:v51+s18+$0x0] =	vst.idx.msk $0xffff, v50;
	v40 =	vld [tilespmem:s26+$0x60]  }
0x35: {  	s22 =	simm.s32 $0xB;
	s29 =	simm.s32 $0xC;
	v43 =	vadd.s32 v27, v36;
	v48 =	vadd.s32 v3, v33;
	v63 =	vmov s31;
	v42 =	vld [tilespmem:s26+$0xA0];
	[tilespmem:v56+s18+$0x0] =	vst.idx.msk $0xffff, v55  }
0x36: {  	v44 =	vmov s22;
	v47 =	vmov s29;
	v46 =	vld [tilespmem:s26+$0xFFFFFF20];
	s31 =	simm.s32 $0xE;
	v39 =	vshrl.u32 v63, $0x3;
	[tilespmem:v58+s18+$0x0] =	vst.idx.msk $0xffff, v57  }
0x37: {  	s19 =	simm.s32 $0xA;
	s30 =	simm.s32 $0xD;
	v51 =	vadd.s32 v8, v45;
	v49 =	vld [tilespmem:s26+$0xFFFFFF70];
	v45 =	vshll.u32 v39, v1;
	v39 =	vmov s31;
	[tilespmem:v60+s18+$0x0] =	vst.idx.msk $0xffff, v59  }
0x38: {  	s28 =	simm.s32 $0x10;
	s1 =	simm.s32 $0xF;
	v52 =	vadd.s32 v12, v52;
	v50 =	vld [tilespmem:s26+$0xFFFFFFB0];
	[tilespmem:v38+s18+$0x0] =	vst.idx.msk $0xffff, v54;
	v54 =	vmov s19;
	v38 =	vmov s30  }
.LBB2_2:
0x39: {  	p0 =	slt.u32 s28, $0x78;
	v53 =	vshrl.u32 v53, $0x3;
	v55 =	vmov s1;
	v56 =	vld [tilespmem:s26+$0xFFFFFFF0];
	v35 =	vadd.s32 v16, v35;
	[tilespmem:v41+s18+$0x0] =	vst.idx.msk $0xffff, v40  }
0x3a: {  	v40 =	vshrl.u32 v54, $0x3;
	v34 =	vadd.s32 v20, v34;
	v41 =	vshrl.u32 v55, $0x3;
	v54 =	vld [tilespmem:s26+$0x30];
	[tilespmem:v43+s18+$0x0] =	vst.idx.msk $0xffff, v42  }
0x3b: {  	v37 =	vadd.s32 v24, v37;
	v42 =	vshrl.u32 v44, $0x3;
	v41 =	vshll.u32 v41, v1;
	[tilespmem:v48+s18+$0x0] =	vst.idx.msk $0xffff, v46;
	v43 =	vld [tilespmem:s26+$0x70]  }
0x3c: {  	v36 =	vadd.s32 v28, v36;
	v44 =	vshrl.u32 v47, $0x3;
	v41 =	vbroadcast v41, $0x0;
	[tilespmem:v51+s18+$0x0] =	vst.idx.msk $0xffff, v49;
	v46 =	vld [tilespmem:s26+$0xB0]  }
0x3d: {  	v47 =	vshll.u32 v53, v1;
	v49 =	vadd.s32 v4, v33;
	v33 =	vbroadcast v45, $0x0;
	v48 =	vld [tilespmem:s26+$0xFFFFFF30];
	[tilespmem:v52+s18+$0x0] =	vst.idx.msk $0xffff, v50;
	s26 =	sadd.s32 $0x200, s26  }
0x3e: {  	v40 =	vshll.u32 v40, v1;
	v45 =	vbroadcast v47, $0x0;
	v47 =	vld [tilespmem:s26+$0xC0];
	v50 =	vadd.s32 v29, v41;
	[tilespmem:v35+s18+$0x0] =	vst.idx.msk $0xffff, v56  }
0x3f: {  	v55 =	vbroadcast v40, $0x0;
	v52 =	vadd.s32 v0, v33;
	v35 =	vshll.u32 v42, v1;
	v51 =	vld [tilespmem:s26+$0xFFFFFF00];
	[tilespmem:v34+s18+$0x0] =	vst.idx.msk $0xffff, v54  }
0x40: {  	v42 =	vadd.s32 v5, v45;
	v35 =	vbroadcast v35, $0x0;
	v34 =	vshll.u32 v44, v1;
	v40 =	vld [tilespmem:s26+$0xFFFFFF40];
	[tilespmem:v37+s18+$0x0] =	vst.idx.msk $0xffff, v43  }
0x41: {  	v44 =	vadd.s32 v9, v55;
	v34 =	vbroadcast v34, $0x0;
	v37 =	vshrl.u32 v38, $0x3;
	v43 =	vld [tilespmem:s26+$0xFFFFFF80];
	[tilespmem:v36+s18+$0x0] =	vst.idx.msk $0xffff, v46  }
0x42: {  	v39 =	vshrl.u32 v39, $0x3;
	v46 =	vadd.s32 v13, v35;
	v36 =	vshll.u32 v37, v1;
	v38 =	vld [tilespmem:s26+$0xFFFFFFC0];
	[tilespmem:v49+s18+$0x0] =	vst.idx.msk $0xffff, v48  }
0x43: {  	v49 =	vadd.s32 v17, v34;
	v37 =	vbroadcast v36, $0x0;
	v36 =	vshll.u32 v39, v1;
	v48 =	vld [tilespmem:s26+$0x0];
	[tilespmem:v50+s18+$0x0] =	vst.idx.msk $0xffff, v47  }
0x44: {  	v36 =	vbroadcast v36, $0x0;
	v47 =	vadd.s32 v30, v41;
	[tilespmem:v52+s18+$0x0] =	vst.idx.msk $0xffff, v51;
	v39 =	vld [tilespmem:s26+$0xD0]  }
0x45: {  	[tilespmem:v42+s18+$0x0] =	vst.idx.msk $0xffff, v40;
	v40 =	vld [tilespmem:s26+$0x40];
	v42 =	vadd.s32 v21, v37  }
0x46: {  	[tilespmem:v44+s18+$0x0] =	vst.idx.msk $0xffff, v43;
	v43 =	vld [tilespmem:s26+$0x80];
	v44 =	vadd.s32 v25, v36  }
0x47: {  	v51 =	vadd.s32 v6, v45;
	v50 =	vld [tilespmem:s26+$0xFFFFFF50];
	[tilespmem:v46+s18+$0x0] =	vst.idx.msk $0xffff, v38  }
0x48: {  	v46 =	vadd.s32 v10, v55;
	v38 =	vld [tilespmem:s26+$0xFFFFFF90];
	[tilespmem:v49+s18+$0x0] =	vst.idx.msk $0xffff, v48  }
0x49: {  	v49 =	vadd.s32 v14, v35;
	v48 =	vld [tilespmem:s26+$0xFFFFFFD0];
	[tilespmem:v47+s18+$0x0] =	vst.idx.msk $0xffff, v39  }
0x4a: {  	[tilespmem:v42+s18+$0x0] =	vst.idx.msk $0xffff, v40;
	v39 =	vld [tilespmem:s26+$0xE0];
	v40 =	vadd.s32 v31, v41  }
0x4b: {  	v47 =	vadd.s32 v18, v34;
	v42 =	vld [tilespmem:s26+$0x10];
	[tilespmem:v44+s18+$0x0] =	vst.idx.msk $0xffff, v43  }
0x4c: {  	v44 =	vadd.s32 v22, v37;
	[tilespmem:v51+s18+$0x0] =	vst.idx.msk $0xffff, v50;
	v43 =	vld [tilespmem:s26+$0x50]  }
0x4d: {  	[tilespmem:v46+s18+$0x0] =	vst.idx.msk $0xffff, v38;
	v38 =	vld [tilespmem:s26+$0x90];
	v46 =	vadd.s32 v26, v36  }
0x4e: {  	v51 =	vadd.s32 v2, v33;
	v50 =	vld [tilespmem:s26+$0xFFFFFF10];
	[tilespmem:v49+s18+$0x0] =	vst.idx.msk $0xffff, v48  }
0x4f: {  	v49 =	vadd.s32 v7, v45;
	v48 =	vld [tilespmem:s26+$0xFFFFFF60];
	[tilespmem:v40+s18+$0x0] =	vst.idx.msk $0xffff, v39  }
0x50: {  	[tilespmem:v47+s18+$0x0] =	vst.idx.msk $0xffff, v42;
	v39 =	vld [tilespmem:s26+$0xF0];
	v47 =	vadd.s32 v32, v41  }
0x51: {  	v56 =	vadd.s32 v11, v55;
	v52 =	vld [tilespmem:s26+$0xFFFFFFA0];
	[tilespmem:v44+s18+$0x0] =	vst.idx.msk $0xffff, v43  }
0x52: {  	v58 =	vadd.s32 v15, v35;
	v57 =	vld [tilespmem:s26+$0xFFFFFFE0];
	[tilespmem:v46+s18+$0x0] =	vst.idx.msk $0xffff, v38  }
0x53: {  	v60 =	vadd.s32 v19, v34;
	[tilespmem:v51+s18+$0x0] =	vst.idx.msk $0xffff, v50;
	v59 =	vld [tilespmem:s26+$0x20]  }
.Ltmp0:
0x54: {  	s0 =	sadd.s32 $0x1, s28;
	v41 =	vadd.s32 v23, v37;
	v38 =	vmov s28;
	[tilespmem:v49+s18+$0x0] =	vst.idx.msk $0xffff, v48;
	v40 =	vld [tilespmem:s26+$0x60];
	(pc) =	sbr.rel @p0 .LBB2_2-.Ltmp0, $4  }
0x55: {  	s1 =	sadd.s32 $0x3, s28;
	v53 =	vmov s0;
	s0 =	sadd.s32 $0x2, s28;
	v43 =	vadd.s32 v27, v36;
	v50 =	vshrl.u32 v38, $0x3;
	v42 =	vld [tilespmem:s26+$0xA0];
	[tilespmem:v47+s18+$0x0] =	vst.idx.msk $0xffff, v39  }
0x56: {  	v54 =	vmov s0;
	s0 =	sadd.s32 $0x4, s28;
	v44 =	vmov s1;
	s1 =	sadd.s32 $0x5, s28;
	v48 =	vadd.s32 v3, v33;
	v46 =	vld [tilespmem:s26+$0xFFFFFF20];
	[tilespmem:v56+s18+$0x0] =	vst.idx.msk $0xffff, v52  }
0x57: {  	v38 =	vmov s1;
	v51 =	vadd.s32 v8, v45;
	v47 =	vmov s0;
	s0 =	sadd.s32 $0x6, s28;
	v49 =	vld [tilespmem:s26+$0xFFFFFF70];
	[tilespmem:v58+s18+$0x0] =	vst.idx.msk $0xffff, v57  }
0x58: {  	s1 =	sadd.s32 $0x7, s28;
	v45 =	vshll.u32 v50, v1;
	s28 =	sadd.s32 $0x8, s28;
	v39 =	vmov s0;
	v52 =	vadd.s32 v12, v55;
	v50 =	vld [tilespmem:s26+$0xFFFFFFB0];
	[tilespmem:v60+s18+$0x0] =	vst.idx.msk $0xffff, v59  }
0x59: {  	_ =	sdelay $0x2  }
0x5a: {  	v53 =	vshrl.u32 v53, $0x3  }
0x5b: {  	v55 =	vmov s1;
	v56 =	vld [tilespmem:s26+$0xFFFFFFF0];
	v35 =	vadd.s32 v16, v35;
	[tilespmem:v41+s18+$0x0] =	vst.idx.msk $0xffff, v40;
	v57 =	vshrl.u32 v54, $0x3  }
0x5c: {  	v59 =	vld [tilespmem:s26+$0x30];
	v34 =	vadd.s32 v20, v34;
	v60 =	vshrl.u32 v44, $0x3;
	v58 =	vshrl.u32 v55, $0x3;
	[tilespmem:v43+s18+$0x0] =	vst.idx.msk $0xffff, v42  }
0x5d: {  	v37 =	vadd.s32 v24, v37;
	v62 =	vshrl.u32 v47, $0x3;
	v61 =	vld [tilespmem:s26+$0x70];
	v41 =	vshll.u32 v58, v1;
	[tilespmem:v48+s18+$0x0] =	vst.idx.msk $0xffff, v46  }
0x5e: {  	v36 =	vadd.s32 v28, v36;
	v45 =	vbroadcast v45, $0x0;
	v63 =	vld [tilespmem:s26+$0xB0];
	v41 =	vbroadcast v41, $0x0;
	[tilespmem:v51+s18+$0x0] =	vst.idx.msk $0xffff, v49  }
0x5f: {  	v33 =	vadd.s32 v4, v33;
	s0 =	sadd.s32 $0x200, s26;
	v38 =	vshrl.u32 v38, $0x3;
	v55 =	vshll.u32 v53, v1;
	v48 =	vld [tilespmem:s26+$0xFFFFFF30];
	[tilespmem:v52+s18+$0x0] =	vst.idx.msk $0xffff, v50  }
0x60: {  	v40 =	vshll.u32 v57, v1;
	v47 =	vbroadcast v55, $0x0;
	v49 =	vld [tilespmem:s0+$0xC0];
	v50 =	vadd.s32 v29, v41;
	[tilespmem:v35+s18+$0x0] =	vst.idx.msk $0xffff, v56  }
0x61: {  	v42 =	vshll.u32 v60, v1;
	v40 =	vbroadcast v40, $0x0;
	v35 =	vld [tilespmem:s0+$0xFFFFFF00];
	v56 =	vadd.s32 v0, v45;
	[tilespmem:v34+s18+$0x0] =	vst.idx.msk $0xffff, v59  }
0x62: {  	v57 =	vld [tilespmem:s0+$0xFFFFFF40];
	v44 =	vshll.u32 v62, v1;
	v42 =	vbroadcast v42, $0x0;
	v58 =	vadd.s32 v5, v47;
	[tilespmem:v37+s18+$0x0] =	vst.idx.msk $0xffff, v61  }
0x63: {  	v38 =	vshll.u32 v38, v1;
	v44 =	vbroadcast v44, $0x0;
	v60 =	vadd.s32 v9, v40;
	v59 =	vld [tilespmem:s0+$0xFFFFFF80];
	[tilespmem:v36+s18+$0x0] =	vst.idx.msk $0xffff, v63  }
0x64: {  	v38 =	vbroadcast v38, $0x0;
	v62 =	vadd.s32 v13, v42;
	v61 =	vld [tilespmem:s0+$0xFFFFFFC0];
	[tilespmem:v33+s18+$0x0] =	vst.idx.msk $0xffff, v48  }
0x65: {  	v39 =	vshrl.u32 v39, $0x3;
	v63 =	vadd.s32 v17, v44;
	v33 =	vld [tilespmem:s0+$0x0];
	[tilespmem:v50+s18+$0x0] =	vst.idx.msk $0xffff, v49  }
0x66: {  	v39 =	vshll.u32 v39, v1;
	v34 =	vld [tilespmem:s0+$0x40];
	[tilespmem:v56+s18+$0x0] =	vst.idx.msk $0xffff, v35;
	v56 =	vadd.s32 v21, v38  }
0x67: {  	[tilespmem:v58+s18+$0x0] =	vst.idx.msk $0xffff, v57;
	v35 =	vbroadcast v39, $0x0;
	v49 =	vadd.s32 v30, v41;
	v39 =	vld [tilespmem:s0+$0xD0]  }
0x68: {  	[tilespmem:v60+s18+$0x0] =	vst.idx.msk $0xffff, v59;
	v59 =	vld [tilespmem:s0+$0xFFFFFF50];
	v60 =	vadd.s32 v6, v47  }
0x69: {  	v57 =	vld [tilespmem:s0+$0x80];
	[tilespmem:v62+s18+$0x0] =	vst.idx.msk $0xffff, v61;
	v58 =	vadd.s32 v25, v35  }
0x6a: {  	v61 =	vld [tilespmem:s0+$0xFFFFFF90];
	v62 =	vadd.s32 v10, v40;
	[tilespmem:v63+s18+$0x0] =	vst.idx.msk $0xffff, v33  }
0x6b: {  	v33 =	vld [tilespmem:s0+$0xFFFFFFD0];
	v63 =	vadd.s32 v14, v42;
	[tilespmem:v56+s18+$0x0] =	vst.idx.msk $0xffff, v34  }
0x6c: {  	v56 =	vadd.s32 v18, v44;
	[tilespmem:v49+s18+$0x0] =	vst.idx.msk $0xffff, v39;
	v49 =	vld [tilespmem:s0+$0x10]  }
0x6d: {  	[tilespmem:v60+s18+$0x0] =	vst.idx.msk $0xffff, v59;
	v39 =	vadd.s32 v31, v41;
	v34 =	vld [tilespmem:s0+$0xE0]  }
0x6e: {  	[tilespmem:v58+s18+$0x0] =	vst.idx.msk $0xffff, v57;
	v57 =	vld [tilespmem:s0+$0x50];
	v58 =	vadd.s32 v22, v38  }
0x6f: {  	[tilespmem:v62+s18+$0x0] =	vst.idx.msk $0xffff, v61;
	v61 =	vld [tilespmem:s0+$0xFFFFFF10];
	v62 =	vadd.s32 v2, v45  }
0x70: {  	v60 =	vadd.s32 v26, v35;
	v59 =	vld [tilespmem:s0+$0x90];
	[tilespmem:v63+s18+$0x0] =	vst.idx.msk $0xffff, v33  }
0x71: {  	v55 =	vadd.s32 v11, v40;
	v54 =	vadd.s32 v32, v41;
	v41 =	vld [tilespmem:s0+$0xFFFFFFA0];
	[tilespmem:v56+s18+$0x0] =	vst.idx.msk $0xffff, v49  }
0x72: {  	v53 =	vadd.s32 v7, v47;
	v63 =	vld [tilespmem:s0+$0xFFFFFF60];
	[tilespmem:v39+s18+$0x0] =	vst.idx.msk $0xffff, v34  }
0x73: {  	v56 =	vld [tilespmem:s0+$0xFFFFFFE0];
	[tilespmem:v58+s18+$0x0] =	vst.idx.msk $0xffff, v57;
	v57 =	vadd.s32 v15, v42  }
0x74: {  	[tilespmem:v62+s18+$0x0] =	vst.idx.msk $0xffff, v61;
	v34 =	vld [tilespmem:s0+$0xF0]  }
0x75: {  	v58 =	vld [tilespmem:s0+$0x20];
	[tilespmem:v60+s18+$0x0] =	vst.idx.msk $0xffff, v59;
	v59 =	vadd.s32 v19, v44  }
0x76: {  	v61 =	vadd.s32 v23, v38;
	[tilespmem:v55+s18+$0x0] =	vst.idx.msk $0xffff, v41;
	v60 =	vld [tilespmem:s0+$0x60]  }
0x77: {  	[tilespmem:v53+s18+$0x0] =	vst.idx.msk $0xffff, v63;
	v63 =	vadd.s32 v27, v35;
	v62 =	vld [tilespmem:s0+$0xA0]  }
0x78: {  	v47 =	vadd.s32 v8, v47;
	v55 =	vld [tilespmem:s0+$0xFFFFFF70];
	[tilespmem:v57+s18+$0x0] =	vst.idx.msk $0xffff, v56  }
0x79: {  	v53 =	vld [tilespmem:s0+$0xFFFFFF20];
	[tilespmem:v54+s18+$0x0] =	vst.idx.msk $0xffff, v34;
	v54 =	vadd.s32 v3, v45  }
0x7a: {  	v40 =	vadd.s32 v12, v40;
	v56 =	vld [tilespmem:s0+$0xFFFFFFB0];
	[tilespmem:v59+s18+$0x0] =	vst.idx.msk $0xffff, v58  }
0x7b: {  	v42 =	vadd.s32 v16, v42;
	v57 =	vld [tilespmem:s0+$0xFFFFFFF0];
	[tilespmem:v61+s18+$0x0] =	vst.idx.msk $0xffff, v60  }
0x7c: {  	v59 =	vadd.s32 v20, v44;
	v58 =	vld [tilespmem:s0+$0x30];
	[tilespmem:v63+s18+$0x0] =	vst.idx.msk $0xffff, v62  }
0x7d: {  	v38 =	vadd.s32 v24, v38;
	v60 =	vld [tilespmem:s0+$0x70];
	[tilespmem:v47+s18+$0x0] =	vst.idx.msk $0xffff, v55  }
0x7e: {  	v35 =	vadd.s32 v28, v35;
	v61 =	vld [tilespmem:s0+$0xB0];
	[tilespmem:v54+s18+$0x0] =	vst.idx.msk $0xffff, v53  }
0x7f: {  	v63 =	vadd.s32 v4, v45;
	[tilespmem:v40+s18+$0x0] =	vst.idx.msk $0xffff, v56;
	v62 =	vld [tilespmem:s0+$0xFFFFFF30]  }
0x80: {  	[tilespmem:v42+s18+$0x0] =	vst.idx.msk $0xffff, v57  }
0x81: {  	[tilespmem:v59+s18+$0x0] =	vst.idx.msk $0xffff, v58  }
0x82: {  	[tilespmem:v38+s18+$0x0] =	vst.idx.msk $0xffff, v60  }
0x83: {  	[tilespmem:v35+s18+$0x0] =	vst.idx.msk $0xffff, v61  }
0x84: {  	s0 =	simm.s32 $0xA400;
	[tilespmem:v63+s18+$0x0] =	vst.idx.msk $0xffff, v62  }
0x85: {  	[hbm4b:s5+s3] =	stream.linear.scatter [tilespmem:s0], [sflag:$0x3], $0x80, $0x38;
	[tilespmem:$0xE800] =	vst v63  }
0x86: {  	s1 =	simm.s32 $0xA488;
	s19 =	sadd.s32 $0x10, s5  }
0x87: {  	[hbm4b:s19+s3] =	stream.linear.scatter [tilespmem:s1], [sflag:$0x3], $0x80, $0x38;
	[tilespmem:$0xE800] =	vst v63  }
0x88: {  	s22 =	simm.s32 $0xA510;
	s30 =	simm.s32 $0xA598;
	s26 =	sadd.s32 $0x20, s5  }
0x89: {  	[hbm4b:s26+s3] =	stream.linear.scatter [tilespmem:s22], [sflag:$0x3], $0x80, $0x38;
	[tilespmem:$0xE800] =	vst v63  }
0x8a: {  	s31 =	sadd.s32 $0x30, s5;
	s28 =	simm.s32 $0x2200;
	s29 =	sadd.s32 $0x70, s5  }
0x8b: {  	[hbm4b:s31+s3] =	stream.linear.scatter [tilespmem:s30], [sflag:$0x3], $0x80, $0x38;
	[tilespmem:$0xE800] =	vst v63  }
0x8c: {  	s0 =	simm.s32 $0xA7B8;
	s1 =	simm.s32 $0xA620;
	s19 =	sadd.s32 $0x40, s5  }
0x8d: {  	[hbm4b:s19+s3] =	stream.linear.scatter [tilespmem:s1], [sflag:$0x3], $0x80, $0x38;
	[tilespmem:$0xE800] =	vst v63  }
0x8e: {  	s22 =	simm.s32 $0xA6A8;
	s26 =	sadd.s32 $0x50, s5;
	s30 =	simm.s32 $0xA730  }
0x8f: {  	[hbm4b:s26+s3] =	stream.linear.scatter [tilespmem:s22], [sflag:$0x3], $0x80, $0x38;
	[tilespmem:$0xE800] =	vst v63  }
0x90: {  	s31 =	sadd.s32 $0x60, s5;
	s1 =	simm.s32 $0x440;
	s26 =	sadd.s32 $0x1000, s5  }
0x91: {  	[hbm4b:s31+s3] =	stream.linear.scatter [tilespmem:s30], [sflag:$0x3], $0x80, $0x38;
	[tilespmem:$0xE800] =	vst v63  }
.LBB2_4:
0x92: {  	[hbm4b:s29+s3] =	stream.linear.scatter [tilespmem:s0], [sflag:$0x3], $0x80, $0x38;
	[tilespmem:$0xE800] =	vst v63  }
0x93: {  	s0 =	smov.u32 s1;
	s1 =	smov.u32 s28  }
0x94: {  	s19 =	sadd.s32 $0x1100, s28;
	s1 =	sshra.s32 s1, $0x2;
	s29 =	sadd.s32 $0xA400, s0  }
0x95: {  	[hbm4b:s26+s3] =	stream.linear.scatter [tilespmem:s29], [sflag:$0x3], $0x80, $0x38;
	[tilespmem:$0xE800] =	vst v63  }
0x96: {  	p0 =	sne.s32 s28, $0x7700;
	s28 =	sadd.s32 $0xA488, s0;
	s29 =	sadd.s32 $0x10, s26  }
0x97: {  	[hbm4b:s29+s3] =	stream.linear.scatter [tilespmem:s28], [sflag:$0x3], $0x80, $0x38;
	[tilespmem:$0xE800] =	vst v63  }
0x98: {  	s28 =	sadd.s32 $0xA510, s0;
	s29 =	sadd.s32 $0x20, s26  }
0x99: {  	[hbm4b:s29+s3] =	stream.linear.scatter [tilespmem:s28], [sflag:$0x3], $0x80, $0x38;
	[tilespmem:$0xE800] =	vst v63  }
0x9a: {  	s28 =	sadd.s32 $0xA598, s0;
	s29 =	sadd.s32 $0x30, s26  }
0x9b: {  	[hbm4b:s29+s3] =	stream.linear.scatter [tilespmem:s28], [sflag:$0x3], $0x80, $0x38;
	[tilespmem:$0xE800] =	vst v63  }
0x9c: {  	s28 =	sadd.s32 $0xA620, s0;
	s29 =	sadd.s32 $0x40, s26  }
0x9d: {  	[hbm4b:s29+s3] =	stream.linear.scatter [tilespmem:s28], [sflag:$0x3], $0x80, $0x38;
	[tilespmem:$0xE800] =	vst v63  }
.Ltmp1:
0x9e: {  	s28 =	sadd.s32 $0xA6A8, s0;
	s29 =	sadd.s32 $0x50, s26;
	(pc) =	sbr.rel @p0 .LBB2_4-.Ltmp1, $4  }
0x9f: {  	[hbm4b:s29+s3] =	stream.linear.scatter [tilespmem:s28], [sflag:$0x3], $0x80, $0x38;
	[tilespmem:$0xE800] =	vst v63  }
0xa0: {  	s28 =	sadd.s32 $0xA730, s0;
	s29 =	sadd.s32 $0x60, s26;
	s0 =	sadd.s32 $0xA7B8, s0  }
0xa1: {  	[hbm4b:s29+s3] =	stream.linear.scatter [tilespmem:s28], [sflag:$0x3], $0x80, $0x38;
	[tilespmem:$0xE800] =	vst v63  }
0xa2: {  	s29 =	sadd.s32 $0x70, s26;
	s26 =	sadd.s32 $0x1000, s26;
	s28 =	smov.u32 s19  }
0xa3: {  	[hbm4b:s29+s3] =	stream.linear.scatter [tilespmem:s0], [sflag:$0x3], $0x80, $0x38;
	[tilespmem:$0xE800] =	vst v63  }
0xa4: {  	s22 =	sadd.s32 $0xA400, s1  }
0xa5: {  	[hbm4b:s26+s3] =	stream.linear.scatter [tilespmem:s22], [sflag:$0x3], $0x80, $0x38;
	[tilespmem:$0xE800] =	vst v63  }
0xa6: {  	s29 =	sadd.s32 $0xA488, s1;
	s19 =	sadd.s32 $0x10, s26  }
0xa7: {  	[hbm4b:s19+s3] =	stream.linear.scatter [tilespmem:s29], [sflag:$0x3], $0x80, $0x38;
	[tilespmem:$0xE800] =	vst v63  }
0xa8: {  	s30 =	sadd.s32 $0xA510, s1;
	s31 =	sadd.s32 $0x20, s26  }
0xa9: {  	[hbm4b:s31+s3] =	stream.linear.scatter [tilespmem:s30], [sflag:$0x3], $0x80, $0x38;
	[tilespmem:$0xE800] =	vst v63  }
0xaa: {  	s22 =	sadd.s32 $0xA598, s1;
	s29 =	sadd.s32 $0x30, s26  }
0xab: {  	[hbm4b:s29+s3] =	stream.linear.scatter [tilespmem:s22], [sflag:$0x3], $0x80, $0x38;
	[tilespmem:$0xE800] =	vst v63  }
0xac: {  	s19 =	sadd.s32 $0xA7B8, s1;
	s30 =	sadd.s32 $0xA620, s1;
	s31 =	sadd.s32 $0x40, s26  }
0xad: {  	[hbm4b:s31+s3] =	stream.linear.scatter [tilespmem:s30], [sflag:$0x3], $0x80, $0x38;
	[tilespmem:$0xE800] =	vst v63  }
0xae: {  	s22 =	sadd.s32 $0xA6A8, s1;
	s29 =	sadd.s32 $0x50, s26;
	s30 =	sadd.s32 $0xA730, s1  }
0xaf: {  	[hbm4b:s29+s3] =	stream.linear.scatter [tilespmem:s22], [sflag:$0x3], $0x80, $0x38;
	[tilespmem:$0xE800] =	vst v63  }
0xb0: {  	s31 =	sadd.s32 $0x60, s26;
	s22 =	sadd.s32 $0x70, s26;
	s29 =	simm.s32 $0x0  }
0xb1: {  	[hbm4b:s31+s3] =	stream.linear.scatter [tilespmem:s30], [sflag:$0x3], $0x80, $0x38;
	[tilespmem:$0xE800] =	vst v63  }
0xb2: {  	v33 =	vmov s29;
	s29 =	simm.s32 $0x5;
	s30 =	simm.s32 $0x1;
	s31 =	simm.s32 $0x2  }
0xb3: {  	v33 =	vshrl.u32 v33, $0x3;
	v39 =	vmov s29;
	[hbm4b:s22+s3] =	stream.linear.scatter [tilespmem:s19], [sflag:$0x3], $0x80, $0x38;
	[tilespmem:$0xE800] =	vst v63  }
0xb4: {  	s26 =	simm.s32 $0x100;
	v34 =	vmov s30;
	v35 =	vmov s31;
	s30 =	simm.s32 $0x6;
	v33 =	vshll.u32 v33, v1;
	s19 =	simm.s32 $0x3  }
0xb5: {  	v55 =	vshrl.u32 v39, $0x3;
	v40 =	vmov s30;
	v34 =	vshrl.u32 v34, $0x3;
	[tilespmem:s15], [sflag:$0x1] =	stream.indirect.gather [hbm4b:s4+s14], $0x40, s26, s14, $0xb8;
	[tilespmem:$0xE800] =	vst v63  }
0xb6: {  	s22 =	simm.s32 $0x4;
	v35 =	vshrl.u32 v35, $0x3;
	v33 =	vbroadcast v33, $0x0;
	v36 =	vmov s19;
	s26 =	simm.s32 $0x7  }
0xb7: {  	v37 =	vmov s22;
	v34 =	vshll.u32 v34, v1;
	v38 =	vmov s26;
	_ =	swait.ge [sflag:s20], $0x2000  }
0xb8: {  	v52 =	vshll.u32 v35, v1;
	v40 =	vshrl.u32 v40, $0x3;
	v38 =	vshrl.u32 v38, $0x3;
	[sflag:s20] =	ssyncset.done $0x0  }
0xb9: {  	v36 =	vshrl.u32 v36, $0x3;
	v45 =	vbroadcast v34, $0x0;
	s26 =	simm.s32 $0x85F0;
	v38 =	vshll.u32 v38, v1;
	[sflag:s20] =	ssyncadd.s32 $0xFFFFE000  }
0xba: {  	v37 =	vshrl.u32 v37, $0x3;
	v44 =	vadd.s32 v0, v33;
	v38 =	vbroadcast v38, $0x0;
	v43 =	vld [tilespmem:s26+$0xFFFFFE10]  }
0xbb: {  	v52 =	vbroadcast v52, $0x0;
	v53 =	vshll.u32 v36, v1;
	v47 =	vadd.s32 v5, v45;
	v46 =	vld [tilespmem:s26+$0xFFFFFE50]  }
0xbc: {  	v54 =	vshll.u32 v37, v1;
	v35 =	vbroadcast v53, $0x0;
	v41 =	vld [tilespmem:s26+$0xFFFFFFD0];
	v42 =	vadd.s32 v29, v38  }
0xbd: {  	v36 =	vshll.u32 v55, v1;
	v49 =	vadd.s32 v9, v52;
	v34 =	vbroadcast v54, $0x0;
	v48 =	vld [tilespmem:s26+$0xFFFFFE90]  }
0xbe: {  	v56 =	vshll.u32 v40, v1;
	v37 =	vbroadcast v36, $0x0;
	v39 =	vld [tilespmem:s26+$0xFFFFFED0];
	v50 =	vadd.s32 v13, v35  }
0xbf: {  	v36 =	vbroadcast v56, $0x0;
	v51 =	vld [tilespmem:s26+$0xFFFFFF10];
	v53 =	vadd.s32 v17, v34;
	[tilespmem:v44+s21+$0x0] =	vst.idx.msk $0xffff, v43  }
0xc0: {  	v59 =	vld [tilespmem:s26+$0xFFFFFF50];
	v60 =	vadd.s32 v21, v37;
	[tilespmem:v47+s21+$0x0] =	vst.idx.msk $0xffff, v46  }
0xc1: {  	v61 =	vld [tilespmem:s26+$0xFFFFFF90];
	v62 =	vadd.s32 v25, v36;
	[tilespmem:v42+s21+$0x0] =	vst.idx.msk $0xffff, v41  }
0xc2: {  	v58 =	vadd.s32 v30, v38;
	[tilespmem:v49+s21+$0x0] =	vst.idx.msk $0xffff, v48;
	v57 =	vld [tilespmem:s26+$0xFFFFFFE0]  }
0xc3: {  	v63 =	vadd.s32 v6, v45;
	[tilespmem:v50+s21+$0x0] =	vst.idx.msk $0xffff, v39;
	v47 =	vld [tilespmem:s26+$0xFFFFFE60]  }
0xc4: {  	v55 =	vadd.s32 v10, v52;
	[tilespmem:v53+s21+$0x0] =	vst.idx.msk $0xffff, v51;
	v54 =	vld [tilespmem:s26+$0xFFFFFEA0]  }
0xc5: {  	v56 =	vadd.s32 v14, v35;
	[tilespmem:v60+s21+$0x0] =	vst.idx.msk $0xffff, v59;
	v50 =	vld [tilespmem:s26+$0xFFFFFEE0]  }
0xc6: {  	[tilespmem:v62+s21+$0x0] =	vst.idx.msk $0xffff, v61;
	v46 =	vadd.s32 v22, v37;
	v44 =	vld [tilespmem:s26+$0xFFFFFF60]  }
0xc7: {  	v59 =	vadd.s32 v18, v34;
	[tilespmem:v58+s21+$0x0] =	vst.idx.msk $0xffff, v57;
	v58 =	vld [tilespmem:s26+$0xFFFFFF20]  }
0xc8: {  	[tilespmem:v63+s21+$0x0] =	vst.idx.msk $0xffff, v47;
	v57 =	vadd.s32 v31, v38;
	v40 =	vld [tilespmem:s26+$0xFFFFFFF0]  }
0xc9: {  	v60 =	vadd.s32 v26, v36;
	[tilespmem:v55+s21+$0x0] =	vst.idx.msk $0xffff, v54;
	v63 =	vld [tilespmem:s26+$0xFFFFFFA0]  }
0xca: {  	v62 =	vadd.s32 v2, v33;
	v61 =	vld [tilespmem:s26+$0xFFFFFE20];
	[tilespmem:v56+s21+$0x0] =	vst.idx.msk $0xffff, v50  }
0xcb: {  	v51 =	vadd.s32 v7, v45;
	[tilespmem:v46+s21+$0x0] =	vst.idx.msk $0xffff, v44;
	v50 =	vld [tilespmem:s26+$0xFFFFFE70]  }
0xcc: {  	v56 =	vadd.s32 v11, v52;
	v55 =	vld [tilespmem:s26+$0xFFFFFEB0];
	[tilespmem:v59+s21+$0x0] =	vst.idx.msk $0xffff, v58  }
0xcd: {  	v58 =	vadd.s32 v15, v35;
	[tilespmem:v57+s21+$0x0] =	vst.idx.msk $0xffff, v40;
	v57 =	vld [tilespmem:s26+$0xFFFFFEF0]  }
0xce: {  	[tilespmem:v60+s21+$0x0] =	vst.idx.msk $0xffff, v63;
	v60 =	vadd.s32 v19, v34;
	v59 =	vld [tilespmem:s26+$0xFFFFFF30]  }
0xcf: {  	s1 =	simm.s32 $0x9;
	[tilespmem:v62+s21+$0x0] =	vst.idx.msk $0xffff, v61;
	v38 =	vadd.s32 v32, v38;
	v54 =	vld [tilespmem:s26+$0x0]  }
0xd0: {  	s31 =	simm.s32 $0x8;
	v53 =	vmov s1;
	v41 =	vadd.s32 v23, v37;
	[tilespmem:v51+s21+$0x0] =	vst.idx.msk $0xffff, v50;
	v40 =	vld [tilespmem:s26+$0xFFFFFF70]  }
0xd1: {  	s29 =	simm.s32 $0xC;
	s22 =	simm.s32 $0xB;
	v43 =	vadd.s32 v27, v36;
	v48 =	vadd.s32 v3, v33;
	v63 =	vmov s31;
	v42 =	vld [tilespmem:s26+$0xFFFFFFB0];
	[tilespmem:v56+s21+$0x0] =	vst.idx.msk $0xffff, v55  }
0xd2: {  	v44 =	vmov s22;
	v47 =	vmov s29;
	v46 =	vld [tilespmem:s26+$0xFFFFFE30];
	s31 =	simm.s32 $0xE;
	v39 =	vshrl.u32 v63, $0x3;
	[tilespmem:v58+s21+$0x0] =	vst.idx.msk $0xffff, v57  }
0xd3: {  	s30 =	simm.s32 $0xD;
	s19 =	simm.s32 $0xA;
	v51 =	vadd.s32 v8, v45;
	v49 =	vld [tilespmem:s26+$0xFFFFFE80];
	v45 =	vshll.u32 v39, v1;
	v39 =	vmov s31;
	[tilespmem:v60+s21+$0x0] =	vst.idx.msk $0xffff, v59  }
0xd4: {  	s28 =	simm.s32 $0x10;
	s1 =	simm.s32 $0xF;
	v52 =	vadd.s32 v12, v52;
	v50 =	vld [tilespmem:s26+$0xFFFFFEC0];
	[tilespmem:v38+s21+$0x0] =	vst.idx.msk $0xffff, v54;
	v54 =	vmov s19;
	v38 =	vmov s30  }
.LBB2_6:
0xd5: {  	p0 =	slt.u32 s28, $0x78;
	v53 =	vshrl.u32 v53, $0x3;
	v55 =	vmov s1;
	v56 =	vld [tilespmem:s26+$0xFFFFFF00];
	v35 =	vadd.s32 v16, v35;
	[tilespmem:v41+s21+$0x0] =	vst.idx.msk $0xffff, v40  }
0xd6: {  	v40 =	vshrl.u32 v54, $0x3;
	v34 =	vadd.s32 v20, v34;
	v41 =	vshrl.u32 v55, $0x3;
	v54 =	vld [tilespmem:s26+$0xFFFFFF40];
	[tilespmem:v43+s21+$0x0] =	vst.idx.msk $0xffff, v42  }
0xd7: {  	v37 =	vadd.s32 v24, v37;
	v42 =	vshrl.u32 v44, $0x3;
	v41 =	vshll.u32 v41, v1;
	[tilespmem:v48+s21+$0x0] =	vst.idx.msk $0xffff, v46;
	v43 =	vld [tilespmem:s26+$0xFFFFFF80]  }
0xd8: {  	v36 =	vadd.s32 v28, v36;
	v44 =	vshrl.u32 v47, $0x3;
	v41 =	vbroadcast v41, $0x0;
	[tilespmem:v51+s21+$0x0] =	vst.idx.msk $0xffff, v49;
	v46 =	vld [tilespmem:s26+$0xFFFFFFC0]  }
0xd9: {  	v47 =	vshll.u32 v53, v1;
	v49 =	vadd.s32 v4, v33;
	v33 =	vbroadcast v45, $0x0;
	v48 =	vld [tilespmem:s26+$0xFFFFFE40];
	[tilespmem:v52+s21+$0x0] =	vst.idx.msk $0xffff, v50;
	s26 =	sadd.s32 $0x200, s26  }
0xda: {  	v40 =	vshll.u32 v40, v1;
	v45 =	vbroadcast v47, $0x0;
	v47 =	vld [tilespmem:s26+$0xFFFFFFD0];
	v50 =	vadd.s32 v29, v41;
	[tilespmem:v35+s21+$0x0] =	vst.idx.msk $0xffff, v56  }
0xdb: {  	v55 =	vbroadcast v40, $0x0;
	v52 =	vadd.s32 v0, v33;
	v35 =	vshll.u32 v42, v1;
	v51 =	vld [tilespmem:s26+$0xFFFFFE10];
	[tilespmem:v34+s21+$0x0] =	vst.idx.msk $0xffff, v54  }
0xdc: {  	v42 =	vadd.s32 v5, v45;
	v35 =	vbroadcast v35, $0x0;
	v34 =	vshll.u32 v44, v1;
	v40 =	vld [tilespmem:s26+$0xFFFFFE50];
	[tilespmem:v37+s21+$0x0] =	vst.idx.msk $0xffff, v43  }
0xdd: {  	v44 =	vadd.s32 v9, v55;
	v34 =	vbroadcast v34, $0x0;
	v37 =	vshrl.u32 v38, $0x3;
	v43 =	vld [tilespmem:s26+$0xFFFFFE90];
	[tilespmem:v36+s21+$0x0] =	vst.idx.msk $0xffff, v46  }
0xde: {  	v39 =	vshrl.u32 v39, $0x3;
	v46 =	vadd.s32 v13, v35;
	v36 =	vshll.u32 v37, v1;
	v38 =	vld [tilespmem:s26+$0xFFFFFED0];
	[tilespmem:v49+s21+$0x0] =	vst.idx.msk $0xffff, v48  }
0xdf: {  	v49 =	vadd.s32 v17, v34;
	v37 =	vbroadcast v36, $0x0;
	v36 =	vshll.u32 v39, v1;
	v48 =	vld [tilespmem:s26+$0xFFFFFF10];
	[tilespmem:v50+s21+$0x0] =	vst.idx.msk $0xffff, v47  }
0xe0: {  	v36 =	vbroadcast v36, $0x0;
	v47 =	vadd.s32 v30, v41;
	[tilespmem:v52+s21+$0x0] =	vst.idx.msk $0xffff, v51;
	v39 =	vld [tilespmem:s26+$0xFFFFFFE0]  }
0xe1: {  	[tilespmem:v42+s21+$0x0] =	vst.idx.msk $0xffff, v40;
	v40 =	vld [tilespmem:s26+$0xFFFFFF50];
	v42 =	vadd.s32 v21, v37  }
0xe2: {  	[tilespmem:v44+s21+$0x0] =	vst.idx.msk $0xffff, v43;
	v43 =	vld [tilespmem:s26+$0xFFFFFF90];
	v44 =	vadd.s32 v25, v36  }
0xe3: {  	v51 =	vadd.s32 v6, v45;
	v50 =	vld [tilespmem:s26+$0xFFFFFE60];
	[tilespmem:v46+s21+$0x0] =	vst.idx.msk $0xffff, v38  }
0xe4: {  	v46 =	vadd.s32 v10, v55;
	v38 =	vld [tilespmem:s26+$0xFFFFFEA0];
	[tilespmem:v49+s21+$0x0] =	vst.idx.msk $0xffff, v48  }
0xe5: {  	v49 =	vadd.s32 v14, v35;
	v48 =	vld [tilespmem:s26+$0xFFFFFEE0];
	[tilespmem:v47+s21+$0x0] =	vst.idx.msk $0xffff, v39  }
0xe6: {  	[tilespmem:v42+s21+$0x0] =	vst.idx.msk $0xffff, v40;
	v39 =	vld [tilespmem:s26+$0xFFFFFFF0];
	v40 =	vadd.s32 v31, v41  }
0xe7: {  	v47 =	vadd.s32 v18, v34;
	v42 =	vld [tilespmem:s26+$0xFFFFFF20];
	[tilespmem:v44+s21+$0x0] =	vst.idx.msk $0xffff, v43  }
0xe8: {  	v44 =	vadd.s32 v22, v37;
	[tilespmem:v51+s21+$0x0] =	vst.idx.msk $0xffff, v50;
	v43 =	vld [tilespmem:s26+$0xFFFFFF60]  }
0xe9: {  	[tilespmem:v46+s21+$0x0] =	vst.idx.msk $0xffff, v38;
	v38 =	vld [tilespmem:s26+$0xFFFFFFA0];
	v46 =	vadd.s32 v26, v36  }
0xea: {  	v51 =	vadd.s32 v2, v33;
	v50 =	vld [tilespmem:s26+$0xFFFFFE20];
	[tilespmem:v49+s21+$0x0] =	vst.idx.msk $0xffff, v48  }
0xeb: {  	v49 =	vadd.s32 v7, v45;
	v48 =	vld [tilespmem:s26+$0xFFFFFE70];
	[tilespmem:v40+s21+$0x0] =	vst.idx.msk $0xffff, v39  }
0xec: {  	[tilespmem:v47+s21+$0x0] =	vst.idx.msk $0xffff, v42;
	v39 =	vld [tilespmem:s26+$0x0];
	v47 =	vadd.s32 v32, v41  }
0xed: {  	v56 =	vadd.s32 v11, v55;
	v52 =	vld [tilespmem:s26+$0xFFFFFEB0];
	[tilespmem:v44+s21+$0x0] =	vst.idx.msk $0xffff, v43  }
0xee: {  	v58 =	vadd.s32 v15, v35;
	v57 =	vld [tilespmem:s26+$0xFFFFFEF0];
	[tilespmem:v46+s21+$0x0] =	vst.idx.msk $0xffff, v38  }
0xef: {  	v60 =	vadd.s32 v19, v34;
	[tilespmem:v51+s21+$0x0] =	vst.idx.msk $0xffff, v50;
	v59 =	vld [tilespmem:s26+$0xFFFFFF30]  }
.Ltmp2:
0xf0: {  	s0 =	sadd.s32 $0x1, s28;
	v41 =	vadd.s32 v23, v37;
	v38 =	vmov s28;
	[tilespmem:v49+s21+$0x0] =	vst.idx.msk $0xffff, v48;
	v40 =	vld [tilespmem:s26+$0xFFFFFF70];
	(pc) =	sbr.rel @p0 .LBB2_6-.Ltmp2, $4  }
0xf1: {  	s1 =	sadd.s32 $0x3, s28;
	v53 =	vmov s0;
	s0 =	sadd.s32 $0x2, s28;
	v43 =	vadd.s32 v27, v36;
	v50 =	vshrl.u32 v38, $0x3;
	v42 =	vld [tilespmem:s26+$0xFFFFFFB0];
	[tilespmem:v47+s21+$0x0] =	vst.idx.msk $0xffff, v39  }
0xf2: {  	v54 =	vmov s0;
	s0 =	sadd.s32 $0x4, s28;
	v44 =	vmov s1;
	s1 =	sadd.s32 $0x5, s28;
	v48 =	vadd.s32 v3, v33;
	v46 =	vld [tilespmem:s26+$0xFFFFFE30];
	[tilespmem:v56+s21+$0x0] =	vst.idx.msk $0xffff, v52  }
0xf3: {  	v38 =	vmov s1;
	v51 =	vadd.s32 v8, v45;
	v47 =	vmov s0;
	s0 =	sadd.s32 $0x6, s28;
	v49 =	vld [tilespmem:s26+$0xFFFFFE80];
	[tilespmem:v58+s21+$0x0] =	vst.idx.msk $0xffff, v57  }
0xf4: {  	s1 =	sadd.s32 $0x7, s28;
	v45 =	vshll.u32 v50, v1;
	s28 =	sadd.s32 $0x8, s28;
	v39 =	vmov s0;
	v52 =	vadd.s32 v12, v55;
	v50 =	vld [tilespmem:s26+$0xFFFFFEC0];
	[tilespmem:v60+s21+$0x0] =	vst.idx.msk $0xffff, v59  }
0xf5: {  	_ =	sdelay $0x2  }
0xf6: {  	v53 =	vshrl.u32 v53, $0x3  }
0xf7: {  	v55 =	vmov s1;
	v56 =	vld [tilespmem:s26+$0xFFFFFF00];
	v35 =	vadd.s32 v16, v35;
	[tilespmem:v41+s21+$0x0] =	vst.idx.msk $0xffff, v40;
	v57 =	vshrl.u32 v54, $0x3  }
0xf8: {  	v59 =	vld [tilespmem:s26+$0xFFFFFF40];
	v34 =	vadd.s32 v20, v34;
	v60 =	vshrl.u32 v44, $0x3;
	v58 =	vshrl.u32 v55, $0x3;
	[tilespmem:v43+s21+$0x0] =	vst.idx.msk $0xffff, v42  }
0xf9: {  	v37 =	vadd.s32 v24, v37;
	v62 =	vshrl.u32 v47, $0x3;
	v61 =	vld [tilespmem:s26+$0xFFFFFF80];
	v41 =	vshll.u32 v58, v1;
	[tilespmem:v48+s21+$0x0] =	vst.idx.msk $0xffff, v46  }
0xfa: {  	v36 =	vadd.s32 v28, v36;
	v45 =	vbroadcast v45, $0x0;
	v63 =	vld [tilespmem:s26+$0xFFFFFFC0];
	v41 =	vbroadcast v41, $0x0;
	[tilespmem:v51+s21+$0x0] =	vst.idx.msk $0xffff, v49  }
0xfb: {  	v33 =	vadd.s32 v4, v33;
	s0 =	sadd.s32 $0x200, s26;
	v38 =	vshrl.u32 v38, $0x3;
	v55 =	vshll.u32 v53, v1;
	v48 =	vld [tilespmem:s26+$0xFFFFFE40];
	[tilespmem:v52+s21+$0x0] =	vst.idx.msk $0xffff, v50  }
0xfc: {  	v40 =	vshll.u32 v57, v1;
	v47 =	vbroadcast v55, $0x0;
	v49 =	vld [tilespmem:s0+$0xFFFFFFD0];
	v50 =	vadd.s32 v29, v41;
	[tilespmem:v35+s21+$0x0] =	vst.idx.msk $0xffff, v56  }
0xfd: {  	v42 =	vshll.u32 v60, v1;
	v40 =	vbroadcast v40, $0x0;
	v35 =	vld [tilespmem:s0+$0xFFFFFE10];
	v56 =	vadd.s32 v0, v45;
	[tilespmem:v34+s21+$0x0] =	vst.idx.msk $0xffff, v59  }
0xfe: {  	v57 =	vld [tilespmem:s0+$0xFFFFFE50];
	v44 =	vshll.u32 v62, v1;
	v42 =	vbroadcast v42, $0x0;
	v58 =	vadd.s32 v5, v47;
	[tilespmem:v37+s21+$0x0] =	vst.idx.msk $0xffff, v61  }
0xff: {  	v38 =	vshll.u32 v38, v1;
	v44 =	vbroadcast v44, $0x0;
	v60 =	vadd.s32 v9, v40;
	v59 =	vld [tilespmem:s0+$0xFFFFFE90];
	[tilespmem:v36+s21+$0x0] =	vst.idx.msk $0xffff, v63  }
0x100: {  	v38 =	vbroadcast v38, $0x0;
	v62 =	vadd.s32 v13, v42;
	v61 =	vld [tilespmem:s0+$0xFFFFFED0];
	[tilespmem:v33+s21+$0x0] =	vst.idx.msk $0xffff, v48  }
0x101: {  	v39 =	vshrl.u32 v39, $0x3;
	v63 =	vadd.s32 v17, v44;
	v33 =	vld [tilespmem:s0+$0xFFFFFF10];
	[tilespmem:v50+s21+$0x0] =	vst.idx.msk $0xffff, v49  }
0x102: {  	v39 =	vshll.u32 v39, v1;
	v34 =	vld [tilespmem:s0+$0xFFFFFF50];
	[tilespmem:v56+s21+$0x0] =	vst.idx.msk $0xffff, v35;
	v56 =	vadd.s32 v21, v38  }
0x103: {  	[tilespmem:v58+s21+$0x0] =	vst.idx.msk $0xffff, v57;
	v35 =	vbroadcast v39, $0x0;
	v49 =	vadd.s32 v30, v41;
	v39 =	vld [tilespmem:s0+$0xFFFFFFE0]  }
0x104: {  	[tilespmem:v60+s21+$0x0] =	vst.idx.msk $0xffff, v59;
	v59 =	vld [tilespmem:s0+$0xFFFFFE60];
	v60 =	vadd.s32 v6, v47  }
0x105: {  	v57 =	vld [tilespmem:s0+$0xFFFFFF90];
	[tilespmem:v62+s21+$0x0] =	vst.idx.msk $0xffff, v61;
	v58 =	vadd.s32 v25, v35  }
0x106: {  	v61 =	vld [tilespmem:s0+$0xFFFFFEA0];
	v62 =	vadd.s32 v10, v40;
	[tilespmem:v63+s21+$0x0] =	vst.idx.msk $0xffff, v33  }
0x107: {  	v33 =	vld [tilespmem:s0+$0xFFFFFEE0];
	v63 =	vadd.s32 v14, v42;
	[tilespmem:v56+s21+$0x0] =	vst.idx.msk $0xffff, v34  }
0x108: {  	v56 =	vadd.s32 v18, v44;
	[tilespmem:v49+s21+$0x0] =	vst.idx.msk $0xffff, v39;
	v49 =	vld [tilespmem:s0+$0xFFFFFF20]  }
0x109: {  	[tilespmem:v60+s21+$0x0] =	vst.idx.msk $0xffff, v59;
	v39 =	vadd.s32 v31, v41;
	v34 =	vld [tilespmem:s0+$0xFFFFFFF0]  }
0x10a: {  	[tilespmem:v58+s21+$0x0] =	vst.idx.msk $0xffff, v57;
	v57 =	vld [tilespmem:s0+$0xFFFFFF60];
	v58 =	vadd.s32 v22, v38  }
0x10b: {  	[tilespmem:v62+s21+$0x0] =	vst.idx.msk $0xffff, v61;
	v61 =	vld [tilespmem:s0+$0xFFFFFE20];
	v62 =	vadd.s32 v2, v45  }
0x10c: {  	v60 =	vadd.s32 v26, v35;
	v59 =	vld [tilespmem:s0+$0xFFFFFFA0];
	[tilespmem:v63+s21+$0x0] =	vst.idx.msk $0xffff, v33  }
0x10d: {  	v55 =	vadd.s32 v11, v40;
	v54 =	vadd.s32 v32, v41;
	v41 =	vld [tilespmem:s0+$0xFFFFFEB0];
	[tilespmem:v56+s21+$0x0] =	vst.idx.msk $0xffff, v49  }
0x10e: {  	v53 =	vadd.s32 v7, v47;
	v63 =	vld [tilespmem:s0+$0xFFFFFE70];
	[tilespmem:v39+s21+$0x0] =	vst.idx.msk $0xffff, v34  }
0x10f: {  	v56 =	vld [tilespmem:s0+$0xFFFFFEF0];
	[tilespmem:v58+s21+$0x0] =	vst.idx.msk $0xffff, v57;
	v57 =	vadd.s32 v15, v42  }
0x110: {  	[tilespmem:v62+s21+$0x0] =	vst.idx.msk $0xffff, v61;
	v34 =	vld [tilespmem:s0+$0x0]  }
0x111: {  	v58 =	vld [tilespmem:s0+$0xFFFFFF30];
	[tilespmem:v60+s21+$0x0] =	vst.idx.msk $0xffff, v59;
	v59 =	vadd.s32 v19, v44  }
0x112: {  	v61 =	vadd.s32 v23, v38;
	[tilespmem:v55+s21+$0x0] =	vst.idx.msk $0xffff, v41;
	v60 =	vld [tilespmem:s0+$0xFFFFFF70]  }
0x113: {  	[tilespmem:v53+s21+$0x0] =	vst.idx.msk $0xffff, v63;
	v63 =	vadd.s32 v27, v35;
	v62 =	vld [tilespmem:s0+$0xFFFFFFB0]  }
0x114: {  	v47 =	vadd.s32 v8, v47;
	v55 =	vld [tilespmem:s0+$0xFFFFFE80];
	[tilespmem:v57+s21+$0x0] =	vst.idx.msk $0xffff, v56  }
0x115: {  	v53 =	vld [tilespmem:s0+$0xFFFFFE30];
	[tilespmem:v54+s21+$0x0] =	vst.idx.msk $0xffff, v34;
	v54 =	vadd.s32 v3, v45  }
0x116: {  	v40 =	vadd.s32 v12, v40;
	v56 =	vld [tilespmem:s0+$0xFFFFFEC0];
	[tilespmem:v59+s21+$0x0] =	vst.idx.msk $0xffff, v58  }
0x117: {  	v42 =	vadd.s32 v16, v42;
	v57 =	vld [tilespmem:s0+$0xFFFFFF00];
	[tilespmem:v61+s21+$0x0] =	vst.idx.msk $0xffff, v60  }
0x118: {  	v59 =	vadd.s32 v20, v44;
	v58 =	vld [tilespmem:s0+$0xFFFFFF40];
	[tilespmem:v63+s21+$0x0] =	vst.idx.msk $0xffff, v62  }
0x119: {  	v38 =	vadd.s32 v24, v38;
	v60 =	vld [tilespmem:s0+$0xFFFFFF80];
	[tilespmem:v47+s21+$0x0] =	vst.idx.msk $0xffff, v55  }
0x11a: {  	v35 =	vadd.s32 v28, v35;
	v61 =	vld [tilespmem:s0+$0xFFFFFFC0];
	[tilespmem:v54+s21+$0x0] =	vst.idx.msk $0xffff, v53  }
0x11b: {  	v63 =	vadd.s32 v4, v45;
	[tilespmem:v40+s21+$0x0] =	vst.idx.msk $0xffff, v56;
	v62 =	vld [tilespmem:s0+$0xFFFFFE40]  }
0x11c: {  	[tilespmem:v42+s21+$0x0] =	vst.idx.msk $0xffff, v57  }
0x11d: {  	[tilespmem:v59+s21+$0x0] =	vst.idx.msk $0xffff, v58  }
0x11e: {  	[tilespmem:v38+s21+$0x0] =	vst.idx.msk $0xffff, v60  }
0x11f: {  	[tilespmem:v35+s21+$0x0] =	vst.idx.msk $0xffff, v61  }
0x120: {  	s0 =	simm.s32 $0xC600;
	[tilespmem:v63+s21+$0x0] =	vst.idx.msk $0xffff, v62  }
0x121: {  	[hbm4b:s7+s3] =	stream.linear.scatter [tilespmem:s0], [sflag:$0x4], $0x80, $0x38;
	[tilespmem:$0xE800] =	vst v63  }
0x122: {  	s1 =	simm.s32 $0xC688;
	s19 =	sadd.s32 $0x10, s7  }
0x123: {  	[hbm4b:s19+s3] =	stream.linear.scatter [tilespmem:s1], [sflag:$0x4], $0x80, $0x38;
	[tilespmem:$0xE800] =	vst v63  }
0x124: {  	s22 =	simm.s32 $0xC710;
	s30 =	simm.s32 $0xC798;
	s26 =	sadd.s32 $0x20, s7  }
0x125: {  	[hbm4b:s26+s3] =	stream.linear.scatter [tilespmem:s22], [sflag:$0x4], $0x80, $0x38;
	[tilespmem:$0xE800] =	vst v63  }
0x126: {  	s31 =	sadd.s32 $0x30, s7;
	s28 =	simm.s32 $0x2200;
	s29 =	sadd.s32 $0x70, s7  }
0x127: {  	[hbm4b:s31+s3] =	stream.linear.scatter [tilespmem:s30], [sflag:$0x4], $0x80, $0x38;
	[tilespmem:$0xE800] =	vst v63  }
0x128: {  	s0 =	simm.s32 $0xC9B8;
	s1 =	simm.s32 $0xC820;
	s19 =	sadd.s32 $0x40, s7  }
0x129: {  	[hbm4b:s19+s3] =	stream.linear.scatter [tilespmem:s1], [sflag:$0x4], $0x80, $0x38;
	[tilespmem:$0xE800] =	vst v63  }
0x12a: {  	s22 =	simm.s32 $0xC8A8;
	s26 =	sadd.s32 $0x50, s7;
	s30 =	simm.s32 $0xC930  }
0x12b: {  	[hbm4b:s26+s3] =	stream.linear.scatter [tilespmem:s22], [sflag:$0x4], $0x80, $0x38;
	[tilespmem:$0xE800] =	vst v63  }
0x12c: {  	s31 =	sadd.s32 $0x60, s7;
	s1 =	simm.s32 $0x440;
	s26 =	sadd.s32 $0x1000, s7  }
0x12d: {  	[hbm4b:s31+s3] =	stream.linear.scatter [tilespmem:s30], [sflag:$0x4], $0x80, $0x38;
	[tilespmem:$0xE800] =	vst v63  }
.LBB2_8:
0x12e: {  	[hbm4b:s29+s3] =	stream.linear.scatter [tilespmem:s0], [sflag:$0x4], $0x80, $0x38;
	[tilespmem:$0xE800] =	vst v63  }
0x12f: {  	s0 =	smov.u32 s1;
	s1 =	smov.u32 s28  }
0x130: {  	s19 =	sadd.s32 $0x1100, s28;
	s1 =	sshra.s32 s1, $0x2;
	s29 =	sadd.s32 $0xC600, s0  }
0x131: {  	[hbm4b:s26+s3] =	stream.linear.scatter [tilespmem:s29], [sflag:$0x4], $0x80, $0x38;
	[tilespmem:$0xE800] =	vst v63  }
0x132: {  	p0 =	sne.s32 s28, $0x7700;
	s28 =	sadd.s32 $0xC688, s0;
	s29 =	sadd.s32 $0x10, s26  }
0x133: {  	[hbm4b:s29+s3] =	stream.linear.scatter [tilespmem:s28], [sflag:$0x4], $0x80, $0x38;
	[tilespmem:$0xE800] =	vst v63  }
0x134: {  	s28 =	sadd.s32 $0xC710, s0;
	s29 =	sadd.s32 $0x20, s26  }
0x135: {  	[hbm4b:s29+s3] =	stream.linear.scatter [tilespmem:s28], [sflag:$0x4], $0x80, $0x38;
	[tilespmem:$0xE800] =	vst v63  }
0x136: {  	s28 =	sadd.s32 $0xC798, s0;
	s29 =	sadd.s32 $0x30, s26  }
0x137: {  	[hbm4b:s29+s3] =	stream.linear.scatter [tilespmem:s28], [sflag:$0x4], $0x80, $0x38;
	[tilespmem:$0xE800] =	vst v63  }
0x138: {  	s28 =	sadd.s32 $0xC820, s0;
	s29 =	sadd.s32 $0x40, s26  }
0x139: {  	[hbm4b:s29+s3] =	stream.linear.scatter [tilespmem:s28], [sflag:$0x4], $0x80, $0x38;
	[tilespmem:$0xE800] =	vst v63  }
.Ltmp3:
0x13a: {  	s28 =	sadd.s32 $0xC8A8, s0;
	s29 =	sadd.s32 $0x50, s26;
	(pc) =	sbr.rel @p0 .LBB2_8-.Ltmp3, $4  }
0x13b: {  	[hbm4b:s29+s3] =	stream.linear.scatter [tilespmem:s28], [sflag:$0x4], $0x80, $0x38;
	[tilespmem:$0xE800] =	vst v63  }
0x13c: {  	s28 =	sadd.s32 $0xC930, s0;
	s29 =	sadd.s32 $0x60, s26;
	s0 =	sadd.s32 $0xC9B8, s0  }
0x13d: {  	[hbm4b:s29+s3] =	stream.linear.scatter [tilespmem:s28], [sflag:$0x4], $0x80, $0x38;
	[tilespmem:$0xE800] =	vst v63  }
0x13e: {  	s29 =	sadd.s32 $0x70, s26;
	s26 =	sadd.s32 $0x1000, s26;
	s28 =	smov.u32 s19  }
0x13f: {  	[hbm4b:s29+s3] =	stream.linear.scatter [tilespmem:s0], [sflag:$0x4], $0x80, $0x38;
	[tilespmem:$0xE800] =	vst v63  }
0x140: {  	s30 =	sadd.s32 $0xC600, s1  }
0x141: {  	[hbm4b:s26+s3] =	stream.linear.scatter [tilespmem:s30], [sflag:$0x4], $0x80, $0x38;
	[tilespmem:$0xE800] =	vst v63  }
0x142: {  	s31 =	sadd.s32 $0xC688, s1;
	s19 =	sadd.s32 $0x10, s26  }
0x143: {  	[hbm4b:s19+s3] =	stream.linear.scatter [tilespmem:s31], [sflag:$0x4], $0x80, $0x38;
	[tilespmem:$0xE800] =	vst v63  }
0x144: {  	s22 =	sadd.s32 $0xC710, s1;
	s29 =	sadd.s32 $0x20, s26  }
0x145: {  	[hbm4b:s29+s3] =	stream.linear.scatter [tilespmem:s22], [sflag:$0x4], $0x80, $0x38;
	[tilespmem:$0xE800] =	vst v63  }
0x146: {  	s30 =	sadd.s32 $0xC798, s1;
	s31 =	sadd.s32 $0x30, s26  }
0x147: {  	[hbm4b:s31+s3] =	stream.linear.scatter [tilespmem:s30], [sflag:$0x4], $0x80, $0x38;
	[tilespmem:$0xE800] =	vst v63  }
0x148: {  	s22 =	sadd.s32 $0xC820, s1;
	s29 =	sadd.s32 $0x40, s26  }
0x149: {  	[hbm4b:s29+s3] =	stream.linear.scatter [tilespmem:s22], [sflag:$0x4], $0x80, $0x38;
	[tilespmem:$0xE800] =	vst v63  }
0x14a: {  	s30 =	sadd.s32 $0xC8A8, s1;
	s31 =	sadd.s32 $0x50, s26  }
0x14b: {  	[hbm4b:s31+s3] =	stream.linear.scatter [tilespmem:s30], [sflag:$0x4], $0x80, $0x38;
	[tilespmem:$0xE800] =	vst v63  }
0x14c: {  	s19 =	sadd.s32 $0xC930, s1;
	s22 =	sadd.s32 $0x60, s26  }
0x14d: {  	[hbm4b:s22+s3] =	stream.linear.scatter [tilespmem:s19], [sflag:$0x4], $0x80, $0x38;
	[tilespmem:$0xE800] =	vst v63  }
0x14e: {  	s29 =	sadd.s32 $0xC9B8, s1;
	s30 =	sadd.s32 $0x70, s26  }
0x14f: {  	[hbm4b:s30+s3] =	stream.linear.scatter [tilespmem:s29], [sflag:$0x4], $0x80, $0x38;
	[tilespmem:$0xE800] =	vst v63  }
0x150: {  	s28 =	simm.s32 $0x0;
	s31 =	simm.s32 $0x180;
	s26 =	simm.s32 $0x0  }
0x151: {  	[tilespmem:s16], [sflag:$0x2] =	stream.indirect.gather [hbm4b:s4+s14], $0x40, s31, s14, $0xb8;
	[tilespmem:$0xE800] =	vst v63  }
.LBB2_10:
0x152: {  	v33 =	vmov s26;
	s0 =	simm.s32 $0x1  }
0x153: {  	s1 =	simm.s32 $0x2;
	s22 =	simm.s32 $0x3;
	s31 =	simm.s32 $0x4;
	v33 =	vshrl.u32 v33, $0x3;
	v34 =	vmov s0  }
0x154: {  	_ =	swait.ge [sflag:s17], $0x2000;
	s19 =	simm.s32 $0x7;
	v35 =	vmov s1;
	v36 =	vmov s22;
	s22 =	simm.s32 $0x5;
	v37 =	vmov s31  }
0x155: {  	[sflag:s17] =	ssyncset.done $0x0;
	v38 =	vmov s19;
	s31 =	simm.s32 $0x6;
	v39 =	vmov s22;
	v33 =	vshll.u32 v33, v1  }
0x156: {  	[sflag:s17] =	ssyncadd.s32 $0xFFFFE000;
	v38 =	vshrl.u32 v38, $0x3;
	v40 =	vmov s31;
	v34 =	vshrl.u32 v34, $0x3  }
0x157: {  	v35 =	vshrl.u32 v35, $0x3;
	v36 =	vshrl.u32 v36, $0x3;
	_ =	swait.ge [sflag:s23], $0x2000;
	v38 =	vshll.u32 v38, v1  }
0x158: {  	v37 =	vshrl.u32 v37, $0x3;
	v33 =	vbroadcast v33, $0x0;
	[sflag:s23] =	ssyncset.done $0x0;
	v38 =	vbroadcast v38, $0x0  }
0x159: {  	s29 =	simm.s32 $0x6500;
	v34 =	vshll.u32 v34, v1;
	v52 =	vshll.u32 v35, v1;
	v53 =	vshll.u32 v36, v1;
	[sflag:s23] =	ssyncadd.s32 $0xFFFFE000  }
0x15a: {  	v54 =	vshll.u32 v37, v1;
	v45 =	vbroadcast v34, $0x0;
	v41 =	vld [tilespmem:s29+$0xC0];
	v42 =	vadd.s32 v29, v38  }
0x15b: {  	v55 =	vshrl.u32 v39, $0x3;
	v52 =	vbroadcast v52, $0x0;
	v44 =	vadd.s32 v0, v33;
	v43 =	vld [tilespmem:s29+$0xFFFFFF00]  }
0x15c: {  	v40 =	vshrl.u32 v40, $0x3;
	v35 =	vbroadcast v53, $0x0;
	v46 =	vld [tilespmem:s29+$0xFFFFFF40];
	v47 =	vadd.s32 v5, v45  }
0x15d: {  	v34 =	vbroadcast v54, $0x0;
	v36 =	vshll.u32 v55, v1;
	v48 =	vld [tilespmem:s29+$0xFFFFFF80];
	v49 =	vadd.s32 v9, v52  }
0x15e: {  	v56 =	vshll.u32 v40, v1;
	v37 =	vbroadcast v36, $0x0;
	v39 =	vld [tilespmem:s29+$0xFFFFFFC0];
	v50 =	vadd.s32 v13, v35  }
0x15f: {  	v36 =	vbroadcast v56, $0x0;
	v51 =	vld [tilespmem:s29+$0x0];
	v53 =	vadd.s32 v17, v34;
	[tilespmem:v42+s18+$0x0] =	vst.idx.msk $0xffff, v41  }
0x160: {  	v59 =	vld [tilespmem:s29+$0x40];
	v60 =	vadd.s32 v21, v37;
	[tilespmem:v44+s18+$0x0] =	vst.idx.msk $0xffff, v43  }
0x161: {  	v61 =	vld [tilespmem:s29+$0x80];
	v62 =	vadd.s32 v25, v36;
	[tilespmem:v47+s18+$0x0] =	vst.idx.msk $0xffff, v46  }
0x162: {  	v58 =	vadd.s32 v30, v38;
	[tilespmem:v49+s18+$0x0] =	vst.idx.msk $0xffff, v48;
	v57 =	vld [tilespmem:s29+$0xD0]  }
0x163: {  	v63 =	vadd.s32 v6, v45;
	[tilespmem:v50+s18+$0x0] =	vst.idx.msk $0xffff, v39;
	v47 =	vld [tilespmem:s29+$0xFFFFFF50]  }
0x164: {  	v55 =	vadd.s32 v10, v52;
	[tilespmem:v53+s18+$0x0] =	vst.idx.msk $0xffff, v51;
	v54 =	vld [tilespmem:s29+$0xFFFFFF90]  }
0x165: {  	v56 =	vadd.s32 v14, v35;
	v50 =	vld [tilespmem:s29+$0xFFFFFFD0];
	[tilespmem:v60+s18+$0x0] =	vst.idx.msk $0xffff, v59  }
0x166: {  	[tilespmem:v62+s18+$0x0] =	vst.idx.msk $0xffff, v61;
	v61 =	vld [tilespmem:s29+$0xFFFFFF10];
	v62 =	vadd.s32 v2, v33  }
0x167: {  	v59 =	vadd.s32 v18, v34;
	[tilespmem:v58+s18+$0x0] =	vst.idx.msk $0xffff, v57;
	v58 =	vld [tilespmem:s29+$0x10]  }
0x168: {  	v57 =	vadd.s32 v31, v38;
	[tilespmem:v63+s18+$0x0] =	vst.idx.msk $0xffff, v47;
	v40 =	vld [tilespmem:s29+$0xE0]  }
0x169: {  	v46 =	vadd.s32 v22, v37;
	v44 =	vld [tilespmem:s29+$0x50];
	[tilespmem:v55+s18+$0x0] =	vst.idx.msk $0xffff, v54  }
0x16a: {  	v60 =	vadd.s32 v26, v36;
	v63 =	vld [tilespmem:s29+$0x90];
	[tilespmem:v56+s18+$0x0] =	vst.idx.msk $0xffff, v50  }
0x16b: {  	v51 =	vadd.s32 v7, v45;
	[tilespmem:v62+s18+$0x0] =	vst.idx.msk $0xffff, v61;
	v50 =	vld [tilespmem:s29+$0xFFFFFF60]  }
0x16c: {  	v56 =	vadd.s32 v11, v52;
	v55 =	vld [tilespmem:s29+$0xFFFFFFA0];
	[tilespmem:v59+s18+$0x0] =	vst.idx.msk $0xffff, v58  }
0x16d: {  	v58 =	vadd.s32 v15, v35;
	[tilespmem:v57+s18+$0x0] =	vst.idx.msk $0xffff, v40;
	v57 =	vld [tilespmem:s29+$0xFFFFFFE0]  }
0x16e: {  	v38 =	vadd.s32 v32, v38;
	[tilespmem:v46+s18+$0x0] =	vst.idx.msk $0xffff, v44;
	v54 =	vld [tilespmem:s29+$0xF0]  }
0x16f: {  	s19 =	simm.s32 $0x9;
	[tilespmem:v60+s18+$0x0] =	vst.idx.msk $0xffff, v63;
	v60 =	vadd.s32 v19, v34;
	v59 =	vld [tilespmem:s29+$0x20]  }
0x170: {  	v41 =	vadd.s32 v23, v37;
	v53 =	vmov s19;
	s19 =	simm.s32 $0xC;
	[tilespmem:v51+s18+$0x0] =	vst.idx.msk $0xffff, v50;
	v40 =	vld [tilespmem:s29+$0x60]  }
0x171: {  	s1 =	simm.s32 $0x8;
	s31 =	simm.s32 $0xB;
	v43 =	vadd.s32 v27, v36;
	v48 =	vadd.s32 v3, v33;
	v47 =	vmov s19;
	v42 =	vld [tilespmem:s29+$0xA0];
	[tilespmem:v56+s18+$0x0] =	vst.idx.msk $0xffff, v55  }
0x172: {  	s22 =	simm.s32 $0xA;
	v52 =	vadd.s32 v12, v52;
	v44 =	vmov s31;
	v46 =	vld [tilespmem:s29+$0xFFFFFF20];
	v63 =	vmov s1;
	[tilespmem:v58+s18+$0x0] =	vst.idx.msk $0xffff, v57  }
0x173: {  	s31 =	simm.s32 $0xE;
	v39 =	vshrl.u32 v63, $0x3;
	v51 =	vadd.s32 v8, v45;
	v49 =	vld [tilespmem:s29+$0xFFFFFF70];
	[tilespmem:v38+s18+$0x0] =	vst.idx.msk $0xffff, v54;
	v54 =	vmov s22;
	s22 =	simm.s32 $0xD  }
0x174: {  	s30 =	simm.s32 $0x10;
	s1 =	simm.s32 $0xF;
	v45 =	vshll.u32 v39, v1;
	v39 =	vmov s31;
	v50 =	vld [tilespmem:s29+$0xFFFFFFB0];
	[tilespmem:v60+s18+$0x0] =	vst.idx.msk $0xffff, v59;
	v38 =	vmov s22  }
.LBB2_11:
0x175: {  	p0 =	slt.u32 s30, $0x78;
	v53 =	vshrl.u32 v53, $0x3;
	v55 =	vmov s1;
	v56 =	vld [tilespmem:s29+$0xFFFFFFF0];
	v35 =	vadd.s32 v16, v35;
	[tilespmem:v41+s18+$0x0] =	vst.idx.msk $0xffff, v40  }
0x176: {  	v40 =	vshrl.u32 v54, $0x3;
	v34 =	vadd.s32 v20, v34;
	v41 =	vshrl.u32 v55, $0x3;
	v54 =	vld [tilespmem:s29+$0x30];
	[tilespmem:v43+s18+$0x0] =	vst.idx.msk $0xffff, v42  }
0x177: {  	v37 =	vadd.s32 v24, v37;
	v42 =	vshrl.u32 v44, $0x3;
	v41 =	vshll.u32 v41, v1;
	[tilespmem:v48+s18+$0x0] =	vst.idx.msk $0xffff, v46;
	v43 =	vld [tilespmem:s29+$0x70]  }
0x178: {  	v36 =	vadd.s32 v28, v36;
	v44 =	vshrl.u32 v47, $0x3;
	v41 =	vbroadcast v41, $0x0;
	[tilespmem:v51+s18+$0x0] =	vst.idx.msk $0xffff, v49;
	v46 =	vld [tilespmem:s29+$0xB0]  }
0x179: {  	v47 =	vshll.u32 v53, v1;
	v49 =	vadd.s32 v4, v33;
	v33 =	vbroadcast v45, $0x0;
	v48 =	vld [tilespmem:s29+$0xFFFFFF30];
	[tilespmem:v52+s18+$0x0] =	vst.idx.msk $0xffff, v50;
	s29 =	sadd.s32 $0x200, s29  }
0x17a: {  	v40 =	vshll.u32 v40, v1;
	v45 =	vbroadcast v47, $0x0;
	v47 =	vld [tilespmem:s29+$0xC0];
	v50 =	vadd.s32 v29, v41;
	[tilespmem:v35+s18+$0x0] =	vst.idx.msk $0xffff, v56  }
0x17b: {  	v55 =	vbroadcast v40, $0x0;
	v52 =	vadd.s32 v0, v33;
	v35 =	vshll.u32 v42, v1;
	v51 =	vld [tilespmem:s29+$0xFFFFFF00];
	[tilespmem:v34+s18+$0x0] =	vst.idx.msk $0xffff, v54  }
0x17c: {  	v42 =	vadd.s32 v5, v45;
	v35 =	vbroadcast v35, $0x0;
	v34 =	vshll.u32 v44, v1;
	v40 =	vld [tilespmem:s29+$0xFFFFFF40];
	[tilespmem:v37+s18+$0x0] =	vst.idx.msk $0xffff, v43  }
0x17d: {  	v44 =	vadd.s32 v9, v55;
	v34 =	vbroadcast v34, $0x0;
	v37 =	vshrl.u32 v38, $0x3;
	v43 =	vld [tilespmem:s29+$0xFFFFFF80];
	[tilespmem:v36+s18+$0x0] =	vst.idx.msk $0xffff, v46  }
0x17e: {  	v39 =	vshrl.u32 v39, $0x3;
	v46 =	vadd.s32 v13, v35;
	v36 =	vshll.u32 v37, v1;
	v38 =	vld [tilespmem:s29+$0xFFFFFFC0];
	[tilespmem:v49+s18+$0x0] =	vst.idx.msk $0xffff, v48  }
0x17f: {  	v49 =	vadd.s32 v17, v34;
	v37 =	vbroadcast v36, $0x0;
	v36 =	vshll.u32 v39, v1;
	v48 =	vld [tilespmem:s29+$0x0];
	[tilespmem:v50+s18+$0x0] =	vst.idx.msk $0xffff, v47  }
0x180: {  	v36 =	vbroadcast v36, $0x0;
	v47 =	vadd.s32 v30, v41;
	[tilespmem:v52+s18+$0x0] =	vst.idx.msk $0xffff, v51;
	v39 =	vld [tilespmem:s29+$0xD0]  }
0x181: {  	[tilespmem:v42+s18+$0x0] =	vst.idx.msk $0xffff, v40;
	v40 =	vld [tilespmem:s29+$0x40];
	v42 =	vadd.s32 v21, v37  }
0x182: {  	[tilespmem:v44+s18+$0x0] =	vst.idx.msk $0xffff, v43;
	v43 =	vld [tilespmem:s29+$0x80];
	v44 =	vadd.s32 v25, v36  }
0x183: {  	v51 =	vadd.s32 v6, v45;
	v50 =	vld [tilespmem:s29+$0xFFFFFF50];
	[tilespmem:v46+s18+$0x0] =	vst.idx.msk $0xffff, v38  }
0x184: {  	v46 =	vadd.s32 v10, v55;
	v38 =	vld [tilespmem:s29+$0xFFFFFF90];
	[tilespmem:v49+s18+$0x0] =	vst.idx.msk $0xffff, v48  }
0x185: {  	v49 =	vadd.s32 v14, v35;
	v48 =	vld [tilespmem:s29+$0xFFFFFFD0];
	[tilespmem:v47+s18+$0x0] =	vst.idx.msk $0xffff, v39  }
0x186: {  	[tilespmem:v42+s18+$0x0] =	vst.idx.msk $0xffff, v40;
	v39 =	vld [tilespmem:s29+$0xE0];
	v40 =	vadd.s32 v31, v41  }
0x187: {  	v47 =	vadd.s32 v18, v34;
	v42 =	vld [tilespmem:s29+$0x10];
	[tilespmem:v44+s18+$0x0] =	vst.idx.msk $0xffff, v43  }
0x188: {  	v44 =	vadd.s32 v22, v37;
	[tilespmem:v51+s18+$0x0] =	vst.idx.msk $0xffff, v50;
	v43 =	vld [tilespmem:s29+$0x50]  }
0x189: {  	[tilespmem:v46+s18+$0x0] =	vst.idx.msk $0xffff, v38;
	v38 =	vld [tilespmem:s29+$0x90];
	v46 =	vadd.s32 v26, v36  }
0x18a: {  	v51 =	vadd.s32 v2, v33;
	v50 =	vld [tilespmem:s29+$0xFFFFFF10];
	[tilespmem:v49+s18+$0x0] =	vst.idx.msk $0xffff, v48  }
0x18b: {  	v49 =	vadd.s32 v7, v45;
	v48 =	vld [tilespmem:s29+$0xFFFFFF60];
	[tilespmem:v40+s18+$0x0] =	vst.idx.msk $0xffff, v39  }
0x18c: {  	[tilespmem:v47+s18+$0x0] =	vst.idx.msk $0xffff, v42;
	v39 =	vld [tilespmem:s29+$0xF0];
	v47 =	vadd.s32 v32, v41  }
0x18d: {  	v56 =	vadd.s32 v11, v55;
	v52 =	vld [tilespmem:s29+$0xFFFFFFA0];
	[tilespmem:v44+s18+$0x0] =	vst.idx.msk $0xffff, v43  }
0x18e: {  	v58 =	vadd.s32 v15, v35;
	v57 =	vld [tilespmem:s29+$0xFFFFFFE0];
	[tilespmem:v46+s18+$0x0] =	vst.idx.msk $0xffff, v38  }
0x18f: {  	v60 =	vadd.s32 v19, v34;
	[tilespmem:v51+s18+$0x0] =	vst.idx.msk $0xffff, v50;
	v59 =	vld [tilespmem:s29+$0x20]  }
.Ltmp4:
0x190: {  	s0 =	sadd.s32 $0x1, s30;
	v41 =	vadd.s32 v23, v37;
	v38 =	vmov s30;
	[tilespmem:v49+s18+$0x0] =	vst.idx.msk $0xffff, v48;
	v40 =	vld [tilespmem:s29+$0x60];
	(pc) =	sbr.rel @p0 .LBB2_11-.Ltmp4, $4  }
0x191: {  	s1 =	sadd.s32 $0x3, s30;
	v53 =	vmov s0;
	s0 =	sadd.s32 $0x2, s30;
	v43 =	vadd.s32 v27, v36;
	v50 =	vshrl.u32 v38, $0x3;
	v42 =	vld [tilespmem:s29+$0xA0];
	[tilespmem:v47+s18+$0x0] =	vst.idx.msk $0xffff, v39  }
0x192: {  	v54 =	vmov s0;
	s0 =	sadd.s32 $0x4, s30;
	v44 =	vmov s1;
	s1 =	sadd.s32 $0x5, s30;
	v48 =	vadd.s32 v3, v33;
	v46 =	vld [tilespmem:s29+$0xFFFFFF20];
	[tilespmem:v56+s18+$0x0] =	vst.idx.msk $0xffff, v52  }
0x193: {  	v38 =	vmov s1;
	v51 =	vadd.s32 v8, v45;
	v47 =	vmov s0;
	s0 =	sadd.s32 $0x6, s30;
	v49 =	vld [tilespmem:s29+$0xFFFFFF70];
	[tilespmem:v58+s18+$0x0] =	vst.idx.msk $0xffff, v57  }
0x194: {  	s1 =	sadd.s32 $0x7, s30;
	v45 =	vshll.u32 v50, v1;
	s30 =	sadd.s32 $0x8, s30;
	v39 =	vmov s0;
	v52 =	vadd.s32 v12, v55;
	v50 =	vld [tilespmem:s29+$0xFFFFFFB0];
	[tilespmem:v60+s18+$0x0] =	vst.idx.msk $0xffff, v59  }
0x195: {  	_ =	sdelay $0x2  }
0x196: {  	v53 =	vshrl.u32 v53, $0x3  }
0x197: {  	v55 =	vmov s1;
	v56 =	vld [tilespmem:s29+$0xFFFFFFF0];
	v35 =	vadd.s32 v16, v35;
	[tilespmem:v41+s18+$0x0] =	vst.idx.msk $0xffff, v40;
	v57 =	vshrl.u32 v54, $0x3  }
0x198: {  	v59 =	vld [tilespmem:s29+$0x30];
	v34 =	vadd.s32 v20, v34;
	v60 =	vshrl.u32 v44, $0x3;
	v58 =	vshrl.u32 v55, $0x3;
	[tilespmem:v43+s18+$0x0] =	vst.idx.msk $0xffff, v42  }
0x199: {  	v37 =	vadd.s32 v24, v37;
	v62 =	vshrl.u32 v47, $0x3;
	v61 =	vld [tilespmem:s29+$0x70];
	v41 =	vshll.u32 v58, v1;
	[tilespmem:v48+s18+$0x0] =	vst.idx.msk $0xffff, v46  }
0x19a: {  	v36 =	vadd.s32 v28, v36;
	v45 =	vbroadcast v45, $0x0;
	v63 =	vld [tilespmem:s29+$0xB0];
	v41 =	vbroadcast v41, $0x0;
	[tilespmem:v51+s18+$0x0] =	vst.idx.msk $0xffff, v49  }
0x19b: {  	v33 =	vadd.s32 v4, v33;
	s19 =	sadd.s32 $0x200, s29;
	v38 =	vshrl.u32 v38, $0x3;
	v55 =	vshll.u32 v53, v1;
	v48 =	vld [tilespmem:s29+$0xFFFFFF30];
	[tilespmem:v52+s18+$0x0] =	vst.idx.msk $0xffff, v50  }
0x19c: {  	v40 =	vshll.u32 v57, v1;
	v47 =	vbroadcast v55, $0x0;
	v49 =	vld [tilespmem:s19+$0xC0];
	v50 =	vadd.s32 v29, v41;
	[tilespmem:v35+s18+$0x0] =	vst.idx.msk $0xffff, v56  }
0x19d: {  	v42 =	vshll.u32 v60, v1;
	v40 =	vbroadcast v40, $0x0;
	v35 =	vld [tilespmem:s19+$0xFFFFFF00];
	v56 =	vadd.s32 v0, v45;
	[tilespmem:v34+s18+$0x0] =	vst.idx.msk $0xffff, v59  }
0x19e: {  	v57 =	vld [tilespmem:s19+$0xFFFFFF40];
	v44 =	vshll.u32 v62, v1;
	v42 =	vbroadcast v42, $0x0;
	v58 =	vadd.s32 v5, v47;
	[tilespmem:v37+s18+$0x0] =	vst.idx.msk $0xffff, v61  }
0x19f: {  	v38 =	vshll.u32 v38, v1;
	v44 =	vbroadcast v44, $0x0;
	v60 =	vadd.s32 v9, v40;
	v59 =	vld [tilespmem:s19+$0xFFFFFF80];
	[tilespmem:v36+s18+$0x0] =	vst.idx.msk $0xffff, v63  }
0x1a0: {  	v38 =	vbroadcast v38, $0x0;
	v62 =	vadd.s32 v13, v42;
	v61 =	vld [tilespmem:s19+$0xFFFFFFC0];
	[tilespmem:v33+s18+$0x0] =	vst.idx.msk $0xffff, v48  }
0x1a1: {  	v39 =	vshrl.u32 v39, $0x3;
	v63 =	vadd.s32 v17, v44;
	v33 =	vld [tilespmem:s19+$0x0];
	[tilespmem:v50+s18+$0x0] =	vst.idx.msk $0xffff, v49  }
0x1a2: {  	v39 =	vshll.u32 v39, v1;
	v34 =	vld [tilespmem:s19+$0x40];
	[tilespmem:v56+s18+$0x0] =	vst.idx.msk $0xffff, v35;
	v56 =	vadd.s32 v21, v38  }
0x1a3: {  	[tilespmem:v58+s18+$0x0] =	vst.idx.msk $0xffff, v57;
	v35 =	vbroadcast v39, $0x0;
	v49 =	vadd.s32 v30, v41;
	v39 =	vld [tilespmem:s19+$0xD0]  }
0x1a4: {  	[tilespmem:v60+s18+$0x0] =	vst.idx.msk $0xffff, v59;
	v59 =	vld [tilespmem:s19+$0xFFFFFF50];
	v60 =	vadd.s32 v6, v47  }
0x1a5: {  	v57 =	vld [tilespmem:s19+$0x80];
	[tilespmem:v62+s18+$0x0] =	vst.idx.msk $0xffff, v61;
	v58 =	vadd.s32 v25, v35  }
0x1a6: {  	v61 =	vld [tilespmem:s19+$0xFFFFFF90];
	v62 =	vadd.s32 v10, v40;
	[tilespmem:v63+s18+$0x0] =	vst.idx.msk $0xffff, v33  }
0x1a7: {  	v33 =	vld [tilespmem:s19+$0xFFFFFFD0];
	v63 =	vadd.s32 v14, v42;
	[tilespmem:v56+s18+$0x0] =	vst.idx.msk $0xffff, v34  }
0x1a8: {  	v56 =	vadd.s32 v18, v44;
	[tilespmem:v49+s18+$0x0] =	vst.idx.msk $0xffff, v39;
	v49 =	vld [tilespmem:s19+$0x10]  }
0x1a9: {  	[tilespmem:v60+s18+$0x0] =	vst.idx.msk $0xffff, v59;
	v39 =	vadd.s32 v31, v41;
	v34 =	vld [tilespmem:s19+$0xE0]  }
0x1aa: {  	[tilespmem:v58+s18+$0x0] =	vst.idx.msk $0xffff, v57;
	v57 =	vld [tilespmem:s19+$0x50];
	v58 =	vadd.s32 v22, v38  }
0x1ab: {  	[tilespmem:v62+s18+$0x0] =	vst.idx.msk $0xffff, v61;
	v61 =	vld [tilespmem:s19+$0xFFFFFF10];
	v62 =	vadd.s32 v2, v45  }
0x1ac: {  	v60 =	vadd.s32 v26, v35;
	v59 =	vld [tilespmem:s19+$0x90];
	[tilespmem:v63+s18+$0x0] =	vst.idx.msk $0xffff, v33  }
0x1ad: {  	v55 =	vadd.s32 v11, v40;
	v54 =	vadd.s32 v32, v41;
	v41 =	vld [tilespmem:s19+$0xFFFFFFA0];
	[tilespmem:v56+s18+$0x0] =	vst.idx.msk $0xffff, v49  }
0x1ae: {  	v53 =	vadd.s32 v7, v47;
	v63 =	vld [tilespmem:s19+$0xFFFFFF60];
	[tilespmem:v39+s18+$0x0] =	vst.idx.msk $0xffff, v34  }
0x1af: {  	v56 =	vld [tilespmem:s19+$0xFFFFFFE0];
	[tilespmem:v58+s18+$0x0] =	vst.idx.msk $0xffff, v57;
	v57 =	vadd.s32 v15, v42  }
0x1b0: {  	[tilespmem:v62+s18+$0x0] =	vst.idx.msk $0xffff, v61;
	v34 =	vld [tilespmem:s19+$0xF0]  }
0x1b1: {  	v58 =	vld [tilespmem:s19+$0x20];
	[tilespmem:v60+s18+$0x0] =	vst.idx.msk $0xffff, v59;
	v59 =	vadd.s32 v19, v44  }
0x1b2: {  	v61 =	vadd.s32 v23, v38;
	[tilespmem:v55+s18+$0x0] =	vst.idx.msk $0xffff, v41;
	v60 =	vld [tilespmem:s19+$0x60]  }
0x1b3: {  	[tilespmem:v53+s18+$0x0] =	vst.idx.msk $0xffff, v63;
	v63 =	vadd.s32 v27, v35;
	v62 =	vld [tilespmem:s19+$0xA0]  }
0x1b4: {  	v47 =	vadd.s32 v8, v47;
	v55 =	vld [tilespmem:s19+$0xFFFFFF70];
	[tilespmem:v57+s18+$0x0] =	vst.idx.msk $0xffff, v56  }
0x1b5: {  	v53 =	vld [tilespmem:s19+$0xFFFFFF20];
	[tilespmem:v54+s18+$0x0] =	vst.idx.msk $0xffff, v34;
	v54 =	vadd.s32 v3, v45  }
0x1b6: {  	v40 =	vadd.s32 v12, v40;
	v56 =	vld [tilespmem:s19+$0xFFFFFFB0];
	[tilespmem:v59+s18+$0x0] =	vst.idx.msk $0xffff, v58  }
0x1b7: {  	v42 =	vadd.s32 v16, v42;
	v57 =	vld [tilespmem:s19+$0xFFFFFFF0];
	[tilespmem:v61+s18+$0x0] =	vst.idx.msk $0xffff, v60  }
0x1b8: {  	v59 =	vadd.s32 v20, v44;
	v58 =	vld [tilespmem:s19+$0x30];
	[tilespmem:v63+s18+$0x0] =	vst.idx.msk $0xffff, v62  }
0x1b9: {  	v38 =	vadd.s32 v24, v38;
	v60 =	vld [tilespmem:s19+$0x70];
	[tilespmem:v47+s18+$0x0] =	vst.idx.msk $0xffff, v55  }
0x1ba: {  	v35 =	vadd.s32 v28, v35;
	v61 =	vld [tilespmem:s19+$0xB0];
	[tilespmem:v54+s18+$0x0] =	vst.idx.msk $0xffff, v53  }
0x1bb: {  	s29 =	sshll.u32 s28, $0x1;
	v63 =	vadd.s32 v4, v45;
	[tilespmem:v40+s18+$0x0] =	vst.idx.msk $0xffff, v56;
	v62 =	vld [tilespmem:s19+$0xFFFFFF30]  }
0x1bc: {  	s0 =	sadd.s32 s29, s8;
	[tilespmem:v42+s18+$0x0] =	vst.idx.msk $0xffff, v57  }
0x1bd: {  	s22 =	sshll.u32 s0, $0x7;
	[tilespmem:v59+s18+$0x0] =	vst.idx.msk $0xffff, v58  }
0x1be: {  	s0 =	sshll.u32 s0, $0xA;
	s1 =	sand.u32 $0xF00, s22;
	[tilespmem:v38+s18+$0x0] =	vst.idx.msk $0xffff, v60  }
0x1bf: {  	s0 =	sand.u32 $0xFFF8000, s0;
	s1 =	sadd.s32 s2, s1;
	[tilespmem:v35+s18+$0x0] =	vst.idx.msk $0xffff, v61  }
0x1c0: {  	s30 =	sadd.s32 s0, s1;
	s19 =	simm.s32 $0xA400;
	[tilespmem:v63+s18+$0x0] =	vst.idx.msk $0xffff, v62  }
0x1c1: {  	[hbm4b:s30+s3] =	stream.linear.scatter [tilespmem:s19], [sflag:$0x3], $0x80, $0x38;
	[tilespmem:$0xE800] =	vst v63  }
0x1c2: {  	s22 =	simm.s32 $0xA488;
	s1 =	sadd.s32 $0x10, s30  }
0x1c3: {  	[hbm4b:s1+s3] =	stream.linear.scatter [tilespmem:s22], [sflag:$0x3], $0x80, $0x38;
	[tilespmem:$0xE800] =	vst v63  }
0x1c4: {  	s19 =	simm.s32 $0xA510;
	s22 =	sadd.s32 $0x20, s30  }
0x1c5: {  	[hbm4b:s22+s3] =	stream.linear.scatter [tilespmem:s19], [sflag:$0x3], $0x80, $0x38;
	[tilespmem:$0xE800] =	vst v63  }
0x1c6: {  	s19 =	simm.s32 $0xA598;
	s22 =	sadd.s32 $0x30, s30  }
0x1c7: {  	[hbm4b:s22+s3] =	stream.linear.scatter [tilespmem:s19], [sflag:$0x3], $0x80, $0x38;
	[tilespmem:$0xE800] =	vst v63  }
0x1c8: {  	s19 =	simm.s32 $0xA620;
	s22 =	sadd.s32 $0x40, s30  }
0x1c9: {  	[hbm4b:s22+s3] =	stream.linear.scatter [tilespmem:s19], [sflag:$0x3], $0x80, $0x38;
	[tilespmem:$0xE800] =	vst v63  }
0x1ca: {  	s31 =	simm.s32 $0x2200;
	s19 =	simm.s32 $0xA6A8;
	s22 =	sadd.s32 $0x50, s30  }
0x1cb: {  	[hbm4b:s22+s3] =	stream.linear.scatter [tilespmem:s19], [sflag:$0x3], $0x80, $0x38;
	[tilespmem:$0xE800] =	vst v63  }
0x1cc: {  	s0 =	simm.s32 $0xA7B8;
	s19 =	simm.s32 $0xA730;
	s22 =	sadd.s32 $0x60, s30  }
0x1cd: {  	[hbm4b:s22+s3] =	stream.linear.scatter [tilespmem:s19], [sflag:$0x3], $0x80, $0x38;
	[tilespmem:$0xE800] =	vst v63  }
0x1ce: {  	s1 =	simm.s32 $0x440;
	s19 =	sadd.s32 $0x70, s30;
	s30 =	sadd.s32 $0x1000, s30  }
.LBB2_13:
0x1cf: {  	[hbm4b:s19+s3] =	stream.linear.scatter [tilespmem:s0], [sflag:$0x3], $0x80, $0x38;
	[tilespmem:$0xE800] =	vst v63  }
0x1d0: {  	s0 =	smov.u32 s1;
	s1 =	smov.u32 s31  }
0x1d1: {  	s22 =	sadd.s32 $0x1100, s31;
	s1 =	sshra.s32 s1, $0x2;
	s19 =	sadd.s32 $0xA400, s0  }
0x1d2: {  	[hbm4b:s30+s3] =	stream.linear.scatter [tilespmem:s19], [sflag:$0x3], $0x80, $0x38;
	[tilespmem:$0xE800] =	vst v63  }
0x1d3: {  	p0 =	sne.s32 s31, $0x7700;
	s31 =	sadd.s32 $0x10, s30;
	s19 =	sadd.s32 $0xA488, s0  }
0x1d4: {  	[hbm4b:s31+s3] =	stream.linear.scatter [tilespmem:s19], [sflag:$0x3], $0x80, $0x38;
	[tilespmem:$0xE800] =	vst v63  }
0x1d5: {  	s19 =	sadd.s32 $0xA510, s0;
	s31 =	sadd.s32 $0x20, s30  }
0x1d6: {  	[hbm4b:s31+s3] =	stream.linear.scatter [tilespmem:s19], [sflag:$0x3], $0x80, $0x38;
	[tilespmem:$0xE800] =	vst v63  }
0x1d7: {  	s19 =	sadd.s32 $0xA598, s0;
	s31 =	sadd.s32 $0x30, s30  }
0x1d8: {  	[hbm4b:s31+s3] =	stream.linear.scatter [tilespmem:s19], [sflag:$0x3], $0x80, $0x38;
	[tilespmem:$0xE800] =	vst v63  }
0x1d9: {  	s19 =	sadd.s32 $0xA620, s0;
	s31 =	sadd.s32 $0x40, s30  }
0x1da: {  	[hbm4b:s31+s3] =	stream.linear.scatter [tilespmem:s19], [sflag:$0x3], $0x80, $0x38;
	[tilespmem:$0xE800] =	vst v63  }
.Ltmp5:
0x1db: {  	s19 =	sadd.s32 $0xA6A8, s0;
	s31 =	sadd.s32 $0x50, s30;
	(pc) =	sbr.rel @p0 .LBB2_13-.Ltmp5, $4  }
0x1dc: {  	[hbm4b:s31+s3] =	stream.linear.scatter [tilespmem:s19], [sflag:$0x3], $0x80, $0x38;
	[tilespmem:$0xE800] =	vst v63  }
0x1dd: {  	s19 =	sadd.s32 $0xA730, s0;
	s31 =	sadd.s32 $0x60, s30;
	s0 =	sadd.s32 $0xA7B8, s0  }
0x1de: {  	[hbm4b:s31+s3] =	stream.linear.scatter [tilespmem:s19], [sflag:$0x3], $0x80, $0x38;
	[tilespmem:$0xE800] =	vst v63  }
0x1df: {  	s19 =	sadd.s32 $0x70, s30;
	s30 =	sadd.s32 $0x1000, s30;
	s31 =	smov.u32 s22  }
0x1e0: {  	[hbm4b:s19+s3] =	stream.linear.scatter [tilespmem:s0], [sflag:$0x3], $0x80, $0x38;
	[tilespmem:$0xE800] =	vst v63  }
0x1e1: {  	s22 =	sadd.s32 $0xA400, s1  }
0x1e2: {  	[hbm4b:s30+s3] =	stream.linear.scatter [tilespmem:s22], [sflag:$0x3], $0x80, $0x38;
	[tilespmem:$0xE800] =	vst v63  }
0x1e3: {  	s19 =	sadd.s32 $0xA488, s1;
	s22 =	sadd.s32 $0x10, s30  }
0x1e4: {  	[hbm4b:s22+s3] =	stream.linear.scatter [tilespmem:s19], [sflag:$0x3], $0x80, $0x38;
	[tilespmem:$0xE800] =	vst v63  }
0x1e5: {  	s19 =	sadd.s32 $0xA510, s1;
	s22 =	sadd.s32 $0x20, s30  }
0x1e6: {  	[hbm4b:s22+s3] =	stream.linear.scatter [tilespmem:s19], [sflag:$0x3], $0x80, $0x38;
	[tilespmem:$0xE800] =	vst v63  }
0x1e7: {  	s19 =	sadd.s32 $0xA598, s1;
	s22 =	sadd.s32 $0x30, s30  }
0x1e8: {  	[hbm4b:s22+s3] =	stream.linear.scatter [tilespmem:s19], [sflag:$0x3], $0x80, $0x38;
	[tilespmem:$0xE800] =	vst v63  }
0x1e9: {  	s19 =	sadd.s32 $0xA620, s1;
	s22 =	sadd.s32 $0x40, s30  }
0x1ea: {  	[hbm4b:s22+s3] =	stream.linear.scatter [tilespmem:s19], [sflag:$0x3], $0x80, $0x38;
	[tilespmem:$0xE800] =	vst v63  }
0x1eb: {  	s19 =	sadd.s32 $0xA6A8, s1;
	s22 =	sadd.s32 $0x50, s30  }
0x1ec: {  	[hbm4b:s22+s3] =	stream.linear.scatter [tilespmem:s19], [sflag:$0x3], $0x80, $0x38;
	[tilespmem:$0xE800] =	vst v63  }
0x1ed: {  	s19 =	sadd.s32 $0xA730, s1;
	s22 =	sadd.s32 $0x60, s30  }
0x1ee: {  	[hbm4b:s22+s3] =	stream.linear.scatter [tilespmem:s19], [sflag:$0x3], $0x80, $0x38;
	[tilespmem:$0xE800] =	vst v63  }
0x1ef: {  	s19 =	sadd.s32 $0xA7B8, s1;
	s22 =	sadd.s32 $0x70, s30  }
0x1f0: {  	[hbm4b:s22+s3] =	stream.linear.scatter [tilespmem:s19], [sflag:$0x3], $0x80, $0x38;
	[tilespmem:$0xE800] =	vst v63  }
0x1f1: {  	s1 =	simm.s32 $0x1;
	s19 =	sshll.u32 s28, $0x8  }
0x1f2: {  	v34 =	vmov s1;
	s1 =	simm.s32 $0x4;
	s30 =	sand.u32 $0x3FFFFF00, s19  }
0x1f3: {  	s22 =	simm.s32 $0x0;
	s19 =	simm.s32 $0x2;
	s0 =	sadd.s32 $0x200, s30  }
0x1f4: {  	v37 =	vmov s1;
	v34 =	vshrl.u32 v34, $0x3;
	[tilespmem:s15], [sflag:$0x1] =	stream.indirect.gather [hbm4b:s4+s14], $0x40, s0, s14, $0xb8;
	[tilespmem:$0xE800] =	vst v63  }
0x1f5: {  	v33 =	vmov s22;
	v37 =	vshrl.u32 v37, $0x3;
	v35 =	vmov s19;
	s19 =	simm.s32 $0x7;
	_ =	swait.ge [sflag:s20], $0x2000  }
0x1f6: {  	s22 =	simm.s32 $0x3;
	v34 =	vshll.u32 v34, v1;
	v33 =	vshrl.u32 v33, $0x3;
	v38 =	vmov s19;
	[sflag:s20] =	ssyncset.done $0x0  }
0x1f7: {  	v36 =	vmov s22;
	s22 =	simm.s32 $0x5;
	v45 =	vbroadcast v34, $0x0;
	v38 =	vshrl.u32 v38, $0x3;
	[sflag:s20] =	ssyncadd.s32 $0xFFFFE000  }
0x1f8: {  	v54 =	vshll.u32 v37, v1;
	v39 =	vmov s22;
	v38 =	vshll.u32 v38, v1;
	_ =	swait.ge [sflag:s24], $0x2000  }
0x1f9: {  	v33 =	vshll.u32 v33, v1;
	v35 =	vshrl.u32 v35, $0x3;
	v38 =	vbroadcast v38, $0x0;
	[sflag:s24] =	ssyncset.done $0x0  }
0x1fa: {  	s31 =	simm.s32 $0x85F0;
	s19 =	simm.s32 $0x6;
	v36 =	vshrl.u32 v36, $0x3;
	v34 =	vbroadcast v54, $0x0;
	v33 =	vbroadcast v33, $0x0;
	[sflag:s24] =	ssyncadd.s32 $0xFFFFE000  }
0x1fb: {  	v40 =	vmov s19;
	v52 =	vshll.u32 v35, v1;
	v42 =	vadd.s32 v29, v38;
	v41 =	vld [tilespmem:s31+$0xFFFFFFD0]  }
0x1fc: {  	v53 =	vshll.u32 v36, v1;
	v52 =	vbroadcast v52, $0x0;
	v44 =	vadd.s32 v0, v33;
	v43 =	vld [tilespmem:s31+$0xFFFFFE10]  }
0x1fd: {  	v47 =	vadd.s32 v5, v45;
	v55 =	vshrl.u32 v39, $0x3;
	v35 =	vbroadcast v53, $0x0;
	v46 =	vld [tilespmem:s31+$0xFFFFFE50]  }
0x1fe: {  	v36 =	vshll.u32 v55, v1;
	v40 =	vshrl.u32 v40, $0x3;
	v49 =	vadd.s32 v9, v52;
	v48 =	vld [tilespmem:s31+$0xFFFFFE90]  }
0x1ff: {  	v37 =	vbroadcast v36, $0x0;
	v56 =	vshll.u32 v40, v1;
	v50 =	vadd.s32 v13, v35;
	v39 =	vld [tilespmem:s31+$0xFFFFFED0]  }
0x200: {  	v53 =	vadd.s32 v17, v34;
	v36 =	vbroadcast v56, $0x0;
	v51 =	vld [tilespmem:s31+$0xFFFFFF10];
	[tilespmem:v42+s21+$0x0] =	vst.idx.msk $0xffff, v41  }
0x201: {  	v60 =	vadd.s32 v21, v37;
	v59 =	vld [tilespmem:s31+$0xFFFFFF50];
	[tilespmem:v44+s21+$0x0] =	vst.idx.msk $0xffff, v43  }
0x202: {  	v62 =	vadd.s32 v25, v36;
	v61 =	vld [tilespmem:s31+$0xFFFFFF90];
	[tilespmem:v47+s21+$0x0] =	vst.idx.msk $0xffff, v46  }
0x203: {  	v58 =	vadd.s32 v30, v38;
	[tilespmem:v49+s21+$0x0] =	vst.idx.msk $0xffff, v48;
	v57 =	vld [tilespmem:s31+$0xFFFFFFE0]  }
0x204: {  	v63 =	vadd.s32 v6, v45;
	[tilespmem:v50+s21+$0x0] =	vst.idx.msk $0xffff, v39;
	v47 =	vld [tilespmem:s31+$0xFFFFFE60]  }
0x205: {  	v55 =	vadd.s32 v10, v52;
	[tilespmem:v53+s21+$0x0] =	vst.idx.msk $0xffff, v51;
	v54 =	vld [tilespmem:s31+$0xFFFFFEA0]  }
0x206: {  	v56 =	vadd.s32 v14, v35;
	[tilespmem:v60+s21+$0x0] =	vst.idx.msk $0xffff, v59;
	v50 =	vld [tilespmem:s31+$0xFFFFFEE0]  }
0x207: {  	[tilespmem:v62+s21+$0x0] =	vst.idx.msk $0xffff, v61;
	v46 =	vadd.s32 v22, v37;
	v44 =	vld [tilespmem:s31+$0xFFFFFF60]  }
0x208: {  	v59 =	vadd.s32 v18, v34;
	[tilespmem:v58+s21+$0x0] =	vst.idx.msk $0xffff, v57;
	v58 =	vld [tilespmem:s31+$0xFFFFFF20]  }
0x209: {  	v57 =	vadd.s32 v31, v38;
	[tilespmem:v63+s21+$0x0] =	vst.idx.msk $0xffff, v47;
	v40 =	vld [tilespmem:s31+$0xFFFFFFF0]  }
0x20a: {  	v62 =	vadd.s32 v2, v33;
	v61 =	vld [tilespmem:s31+$0xFFFFFE20];
	[tilespmem:v55+s21+$0x0] =	vst.idx.msk $0xffff, v54  }
0x20b: {  	v60 =	vadd.s32 v26, v36;
	v63 =	vld [tilespmem:s31+$0xFFFFFFA0];
	[tilespmem:v56+s21+$0x0] =	vst.idx.msk $0xffff, v50  }
0x20c: {  	v51 =	vadd.s32 v7, v45;
	[tilespmem:v46+s21+$0x0] =	vst.idx.msk $0xffff, v44;
	v50 =	vld [tilespmem:s31+$0xFFFFFE70]  }
0x20d: {  	v56 =	vadd.s32 v11, v52;
	v55 =	vld [tilespmem:s31+$0xFFFFFEB0];
	[tilespmem:v59+s21+$0x0] =	vst.idx.msk $0xffff, v58  }
0x20e: {  	v58 =	vadd.s32 v15, v35;
	[tilespmem:v57+s21+$0x0] =	vst.idx.msk $0xffff, v40;
	v57 =	vld [tilespmem:s31+$0xFFFFFEF0]  }
0x20f: {  	v38 =	vadd.s32 v32, v38;
	[tilespmem:v62+s21+$0x0] =	vst.idx.msk $0xffff, v61;
	v54 =	vld [tilespmem:s31+$0x0]  }
0x210: {  	s1 =	simm.s32 $0x9;
	[tilespmem:v60+s21+$0x0] =	vst.idx.msk $0xffff, v63;
	v60 =	vadd.s32 v19, v34;
	v59 =	vld [tilespmem:s31+$0xFFFFFF30]  }
0x211: {  	s22 =	simm.s32 $0x8;
	v41 =	vadd.s32 v23, v37;
	v53 =	vmov s1;
	[tilespmem:v51+s21+$0x0] =	vst.idx.msk $0xffff, v50;
	v40 =	vld [tilespmem:s31+$0xFFFFFF70]  }
0x212: {  	v43 =	vadd.s32 v27, v36;
	s1 =	simm.s32 $0xC;
	v48 =	vadd.s32 v3, v33;
	v63 =	vmov s22;
	v42 =	vld [tilespmem:s31+$0xFFFFFFB0];
	[tilespmem:v56+s21+$0x0] =	vst.idx.msk $0xffff, v55  }
0x213: {  	s19 =	simm.s32 $0xA;
	v47 =	vmov s1;
	v52 =	vadd.s32 v12, v52;
	v46 =	vld [tilespmem:s31+$0xFFFFFE30];
	s22 =	simm.s32 $0xB;
	v39 =	vshrl.u32 v63, $0x3;
	[tilespmem:v58+s21+$0x0] =	vst.idx.msk $0xffff, v57  }
0x214: {  	v44 =	vmov s22;
	s22 =	simm.s32 $0xE;
	v51 =	vadd.s32 v8, v45;
	v49 =	vld [tilespmem:s31+$0xFFFFFE80];
	[tilespmem:v38+s21+$0x0] =	vst.idx.msk $0xffff, v54;
	v54 =	vmov s19;
	s19 =	simm.s32 $0xD  }
0x215: {  	s0 =	simm.s32 $0xF;
	s1 =	simm.s32 $0x10;
	v45 =	vshll.u32 v39, v1;
	v39 =	vmov s22;
	v50 =	vld [tilespmem:s31+$0xFFFFFEC0];
	[tilespmem:v60+s21+$0x0] =	vst.idx.msk $0xffff, v59;
	v38 =	vmov s19  }
.LBB2_15:
0x216: {  	p0 =	slt.u32 s1, $0x78;
	v53 =	vshrl.u32 v53, $0x3;
	v55 =	vmov s0;
	v56 =	vld [tilespmem:s31+$0xFFFFFF00];
	v35 =	vadd.s32 v16, v35;
	[tilespmem:v41+s21+$0x0] =	vst.idx.msk $0xffff, v40  }
0x217: {  	v40 =	vshrl.u32 v54, $0x3;
	v34 =	vadd.s32 v20, v34;
	v41 =	vshrl.u32 v55, $0x3;
	v54 =	vld [tilespmem:s31+$0xFFFFFF40];
	[tilespmem:v43+s21+$0x0] =	vst.idx.msk $0xffff, v42  }
0x218: {  	v37 =	vadd.s32 v24, v37;
	v42 =	vshrl.u32 v44, $0x3;
	v41 =	vshll.u32 v41, v1;
	[tilespmem:v48+s21+$0x0] =	vst.idx.msk $0xffff, v46;
	v43 =	vld [tilespmem:s31+$0xFFFFFF80]  }
0x219: {  	v36 =	vadd.s32 v28, v36;
	v44 =	vshrl.u32 v47, $0x3;
	v41 =	vbroadcast v41, $0x0;
	[tilespmem:v51+s21+$0x0] =	vst.idx.msk $0xffff, v49;
	v46 =	vld [tilespmem:s31+$0xFFFFFFC0]  }
0x21a: {  	v47 =	vshll.u32 v53, v1;
	v49 =	vadd.s32 v4, v33;
	v33 =	vbroadcast v45, $0x0;
	v48 =	vld [tilespmem:s31+$0xFFFFFE40];
	[tilespmem:v52+s21+$0x0] =	vst.idx.msk $0xffff, v50;
	s31 =	sadd.s32 $0x200, s31  }
0x21b: {  	v40 =	vshll.u32 v40, v1;
	v45 =	vbroadcast v47, $0x0;
	v47 =	vld [tilespmem:s31+$0xFFFFFFD0];
	v50 =	vadd.s32 v29, v41;
	[tilespmem:v35+s21+$0x0] =	vst.idx.msk $0xffff, v56  }
0x21c: {  	v55 =	vbroadcast v40, $0x0;
	v52 =	vadd.s32 v0, v33;
	v35 =	vshll.u32 v42, v1;
	v51 =	vld [tilespmem:s31+$0xFFFFFE10];
	[tilespmem:v34+s21+$0x0] =	vst.idx.msk $0xffff, v54  }
0x21d: {  	v42 =	vadd.s32 v5, v45;
	v35 =	vbroadcast v35, $0x0;
	v34 =	vshll.u32 v44, v1;
	v40 =	vld [tilespmem:s31+$0xFFFFFE50];
	[tilespmem:v37+s21+$0x0] =	vst.idx.msk $0xffff, v43  }
0x21e: {  	v44 =	vadd.s32 v9, v55;
	v34 =	vbroadcast v34, $0x0;
	v37 =	vshrl.u32 v38, $0x3;
	v43 =	vld [tilespmem:s31+$0xFFFFFE90];
	[tilespmem:v36+s21+$0x0] =	vst.idx.msk $0xffff, v46  }
0x21f: {  	v39 =	vshrl.u32 v39, $0x3;
	v46 =	vadd.s32 v13, v35;
	v36 =	vshll.u32 v37, v1;
	v38 =	vld [tilespmem:s31+$0xFFFFFED0];
	[tilespmem:v49+s21+$0x0] =	vst.idx.msk $0xffff, v48  }
0x220: {  	v49 =	vadd.s32 v17, v34;
	v37 =	vbroadcast v36, $0x0;
	v36 =	vshll.u32 v39, v1;
	v48 =	vld [tilespmem:s31+$0xFFFFFF10];
	[tilespmem:v50+s21+$0x0] =	vst.idx.msk $0xffff, v47  }
0x221: {  	v36 =	vbroadcast v36, $0x0;
	v47 =	vadd.s32 v30, v41;
	[tilespmem:v52+s21+$0x0] =	vst.idx.msk $0xffff, v51;
	v39 =	vld [tilespmem:s31+$0xFFFFFFE0]  }
0x222: {  	[tilespmem:v42+s21+$0x0] =	vst.idx.msk $0xffff, v40;
	v40 =	vld [tilespmem:s31+$0xFFFFFF50];
	v42 =	vadd.s32 v21, v37  }
0x223: {  	[tilespmem:v44+s21+$0x0] =	vst.idx.msk $0xffff, v43;
	v43 =	vld [tilespmem:s31+$0xFFFFFF90];
	v44 =	vadd.s32 v25, v36  }
0x224: {  	v51 =	vadd.s32 v6, v45;
	v50 =	vld [tilespmem:s31+$0xFFFFFE60];
	[tilespmem:v46+s21+$0x0] =	vst.idx.msk $0xffff, v38  }
0x225: {  	v46 =	vadd.s32 v10, v55;
	v38 =	vld [tilespmem:s31+$0xFFFFFEA0];
	[tilespmem:v49+s21+$0x0] =	vst.idx.msk $0xffff, v48  }
0x226: {  	v49 =	vadd.s32 v14, v35;
	v48 =	vld [tilespmem:s31+$0xFFFFFEE0];
	[tilespmem:v47+s21+$0x0] =	vst.idx.msk $0xffff, v39  }
0x227: {  	[tilespmem:v42+s21+$0x0] =	vst.idx.msk $0xffff, v40;
	v39 =	vld [tilespmem:s31+$0xFFFFFFF0];
	v40 =	vadd.s32 v31, v41  }
0x228: {  	v47 =	vadd.s32 v18, v34;
	v42 =	vld [tilespmem:s31+$0xFFFFFF20];
	[tilespmem:v44+s21+$0x0] =	vst.idx.msk $0xffff, v43  }
0x229: {  	v44 =	vadd.s32 v22, v37;
	[tilespmem:v51+s21+$0x0] =	vst.idx.msk $0xffff, v50;
	v43 =	vld [tilespmem:s31+$0xFFFFFF60]  }
0x22a: {  	[tilespmem:v46+s21+$0x0] =	vst.idx.msk $0xffff, v38;
	v38 =	vld [tilespmem:s31+$0xFFFFFFA0];
	v46 =	vadd.s32 v26, v36  }
0x22b: {  	v51 =	vadd.s32 v2, v33;
	v50 =	vld [tilespmem:s31+$0xFFFFFE20];
	[tilespmem:v49+s21+$0x0] =	vst.idx.msk $0xffff, v48  }
0x22c: {  	v49 =	vadd.s32 v7, v45;
	v48 =	vld [tilespmem:s31+$0xFFFFFE70];
	[tilespmem:v40+s21+$0x0] =	vst.idx.msk $0xffff, v39  }
0x22d: {  	[tilespmem:v47+s21+$0x0] =	vst.idx.msk $0xffff, v42;
	v39 =	vld [tilespmem:s31+$0x0];
	v47 =	vadd.s32 v32, v41  }
0x22e: {  	v56 =	vadd.s32 v11, v55;
	v52 =	vld [tilespmem:s31+$0xFFFFFEB0];
	[tilespmem:v44+s21+$0x0] =	vst.idx.msk $0xffff, v43  }
0x22f: {  	v58 =	vadd.s32 v15, v35;
	v57 =	vld [tilespmem:s31+$0xFFFFFEF0];
	[tilespmem:v46+s21+$0x0] =	vst.idx.msk $0xffff, v38  }
0x230: {  	v60 =	vadd.s32 v19, v34;
	[tilespmem:v51+s21+$0x0] =	vst.idx.msk $0xffff, v50;
	v59 =	vld [tilespmem:s31+$0xFFFFFF30]  }
.Ltmp6:
0x231: {  	s0 =	sadd.s32 $0x1, s1;
	v41 =	vadd.s32 v23, v37;
	v38 =	vmov s1;
	[tilespmem:v49+s21+$0x0] =	vst.idx.msk $0xffff, v48;
	v40 =	vld [tilespmem:s31+$0xFFFFFF70];
	(pc) =	sbr.rel @p0 .LBB2_15-.Ltmp6, $4  }
0x232: {  	s19 =	sadd.s32 $0x3, s1;
	v53 =	vmov s0;
	s0 =	sadd.s32 $0x2, s1;
	v43 =	vadd.s32 v27, v36;
	v50 =	vshrl.u32 v38, $0x3;
	v42 =	vld [tilespmem:s31+$0xFFFFFFB0];
	[tilespmem:v47+s21+$0x0] =	vst.idx.msk $0xffff, v39  }
0x233: {  	v54 =	vmov s0;
	s0 =	sadd.s32 $0x4, s1;
	v44 =	vmov s19;
	s19 =	sadd.s32 $0x5, s1;
	v48 =	vadd.s32 v3, v33;
	v46 =	vld [tilespmem:s31+$0xFFFFFE30];
	[tilespmem:v56+s21+$0x0] =	vst.idx.msk $0xffff, v52  }
0x234: {  	v38 =	vmov s19;
	v51 =	vadd.s32 v8, v45;
	v47 =	vmov s0;
	s0 =	sadd.s32 $0x6, s1;
	v49 =	vld [tilespmem:s31+$0xFFFFFE80];
	[tilespmem:v58+s21+$0x0] =	vst.idx.msk $0xffff, v57  }
0x235: {  	v45 =	vshll.u32 v50, v1;
	v39 =	vmov s0;
	s0 =	sadd.s32 $0x7, s1;
	s1 =	sadd.s32 $0x8, s1;
	v52 =	vadd.s32 v12, v55;
	v50 =	vld [tilespmem:s31+$0xFFFFFEC0];
	[tilespmem:v60+s21+$0x0] =	vst.idx.msk $0xffff, v59  }
0x236: {  	_ =	sdelay $0x2  }
0x237: {  	v53 =	vshrl.u32 v53, $0x3  }
0x238: {  	v55 =	vmov s0;
	v56 =	vld [tilespmem:s31+$0xFFFFFF00];
	v35 =	vadd.s32 v16, v35;
	[tilespmem:v41+s21+$0x0] =	vst.idx.msk $0xffff, v40;
	v57 =	vshrl.u32 v54, $0x3  }
0x239: {  	v59 =	vld [tilespmem:s31+$0xFFFFFF40];
	v34 =	vadd.s32 v20, v34;
	v60 =	vshrl.u32 v44, $0x3;
	v58 =	vshrl.u32 v55, $0x3;
	[tilespmem:v43+s21+$0x0] =	vst.idx.msk $0xffff, v42  }
0x23a: {  	v37 =	vadd.s32 v24, v37;
	v62 =	vshrl.u32 v47, $0x3;
	v61 =	vld [tilespmem:s31+$0xFFFFFF80];
	v41 =	vshll.u32 v58, v1;
	[tilespmem:v48+s21+$0x0] =	vst.idx.msk $0xffff, v46  }
0x23b: {  	v36 =	vadd.s32 v28, v36;
	v45 =	vbroadcast v45, $0x0;
	v63 =	vld [tilespmem:s31+$0xFFFFFFC0];
	v41 =	vbroadcast v41, $0x0;
	[tilespmem:v51+s21+$0x0] =	vst.idx.msk $0xffff, v49  }
0x23c: {  	v33 =	vadd.s32 v4, v33;
	s1 =	sadd.s32 $0x200, s31;
	v38 =	vshrl.u32 v38, $0x3;
	v55 =	vshll.u32 v53, v1;
	v48 =	vld [tilespmem:s31+$0xFFFFFE40];
	[tilespmem:v52+s21+$0x0] =	vst.idx.msk $0xffff, v50  }
0x23d: {  	v40 =	vshll.u32 v57, v1;
	v47 =	vbroadcast v55, $0x0;
	v49 =	vld [tilespmem:s1+$0xFFFFFFD0];
	v50 =	vadd.s32 v29, v41;
	[tilespmem:v35+s21+$0x0] =	vst.idx.msk $0xffff, v56  }
0x23e: {  	v42 =	vshll.u32 v60, v1;
	v40 =	vbroadcast v40, $0x0;
	v35 =	vld [tilespmem:s1+$0xFFFFFE10];
	v56 =	vadd.s32 v0, v45;
	[tilespmem:v34+s21+$0x0] =	vst.idx.msk $0xffff, v59  }
0x23f: {  	v57 =	vld [tilespmem:s1+$0xFFFFFE50];
	v44 =	vshll.u32 v62, v1;
	v42 =	vbroadcast v42, $0x0;
	v58 =	vadd.s32 v5, v47;
	[tilespmem:v37+s21+$0x0] =	vst.idx.msk $0xffff, v61  }
0x240: {  	v38 =	vshll.u32 v38, v1;
	v44 =	vbroadcast v44, $0x0;
	v60 =	vadd.s32 v9, v40;
	v59 =	vld [tilespmem:s1+$0xFFFFFE90];
	[tilespmem:v36+s21+$0x0] =	vst.idx.msk $0xffff, v63  }
0x241: {  	v38 =	vbroadcast v38, $0x0;
	v62 =	vadd.s32 v13, v42;
	v61 =	vld [tilespmem:s1+$0xFFFFFED0];
	[tilespmem:v33+s21+$0x0] =	vst.idx.msk $0xffff, v48  }
0x242: {  	v39 =	vshrl.u32 v39, $0x3;
	v63 =	vadd.s32 v17, v44;
	v33 =	vld [tilespmem:s1+$0xFFFFFF10];
	[tilespmem:v50+s21+$0x0] =	vst.idx.msk $0xffff, v49  }
0x243: {  	v39 =	vshll.u32 v39, v1;
	v34 =	vld [tilespmem:s1+$0xFFFFFF50];
	[tilespmem:v56+s21+$0x0] =	vst.idx.msk $0xffff, v35;
	v56 =	vadd.s32 v21, v38  }
0x244: {  	[tilespmem:v58+s21+$0x0] =	vst.idx.msk $0xffff, v57;
	v35 =	vbroadcast v39, $0x0;
	v49 =	vadd.s32 v30, v41;
	v39 =	vld [tilespmem:s1+$0xFFFFFFE0]  }
0x245: {  	[tilespmem:v60+s21+$0x0] =	vst.idx.msk $0xffff, v59;
	v59 =	vld [tilespmem:s1+$0xFFFFFE60];
	v60 =	vadd.s32 v6, v47  }
0x246: {  	v57 =	vld [tilespmem:s1+$0xFFFFFF90];
	[tilespmem:v62+s21+$0x0] =	vst.idx.msk $0xffff, v61;
	v58 =	vadd.s32 v25, v35  }
0x247: {  	v61 =	vld [tilespmem:s1+$0xFFFFFEA0];
	v62 =	vadd.s32 v10, v40;
	[tilespmem:v63+s21+$0x0] =	vst.idx.msk $0xffff, v33  }
0x248: {  	v33 =	vld [tilespmem:s1+$0xFFFFFEE0];
	v63 =	vadd.s32 v14, v42;
	[tilespmem:v56+s21+$0x0] =	vst.idx.msk $0xffff, v34  }
0x249: {  	v56 =	vadd.s32 v18, v44;
	[tilespmem:v49+s21+$0x0] =	vst.idx.msk $0xffff, v39;
	v49 =	vld [tilespmem:s1+$0xFFFFFF20]  }
0x24a: {  	[tilespmem:v60+s21+$0x0] =	vst.idx.msk $0xffff, v59;
	v39 =	vadd.s32 v31, v41;
	v34 =	vld [tilespmem:s1+$0xFFFFFFF0]  }
0x24b: {  	[tilespmem:v58+s21+$0x0] =	vst.idx.msk $0xffff, v57;
	v57 =	vld [tilespmem:s1+$0xFFFFFF60];
	v58 =	vadd.s32 v22, v38  }
0x24c: {  	[tilespmem:v62+s21+$0x0] =	vst.idx.msk $0xffff, v61;
	v61 =	vld [tilespmem:s1+$0xFFFFFE20];
	v62 =	vadd.s32 v2, v45  }
0x24d: {  	v60 =	vadd.s32 v26, v35;
	v59 =	vld [tilespmem:s1+$0xFFFFFFA0];
	[tilespmem:v63+s21+$0x0] =	vst.idx.msk $0xffff, v33  }
0x24e: {  	v55 =	vadd.s32 v11, v40;
	v54 =	vadd.s32 v32, v41;
	v41 =	vld [tilespmem:s1+$0xFFFFFEB0];
	[tilespmem:v56+s21+$0x0] =	vst.idx.msk $0xffff, v49  }
0x24f: {  	v53 =	vadd.s32 v7, v47;
	v63 =	vld [tilespmem:s1+$0xFFFFFE70];
	[tilespmem:v39+s21+$0x0] =	vst.idx.msk $0xffff, v34  }
0x250: {  	v56 =	vld [tilespmem:s1+$0xFFFFFEF0];
	[tilespmem:v58+s21+$0x0] =	vst.idx.msk $0xffff, v57;
	v57 =	vadd.s32 v15, v42  }
0x251: {  	[tilespmem:v62+s21+$0x0] =	vst.idx.msk $0xffff, v61;
	v34 =	vld [tilespmem:s1+$0x0]  }
0x252: {  	v58 =	vld [tilespmem:s1+$0xFFFFFF30];
	[tilespmem:v60+s21+$0x0] =	vst.idx.msk $0xffff, v59;
	v59 =	vadd.s32 v19, v44  }
0x253: {  	v61 =	vadd.s32 v23, v38;
	[tilespmem:v55+s21+$0x0] =	vst.idx.msk $0xffff, v41;
	v60 =	vld [tilespmem:s1+$0xFFFFFF70]  }
0x254: {  	[tilespmem:v53+s21+$0x0] =	vst.idx.msk $0xffff, v63;
	v63 =	vadd.s32 v27, v35;
	v62 =	vld [tilespmem:s1+$0xFFFFFFB0]  }
0x255: {  	v47 =	vadd.s32 v8, v47;
	v55 =	vld [tilespmem:s1+$0xFFFFFE80];
	[tilespmem:v57+s21+$0x0] =	vst.idx.msk $0xffff, v56  }
0x256: {  	v53 =	vld [tilespmem:s1+$0xFFFFFE30];
	[tilespmem:v54+s21+$0x0] =	vst.idx.msk $0xffff, v34;
	v54 =	vadd.s32 v3, v45  }
0x257: {  	v40 =	vadd.s32 v12, v40;
	v56 =	vld [tilespmem:s1+$0xFFFFFEC0];
	[tilespmem:v59+s21+$0x0] =	vst.idx.msk $0xffff, v58  }
0x258: {  	v42 =	vadd.s32 v16, v42;
	v57 =	vld [tilespmem:s1+$0xFFFFFF00];
	[tilespmem:v61+s21+$0x0] =	vst.idx.msk $0xffff, v60  }
0x259: {  	v59 =	vadd.s32 v20, v44;
	v58 =	vld [tilespmem:s1+$0xFFFFFF40];
	[tilespmem:v63+s21+$0x0] =	vst.idx.msk $0xffff, v62  }
0x25a: {  	v38 =	vadd.s32 v24, v38;
	v60 =	vld [tilespmem:s1+$0xFFFFFF80];
	[tilespmem:v47+s21+$0x0] =	vst.idx.msk $0xffff, v55  }
0x25b: {  	v35 =	vadd.s32 v28, v35;
	v61 =	vld [tilespmem:s1+$0xFFFFFFC0];
	[tilespmem:v54+s21+$0x0] =	vst.idx.msk $0xffff, v53  }
0x25c: {  	v63 =	vadd.s32 v4, v45;
	[tilespmem:v40+s21+$0x0] =	vst.idx.msk $0xffff, v56;
	v62 =	vld [tilespmem:s1+$0xFFFFFE40]  }
0x25d: {  	s19 =	sadd.s32 s29, s9;
	[tilespmem:v42+s21+$0x0] =	vst.idx.msk $0xffff, v57  }
0x25e: {  	s22 =	sshll.u32 s19, $0x7;
	[tilespmem:v59+s21+$0x0] =	vst.idx.msk $0xffff, v58  }
0x25f: {  	s0 =	sshll.u32 s19, $0xA;
	[tilespmem:v38+s21+$0x0] =	vst.idx.msk $0xffff, v60;
	s1 =	sand.u32 $0xF80, s22  }
0x260: {  	s0 =	sand.u32 $0xFFF8000, s0;
	[tilespmem:v35+s21+$0x0] =	vst.idx.msk $0xffff, v61;
	s1 =	sadd.s32 s2, s1  }
0x261: {  	s22 =	sadd.s32 s0, s1;
	s1 =	simm.s32 $0xC600;
	[tilespmem:v63+s21+$0x0] =	vst.idx.msk $0xffff, v62  }
0x262: {  	[hbm4b:s22+s3] =	stream.linear.scatter [tilespmem:s1], [sflag:$0x4], $0x80, $0x38;
	[tilespmem:$0xE800] =	vst v63  }
0x263: {  	s19 =	simm.s32 $0xC688;
	s1 =	sadd.s32 $0x10, s22  }
0x264: {  	[hbm4b:s1+s3] =	stream.linear.scatter [tilespmem:s19], [sflag:$0x4], $0x80, $0x38;
	[tilespmem:$0xE800] =	vst v63  }
0x265: {  	s1 =	simm.s32 $0xC710;
	s19 =	sadd.s32 $0x20, s22  }
0x266: {  	[hbm4b:s19+s3] =	stream.linear.scatter [tilespmem:s1], [sflag:$0x4], $0x80, $0x38;
	[tilespmem:$0xE800] =	vst v63  }
0x267: {  	s1 =	simm.s32 $0xC798;
	s19 =	sadd.s32 $0x30, s22  }
0x268: {  	[hbm4b:s19+s3] =	stream.linear.scatter [tilespmem:s1], [sflag:$0x4], $0x80, $0x38;
	[tilespmem:$0xE800] =	vst v63  }
0x269: {  	s1 =	simm.s32 $0xC820;
	s19 =	sadd.s32 $0x40, s22  }
0x26a: {  	[hbm4b:s19+s3] =	stream.linear.scatter [tilespmem:s1], [sflag:$0x4], $0x80, $0x38;
	[tilespmem:$0xE800] =	vst v63  }
0x26b: {  	s31 =	simm.s32 $0x2200;
	s1 =	simm.s32 $0xC8A8;
	s19 =	sadd.s32 $0x50, s22  }
0x26c: {  	[hbm4b:s19+s3] =	stream.linear.scatter [tilespmem:s1], [sflag:$0x4], $0x80, $0x38;
	[tilespmem:$0xE800] =	vst v63  }
0x26d: {  	s0 =	simm.s32 $0xC9B8;
	s1 =	simm.s32 $0xC930;
	s19 =	sadd.s32 $0x60, s22  }
0x26e: {  	[hbm4b:s19+s3] =	stream.linear.scatter [tilespmem:s1], [sflag:$0x4], $0x80, $0x38;
	[tilespmem:$0xE800] =	vst v63  }
0x26f: {  	s29 =	sadd.s32 $0x1000, s22;
	s1 =	simm.s32 $0x440;
	s19 =	sadd.s32 $0x70, s22  }
.LBB2_17:
0x270: {  	[hbm4b:s19+s3] =	stream.linear.scatter [tilespmem:s0], [sflag:$0x4], $0x80, $0x38;
	[tilespmem:$0xE800] =	vst v63  }
0x271: {  	s0 =	smov.u32 s1;
	s1 =	smov.u32 s31  }
0x272: {  	s22 =	sadd.s32 $0x1100, s31;
	s1 =	sshra.s32 s1, $0x2;
	s19 =	sadd.s32 $0xC600, s0  }
0x273: {  	[hbm4b:s29+s3] =	stream.linear.scatter [tilespmem:s19], [sflag:$0x4], $0x80, $0x38;
	[tilespmem:$0xE800] =	vst v63  }
0x274: {  	p0 =	sne.s32 s31, $0x7700;
	s31 =	sadd.s32 $0x10, s29;
	s19 =	sadd.s32 $0xC688, s0  }
0x275: {  	[hbm4b:s31+s3] =	stream.linear.scatter [tilespmem:s19], [sflag:$0x4], $0x80, $0x38;
	[tilespmem:$0xE800] =	vst v63  }
0x276: {  	s19 =	sadd.s32 $0xC710, s0;
	s31 =	sadd.s32 $0x20, s29  }
0x277: {  	[hbm4b:s31+s3] =	stream.linear.scatter [tilespmem:s19], [sflag:$0x4], $0x80, $0x38;
	[tilespmem:$0xE800] =	vst v63  }
0x278: {  	s19 =	sadd.s32 $0xC798, s0;
	s31 =	sadd.s32 $0x30, s29  }
0x279: {  	[hbm4b:s31+s3] =	stream.linear.scatter [tilespmem:s19], [sflag:$0x4], $0x80, $0x38;
	[tilespmem:$0xE800] =	vst v63  }
0x27a: {  	s19 =	sadd.s32 $0xC820, s0;
	s31 =	sadd.s32 $0x40, s29  }
0x27b: {  	[hbm4b:s31+s3] =	stream.linear.scatter [tilespmem:s19], [sflag:$0x4], $0x80, $0x38;
	[tilespmem:$0xE800] =	vst v63  }
.Ltmp7:
0x27c: {  	s19 =	sadd.s32 $0xC8A8, s0;
	s31 =	sadd.s32 $0x50, s29;
	(pc) =	sbr.rel @p0 .LBB2_17-.Ltmp7, $4  }
0x27d: {  	[hbm4b:s31+s3] =	stream.linear.scatter [tilespmem:s19], [sflag:$0x4], $0x80, $0x38;
	[tilespmem:$0xE800] =	vst v63  }
0x27e: {  	s19 =	sadd.s32 $0xC930, s0;
	s31 =	sadd.s32 $0x60, s29;
	s0 =	sadd.s32 $0xC9B8, s0  }
0x27f: {  	[hbm4b:s31+s3] =	stream.linear.scatter [tilespmem:s19], [sflag:$0x4], $0x80, $0x38;
	[tilespmem:$0xE800] =	vst v63  }
0x280: {  	s19 =	sadd.s32 $0x70, s29;
	s29 =	sadd.s32 $0x1000, s29;
	s31 =	smov.u32 s22  }
0x281: {  	[hbm4b:s19+s3] =	stream.linear.scatter [tilespmem:s0], [sflag:$0x4], $0x80, $0x38;
	[tilespmem:$0xE800] =	vst v63  }
0x282: {  	s19 =	sadd.s32 $0xC600, s1  }
0x283: {  	[hbm4b:s29+s3] =	stream.linear.scatter [tilespmem:s19], [sflag:$0x4], $0x80, $0x38;
	[tilespmem:$0xE800] =	vst v63  }
0x284: {  	s22 =	sadd.s32 $0xC688, s1;
	s31 =	sadd.s32 $0x10, s29  }
0x285: {  	[hbm4b:s31+s3] =	stream.linear.scatter [tilespmem:s22], [sflag:$0x4], $0x80, $0x38;
	[tilespmem:$0xE800] =	vst v63  }
0x286: {  	s22 =	sadd.s32 $0xC710, s1;
	s31 =	sadd.s32 $0x20, s29  }
0x287: {  	[hbm4b:s31+s3] =	stream.linear.scatter [tilespmem:s22], [sflag:$0x4], $0x80, $0x38;
	[tilespmem:$0xE800] =	vst v63  }
0x288: {  	s22 =	sadd.s32 $0xC798, s1;
	s31 =	sadd.s32 $0x30, s29  }
0x289: {  	[hbm4b:s31+s3] =	stream.linear.scatter [tilespmem:s22], [sflag:$0x4], $0x80, $0x38;
	[tilespmem:$0xE800] =	vst v63  }
0x28a: {  	s22 =	sadd.s32 $0xC820, s1;
	s31 =	sadd.s32 $0x40, s29  }
0x28b: {  	[hbm4b:s31+s3] =	stream.linear.scatter [tilespmem:s22], [sflag:$0x4], $0x80, $0x38;
	[tilespmem:$0xE800] =	vst v63  }
0x28c: {  	s28 =	sadd.s32 $0x1, s28;
	s22 =	sadd.s32 $0xC8A8, s1;
	s31 =	sadd.s32 $0x50, s29  }
0x28d: {  	[hbm4b:s31+s3] =	stream.linear.scatter [tilespmem:s22], [sflag:$0x4], $0x80, $0x38;
	[tilespmem:$0xE800] =	vst v63  }
0x28e: {  	p0 =	sne.s32 s28, $0x62;
	s22 =	sadd.s32 $0xC930, s1;
	s31 =	sadd.s32 $0x60, s29  }
0x28f: {  	[hbm4b:s31+s3] =	stream.linear.scatter [tilespmem:s22], [sflag:$0x4], $0x80, $0x38;
	[tilespmem:$0xE800] =	vst v63  }
.Ltmp8:
0x290: {  	_ = 	snop;
	(pc) =	sbr.rel @p0 .LBB2_10-.Ltmp8, $4  }
0x291: {  	s29 =	sadd.s32 $0x70, s29;
	s22 =	sadd.s32 $0xC9B8, s1  }
0x292: {  	[hbm4b:s29+s3] =	stream.linear.scatter [tilespmem:s22], [sflag:$0x4], $0x80, $0x38;
	[tilespmem:$0xE800] =	vst v63  }
0x293: {  	s31 =	sadd.s32 $0x280, s30  }
0x294: {  	[tilespmem:s16], [sflag:$0x2] =	stream.indirect.gather [hbm4b:s4+s14], $0x40, s31, s14, $0xb8;
	[tilespmem:$0xE800] =	vst v63  }
0x295: {  	s0 =	simm.s32 $0x0;
	s26 =	simm.s32 $0x1;
	s1 =	simm.s32 $0x2  }
0x296: {  	s28 =	simm.s32 $0x3;
	s29 =	simm.s32 $0x4;
	s19 =	simm.s32 $0x7;
	v33 =	vmov s0;
	v34 =	vmov s26;
	v35 =	vmov s1  }
0x297: {  	_ =	swait.ge [sflag:s17], $0x2000;
	s30 =	simm.s32 $0x5;
	s31 =	simm.s32 $0x6;
	v36 =	vmov s28;
	v37 =	vmov s29;
	v38 =	vmov s19  }
0x298: {  	[sflag:s17] =	ssyncset.done $0x0;
	v39 =	vmov s30;
	v40 =	vmov s31;
	v33 =	vshrl.u32 v33, $0x3  }
0x299: {  	[sflag:s17] =	ssyncadd.s32 $0xFFFFE000;
	v38 =	vshrl.u32 v38, $0x3;
	v34 =	vshrl.u32 v34, $0x3;
	v35 =	vshrl.u32 v35, $0x3  }
0x29a: {  	v36 =	vshrl.u32 v36, $0x3;
	v37 =	vshrl.u32 v37, $0x3;
	_ =	swait.ge [sflag:s23], $0x2000;
	v38 =	vshll.u32 v38, v1  }
0x29b: {  	v55 =	vshrl.u32 v39, $0x3;
	v33 =	vshll.u32 v33, v1;
	[sflag:s23] =	ssyncset.done $0x0;
	v38 =	vbroadcast v38, $0x0  }
0x29c: {  	s26 =	simm.s32 $0x6500;
	v40 =	vshrl.u32 v40, $0x3;
	v34 =	vshll.u32 v34, v1;
	v33 =	vbroadcast v33, $0x0;
	[sflag:s23] =	ssyncadd.s32 $0xFFFFE000  }
0x29d: {  	v52 =	vshll.u32 v35, v1;
	v45 =	vbroadcast v34, $0x0;
	v41 =	vld [tilespmem:s26+$0xC0];
	v42 =	vadd.s32 v29, v38  }
0x29e: {  	v53 =	vshll.u32 v36, v1;
	v52 =	vbroadcast v52, $0x0;
	v43 =	vld [tilespmem:s26+$0xFFFFFF00];
	v44 =	vadd.s32 v0, v33  }
0x29f: {  	v54 =	vshll.u32 v37, v1;
	v35 =	vbroadcast v53, $0x0;
	v46 =	vld [tilespmem:s26+$0xFFFFFF40];
	v47 =	vadd.s32 v5, v45  }
0x2a0: {  	v36 =	vshll.u32 v55, v1;
	v34 =	vbroadcast v54, $0x0;
	v48 =	vld [tilespmem:s26+$0xFFFFFF80];
	v49 =	vadd.s32 v9, v52  }
0x2a1: {  	v56 =	vshll.u32 v40, v1;
	v37 =	vbroadcast v36, $0x0;
	v39 =	vld [tilespmem:s26+$0xFFFFFFC0];
	v50 =	vadd.s32 v13, v35  }
0x2a2: {  	v36 =	vbroadcast v56, $0x0;
	v51 =	vld [tilespmem:s26+$0x0];
	v53 =	vadd.s32 v17, v34;
	[tilespmem:v42+s18+$0x0] =	vst.idx.msk $0xffff, v41  }
0x2a3: {  	v59 =	vld [tilespmem:s26+$0x40];
	v60 =	vadd.s32 v21, v37;
	[tilespmem:v44+s18+$0x0] =	vst.idx.msk $0xffff, v43  }
0x2a4: {  	v61 =	vld [tilespmem:s26+$0x80];
	v62 =	vadd.s32 v25, v36;
	[tilespmem:v47+s18+$0x0] =	vst.idx.msk $0xffff, v46  }
0x2a5: {  	v58 =	vadd.s32 v30, v38;
	[tilespmem:v49+s18+$0x0] =	vst.idx.msk $0xffff, v48;
	v57 =	vld [tilespmem:s26+$0xD0]  }
0x2a6: {  	v63 =	vadd.s32 v6, v45;
	[tilespmem:v50+s18+$0x0] =	vst.idx.msk $0xffff, v39;
	v47 =	vld [tilespmem:s26+$0xFFFFFF50]  }
0x2a7: {  	v55 =	vadd.s32 v10, v52;
	[tilespmem:v53+s18+$0x0] =	vst.idx.msk $0xffff, v51;
	v54 =	vld [tilespmem:s26+$0xFFFFFF90]  }
0x2a8: {  	v56 =	vadd.s32 v14, v35;
	[tilespmem:v60+s18+$0x0] =	vst.idx.msk $0xffff, v59;
	v50 =	vld [tilespmem:s26+$0xFFFFFFD0]  }
0x2a9: {  	[tilespmem:v62+s18+$0x0] =	vst.idx.msk $0xffff, v61;
	v46 =	vadd.s32 v22, v37;
	v44 =	vld [tilespmem:s26+$0x50]  }
0x2aa: {  	v59 =	vadd.s32 v18, v34;
	[tilespmem:v58+s18+$0x0] =	vst.idx.msk $0xffff, v57;
	v58 =	vld [tilespmem:s26+$0x10]  }
0x2ab: {  	v57 =	vadd.s32 v31, v38;
	[tilespmem:v63+s18+$0x0] =	vst.idx.msk $0xffff, v47;
	v40 =	vld [tilespmem:s26+$0xE0]  }
0x2ac: {  	v60 =	vadd.s32 v26, v36;
	[tilespmem:v55+s18+$0x0] =	vst.idx.msk $0xffff, v54;
	v63 =	vld [tilespmem:s26+$0x90]  }
0x2ad: {  	v62 =	vadd.s32 v2, v33;
	v61 =	vld [tilespmem:s26+$0xFFFFFF10];
	[tilespmem:v56+s18+$0x0] =	vst.idx.msk $0xffff, v50  }
0x2ae: {  	v51 =	vadd.s32 v7, v45;
	[tilespmem:v46+s18+$0x0] =	vst.idx.msk $0xffff, v44;
	v50 =	vld [tilespmem:s26+$0xFFFFFF60]  }
0x2af: {  	v56 =	vadd.s32 v11, v52;
	v55 =	vld [tilespmem:s26+$0xFFFFFFA0];
	[tilespmem:v59+s18+$0x0] =	vst.idx.msk $0xffff, v58  }
0x2b0: {  	v58 =	vadd.s32 v15, v35;
	[tilespmem:v57+s18+$0x0] =	vst.idx.msk $0xffff, v40;
	v57 =	vld [tilespmem:s26+$0xFFFFFFE0]  }
0x2b1: {  	[tilespmem:v60+s18+$0x0] =	vst.idx.msk $0xffff, v63;
	v60 =	vadd.s32 v19, v34;
	v59 =	vld [tilespmem:s26+$0x20]  }
0x2b2: {  	s19 =	simm.s32 $0x9;
	v38 =	vadd.s32 v32, v38;
	[tilespmem:v62+s18+$0x0] =	vst.idx.msk $0xffff, v61;
	v54 =	vld [tilespmem:s26+$0xF0]  }
0x2b3: {  	s1 =	simm.s32 $0x8;
	v41 =	vadd.s32 v23, v37;
	v53 =	vmov s19;
	[tilespmem:v51+s18+$0x0] =	vst.idx.msk $0xffff, v50;
	v40 =	vld [tilespmem:s26+$0x60]  }
0x2b4: {  	s28 =	simm.s32 $0xB;
	s29 =	simm.s32 $0xC;
	v43 =	vadd.s32 v27, v36;
	v48 =	vadd.s32 v3, v33;
	v63 =	vmov s1;
	v42 =	vld [tilespmem:s26+$0xA0];
	[tilespmem:v56+s18+$0x0] =	vst.idx.msk $0xffff, v55  }
0x2b5: {  	s31 =	simm.s32 $0xE;
	v44 =	vmov s28;
	v47 =	vmov s29;
	v46 =	vld [tilespmem:s26+$0xFFFFFF20];
	v39 =	vshrl.u32 v63, $0x3;
	[tilespmem:v58+s18+$0x0] =	vst.idx.msk $0xffff, v57  }
0x2b6: {  	s22 =	simm.s32 $0xA;
	s30 =	simm.s32 $0xD;
	v51 =	vadd.s32 v8, v45;
	v49 =	vld [tilespmem:s26+$0xFFFFFF70];
	v45 =	vshll.u32 v39, v1;
	v39 =	vmov s31;
	[tilespmem:v60+s18+$0x0] =	vst.idx.msk $0xffff, v59  }
0x2b7: {  	s0 =	simm.s32 $0xF;
	v52 =	vadd.s32 v12, v52;
	s1 =	simm.s32 $0x10;
	v50 =	vld [tilespmem:s26+$0xFFFFFFB0];
	[tilespmem:v38+s18+$0x0] =	vst.idx.msk $0xffff, v54;
	v54 =	vmov s22;
	v38 =	vmov s30  }
.LBB2_20:
0x2b8: {  	p0 =	slt.u32 s1, $0x78;
	v53 =	vshrl.u32 v53, $0x3;
	v55 =	vmov s0;
	v56 =	vld [tilespmem:s26+$0xFFFFFFF0];
	v35 =	vadd.s32 v16, v35;
	[tilespmem:v41+s18+$0x0] =	vst.idx.msk $0xffff, v40  }
0x2b9: {  	v40 =	vshrl.u32 v54, $0x3;
	v34 =	vadd.s32 v20, v34;
	v41 =	vshrl.u32 v55, $0x3;
	v54 =	vld [tilespmem:s26+$0x30];
	[tilespmem:v43+s18+$0x0] =	vst.idx.msk $0xffff, v42  }
0x2ba: {  	v37 =	vadd.s32 v24, v37;
	v42 =	vshrl.u32 v44, $0x3;
	v41 =	vshll.u32 v41, v1;
	[tilespmem:v48+s18+$0x0] =	vst.idx.msk $0xffff, v46;
	v43 =	vld [tilespmem:s26+$0x70]  }
0x2bb: {  	v36 =	vadd.s32 v28, v36;
	v44 =	vshrl.u32 v47, $0x3;
	v41 =	vbroadcast v41, $0x0;
	[tilespmem:v51+s18+$0x0] =	vst.idx.msk $0xffff, v49;
	v46 =	vld [tilespmem:s26+$0xB0]  }
0x2bc: {  	v47 =	vshll.u32 v53, v1;
	v49 =	vadd.s32 v4, v33;
	v33 =	vbroadcast v45, $0x0;
	v48 =	vld [tilespmem:s26+$0xFFFFFF30];
	[tilespmem:v52+s18+$0x0] =	vst.idx.msk $0xffff, v50;
	s26 =	sadd.s32 $0x200, s26  }
0x2bd: {  	v40 =	vshll.u32 v40, v1;
	v45 =	vbroadcast v47, $0x0;
	v47 =	vld [tilespmem:s26+$0xC0];
	v50 =	vadd.s32 v29, v41;
	[tilespmem:v35+s18+$0x0] =	vst.idx.msk $0xffff, v56  }
0x2be: {  	v55 =	vbroadcast v40, $0x0;
	v52 =	vadd.s32 v0, v33;
	v35 =	vshll.u32 v42, v1;
	v51 =	vld [tilespmem:s26+$0xFFFFFF00];
	[tilespmem:v34+s18+$0x0] =	vst.idx.msk $0xffff, v54  }
0x2bf: {  	v42 =	vadd.s32 v5, v45;
	v35 =	vbroadcast v35, $0x0;
	v34 =	vshll.u32 v44, v1;
	v40 =	vld [tilespmem:s26+$0xFFFFFF40];
	[tilespmem:v37+s18+$0x0] =	vst.idx.msk $0xffff, v43  }
0x2c0: {  	v44 =	vadd.s32 v9, v55;
	v34 =	vbroadcast v34, $0x0;
	v37 =	vshrl.u32 v38, $0x3;
	v43 =	vld [tilespmem:s26+$0xFFFFFF80];
	[tilespmem:v36+s18+$0x0] =	vst.idx.msk $0xffff, v46  }
0x2c1: {  	v39 =	vshrl.u32 v39, $0x3;
	v46 =	vadd.s32 v13, v35;
	v36 =	vshll.u32 v37, v1;
	v38 =	vld [tilespmem:s26+$0xFFFFFFC0];
	[tilespmem:v49+s18+$0x0] =	vst.idx.msk $0xffff, v48  }
0x2c2: {  	v49 =	vadd.s32 v17, v34;
	v37 =	vbroadcast v36, $0x0;
	v36 =	vshll.u32 v39, v1;
	v48 =	vld [tilespmem:s26+$0x0];
	[tilespmem:v50+s18+$0x0] =	vst.idx.msk $0xffff, v47  }
0x2c3: {  	v36 =	vbroadcast v36, $0x0;
	v47 =	vadd.s32 v30, v41;
	[tilespmem:v52+s18+$0x0] =	vst.idx.msk $0xffff, v51;
	v39 =	vld [tilespmem:s26+$0xD0]  }
0x2c4: {  	[tilespmem:v42+s18+$0x0] =	vst.idx.msk $0xffff, v40;
	v40 =	vld [tilespmem:s26+$0x40];
	v42 =	vadd.s32 v21, v37  }
0x2c5: {  	[tilespmem:v44+s18+$0x0] =	vst.idx.msk $0xffff, v43;
	v43 =	vld [tilespmem:s26+$0x80];
	v44 =	vadd.s32 v25, v36  }
0x2c6: {  	v51 =	vadd.s32 v6, v45;
	v50 =	vld [tilespmem:s26+$0xFFFFFF50];
	[tilespmem:v46+s18+$0x0] =	vst.idx.msk $0xffff, v38  }
0x2c7: {  	v46 =	vadd.s32 v10, v55;
	v38 =	vld [tilespmem:s26+$0xFFFFFF90];
	[tilespmem:v49+s18+$0x0] =	vst.idx.msk $0xffff, v48  }
0x2c8: {  	v49 =	vadd.s32 v14, v35;
	v48 =	vld [tilespmem:s26+$0xFFFFFFD0];
	[tilespmem:v47+s18+$0x0] =	vst.idx.msk $0xffff, v39  }
0x2c9: {  	[tilespmem:v42+s18+$0x0] =	vst.idx.msk $0xffff, v40;
	v39 =	vld [tilespmem:s26+$0xE0];
	v40 =	vadd.s32 v31, v41  }
0x2ca: {  	v47 =	vadd.s32 v18, v34;
	v42 =	vld [tilespmem:s26+$0x10];
	[tilespmem:v44+s18+$0x0] =	vst.idx.msk $0xffff, v43  }
0x2cb: {  	v44 =	vadd.s32 v22, v37;
	[tilespmem:v51+s18+$0x0] =	vst.idx.msk $0xffff, v50;
	v43 =	vld [tilespmem:s26+$0x50]  }
0x2cc: {  	[tilespmem:v46+s18+$0x0] =	vst.idx.msk $0xffff, v38;
	v38 =	vld [tilespmem:s26+$0x90];
	v46 =	vadd.s32 v26, v36  }
0x2cd: {  	v51 =	vadd.s32 v2, v33;
	v50 =	vld [tilespmem:s26+$0xFFFFFF10];
	[tilespmem:v49+s18+$0x0] =	vst.idx.msk $0xffff, v48  }
0x2ce: {  	v49 =	vadd.s32 v7, v45;
	v48 =	vld [tilespmem:s26+$0xFFFFFF60];
	[tilespmem:v40+s18+$0x0] =	vst.idx.msk $0xffff, v39  }
0x2cf: {  	[tilespmem:v47+s18+$0x0] =	vst.idx.msk $0xffff, v42;
	v39 =	vld [tilespmem:s26+$0xF0];
	v47 =	vadd.s32 v32, v41  }
0x2d0: {  	v56 =	vadd.s32 v11, v55;
	v52 =	vld [tilespmem:s26+$0xFFFFFFA0];
	[tilespmem:v44+s18+$0x0] =	vst.idx.msk $0xffff, v43  }
0x2d1: {  	v58 =	vadd.s32 v15, v35;
	v57 =	vld [tilespmem:s26+$0xFFFFFFE0];
	[tilespmem:v46+s18+$0x0] =	vst.idx.msk $0xffff, v38  }
0x2d2: {  	v60 =	vadd.s32 v19, v34;
	[tilespmem:v51+s18+$0x0] =	vst.idx.msk $0xffff, v50;
	v59 =	vld [tilespmem:s26+$0x20]  }
.Ltmp9:
0x2d3: {  	s0 =	sadd.s32 $0x1, s1;
	v41 =	vadd.s32 v23, v37;
	v38 =	vmov s1;
	[tilespmem:v49+s18+$0x0] =	vst.idx.msk $0xffff, v48;
	v40 =	vld [tilespmem:s26+$0x60];
	(pc) =	sbr.rel @p0 .LBB2_20-.Ltmp9, $4  }
0x2d4: {  	s19 =	sadd.s32 $0x3, s1;
	v53 =	vmov s0;
	s0 =	sadd.s32 $0x2, s1;
	v43 =	vadd.s32 v27, v36;
	v50 =	vshrl.u32 v38, $0x3;
	v42 =	vld [tilespmem:s26+$0xA0];
	[tilespmem:v47+s18+$0x0] =	vst.idx.msk $0xffff, v39  }
0x2d5: {  	v54 =	vmov s0;
	s0 =	sadd.s32 $0x4, s1;
	v44 =	vmov s19;
	s19 =	sadd.s32 $0x5, s1;
	v48 =	vadd.s32 v3, v33;
	v46 =	vld [tilespmem:s26+$0xFFFFFF20];
	[tilespmem:v56+s18+$0x0] =	vst.idx.msk $0xffff, v52  }
0x2d6: {  	v38 =	vmov s19;
	v51 =	vadd.s32 v8, v45;
	v47 =	vmov s0;
	s0 =	sadd.s32 $0x6, s1;
	v49 =	vld [tilespmem:s26+$0xFFFFFF70];
	[tilespmem:v58+s18+$0x0] =	vst.idx.msk $0xffff, v57  }
0x2d7: {  	v45 =	vshll.u32 v50, v1;
	v39 =	vmov s0;
	s0 =	sadd.s32 $0x7, s1;
	s1 =	sadd.s32 $0x8, s1;
	v52 =	vadd.s32 v12, v55;
	v50 =	vld [tilespmem:s26+$0xFFFFFFB0];
	[tilespmem:v60+s18+$0x0] =	vst.idx.msk $0xffff, v59  }
0x2d8: {  	_ =	sdelay $0x2  }
0x2d9: {  	v53 =	vshrl.u32 v53, $0x3  }
0x2da: {  	v55 =	vmov s0;
	v56 =	vld [tilespmem:s26+$0xFFFFFFF0];
	v35 =	vadd.s32 v16, v35;
	[tilespmem:v41+s18+$0x0] =	vst.idx.msk $0xffff, v40;
	v57 =	vshrl.u32 v54, $0x3  }
0x2db: {  	v59 =	vld [tilespmem:s26+$0x30];
	v34 =	vadd.s32 v20, v34;
	v60 =	vshrl.u32 v44, $0x3;
	v58 =	vshrl.u32 v55, $0x3;
	[tilespmem:v43+s18+$0x0] =	vst.idx.msk $0xffff, v42  }
0x2dc: {  	v37 =	vadd.s32 v24, v37;
	v62 =	vshrl.u32 v47, $0x3;
	v61 =	vld [tilespmem:s26+$0x70];
	v41 =	vshll.u32 v58, v1;
	[tilespmem:v48+s18+$0x0] =	vst.idx.msk $0xffff, v46  }
0x2dd: {  	v36 =	vadd.s32 v28, v36;
	v45 =	vbroadcast v45, $0x0;
	v63 =	vld [tilespmem:s26+$0xB0];
	v41 =	vbroadcast v41, $0x0;
	[tilespmem:v51+s18+$0x0] =	vst.idx.msk $0xffff, v49  }
0x2de: {  	v33 =	vadd.s32 v4, v33;
	s1 =	sadd.s32 $0x200, s26;
	v38 =	vshrl.u32 v38, $0x3;
	v55 =	vshll.u32 v53, v1;
	v48 =	vld [tilespmem:s26+$0xFFFFFF30];
	[tilespmem:v52+s18+$0x0] =	vst.idx.msk $0xffff, v50  }
0x2df: {  	v40 =	vshll.u32 v57, v1;
	v47 =	vbroadcast v55, $0x0;
	v49 =	vld [tilespmem:s1+$0xC0];
	v50 =	vadd.s32 v29, v41;
	[tilespmem:v35+s18+$0x0] =	vst.idx.msk $0xffff, v56  }
0x2e0: {  	v42 =	vshll.u32 v60, v1;
	v40 =	vbroadcast v40, $0x0;
	v35 =	vld [tilespmem:s1+$0xFFFFFF00];
	v56 =	vadd.s32 v0, v45;
	[tilespmem:v34+s18+$0x0] =	vst.idx.msk $0xffff, v59  }
0x2e1: {  	v57 =	vld [tilespmem:s1+$0xFFFFFF40];
	v44 =	vshll.u32 v62, v1;
	v42 =	vbroadcast v42, $0x0;
	v58 =	vadd.s32 v5, v47;
	[tilespmem:v37+s18+$0x0] =	vst.idx.msk $0xffff, v61  }
0x2e2: {  	v38 =	vshll.u32 v38, v1;
	v44 =	vbroadcast v44, $0x0;
	v60 =	vadd.s32 v9, v40;
	v59 =	vld [tilespmem:s1+$0xFFFFFF80];
	[tilespmem:v36+s18+$0x0] =	vst.idx.msk $0xffff, v63  }
0x2e3: {  	v38 =	vbroadcast v38, $0x0;
	v62 =	vadd.s32 v13, v42;
	v61 =	vld [tilespmem:s1+$0xFFFFFFC0];
	[tilespmem:v33+s18+$0x0] =	vst.idx.msk $0xffff, v48  }
0x2e4: {  	v39 =	vshrl.u32 v39, $0x3;
	v63 =	vadd.s32 v17, v44;
	v33 =	vld [tilespmem:s1+$0x0];
	[tilespmem:v50+s18+$0x0] =	vst.idx.msk $0xffff, v49  }
0x2e5: {  	v39 =	vshll.u32 v39, v1;
	v34 =	vld [tilespmem:s1+$0x40];
	[tilespmem:v56+s18+$0x0] =	vst.idx.msk $0xffff, v35;
	v56 =	vadd.s32 v21, v38  }
0x2e6: {  	[tilespmem:v58+s18+$0x0] =	vst.idx.msk $0xffff, v57;
	v35 =	vbroadcast v39, $0x0;
	v49 =	vadd.s32 v30, v41;
	v39 =	vld [tilespmem:s1+$0xD0]  }
0x2e7: {  	[tilespmem:v60+s18+$0x0] =	vst.idx.msk $0xffff, v59;
	v59 =	vld [tilespmem:s1+$0xFFFFFF50];
	v60 =	vadd.s32 v6, v47  }
0x2e8: {  	v57 =	vld [tilespmem:s1+$0x80];
	[tilespmem:v62+s18+$0x0] =	vst.idx.msk $0xffff, v61;
	v58 =	vadd.s32 v25, v35  }
0x2e9: {  	v61 =	vld [tilespmem:s1+$0xFFFFFF90];
	v62 =	vadd.s32 v10, v40;
	[tilespmem:v63+s18+$0x0] =	vst.idx.msk $0xffff, v33  }
0x2ea: {  	v33 =	vld [tilespmem:s1+$0xFFFFFFD0];
	v63 =	vadd.s32 v14, v42;
	[tilespmem:v56+s18+$0x0] =	vst.idx.msk $0xffff, v34  }
0x2eb: {  	v56 =	vadd.s32 v18, v44;
	[tilespmem:v49+s18+$0x0] =	vst.idx.msk $0xffff, v39;
	v49 =	vld [tilespmem:s1+$0x10]  }
0x2ec: {  	[tilespmem:v60+s18+$0x0] =	vst.idx.msk $0xffff, v59;
	v39 =	vadd.s32 v31, v41;
	v34 =	vld [tilespmem:s1+$0xE0]  }
0x2ed: {  	[tilespmem:v58+s18+$0x0] =	vst.idx.msk $0xffff, v57;
	v57 =	vld [tilespmem:s1+$0x50];
	v58 =	vadd.s32 v22, v38  }
0x2ee: {  	[tilespmem:v62+s18+$0x0] =	vst.idx.msk $0xffff, v61;
	v61 =	vld [tilespmem:s1+$0xFFFFFF10];
	v62 =	vadd.s32 v2, v45  }
0x2ef: {  	v60 =	vadd.s32 v26, v35;
	v59 =	vld [tilespmem:s1+$0x90];
	[tilespmem:v63+s18+$0x0] =	vst.idx.msk $0xffff, v33  }
0x2f0: {  	v55 =	vadd.s32 v11, v40;
	v54 =	vadd.s32 v32, v41;
	v41 =	vld [tilespmem:s1+$0xFFFFFFA0];
	[tilespmem:v56+s18+$0x0] =	vst.idx.msk $0xffff, v49  }
0x2f1: {  	v53 =	vadd.s32 v7, v47;
	v63 =	vld [tilespmem:s1+$0xFFFFFF60];
	[tilespmem:v39+s18+$0x0] =	vst.idx.msk $0xffff, v34  }
0x2f2: {  	v56 =	vld [tilespmem:s1+$0xFFFFFFE0];
	[tilespmem:v58+s18+$0x0] =	vst.idx.msk $0xffff, v57;
	v57 =	vadd.s32 v15, v42  }
0x2f3: {  	[tilespmem:v62+s18+$0x0] =	vst.idx.msk $0xffff, v61;
	v34 =	vld [tilespmem:s1+$0xF0]  }
0x2f4: {  	v58 =	vld [tilespmem:s1+$0x20];
	[tilespmem:v60+s18+$0x0] =	vst.idx.msk $0xffff, v59;
	v59 =	vadd.s32 v19, v44  }
0x2f5: {  	v61 =	vadd.s32 v23, v38;
	[tilespmem:v55+s18+$0x0] =	vst.idx.msk $0xffff, v41;
	v60 =	vld [tilespmem:s1+$0x60]  }
0x2f6: {  	[tilespmem:v53+s18+$0x0] =	vst.idx.msk $0xffff, v63;
	v63 =	vadd.s32 v27, v35;
	v62 =	vld [tilespmem:s1+$0xA0]  }
0x2f7: {  	v47 =	vadd.s32 v8, v47;
	v55 =	vld [tilespmem:s1+$0xFFFFFF70];
	[tilespmem:v57+s18+$0x0] =	vst.idx.msk $0xffff, v56  }
0x2f8: {  	v53 =	vld [tilespmem:s1+$0xFFFFFF20];
	[tilespmem:v54+s18+$0x0] =	vst.idx.msk $0xffff, v34;
	v54 =	vadd.s32 v3, v45  }
0x2f9: {  	v40 =	vadd.s32 v12, v40;
	v56 =	vld [tilespmem:s1+$0xFFFFFFB0];
	[tilespmem:v59+s18+$0x0] =	vst.idx.msk $0xffff, v58  }
0x2fa: {  	v42 =	vadd.s32 v16, v42;
	v57 =	vld [tilespmem:s1+$0xFFFFFFF0];
	[tilespmem:v61+s18+$0x0] =	vst.idx.msk $0xffff, v60  }
0x2fb: {  	v59 =	vadd.s32 v20, v44;
	v58 =	vld [tilespmem:s1+$0x30];
	[tilespmem:v63+s18+$0x0] =	vst.idx.msk $0xffff, v62  }
0x2fc: {  	v38 =	vadd.s32 v24, v38;
	v60 =	vld [tilespmem:s1+$0x70];
	[tilespmem:v47+s18+$0x0] =	vst.idx.msk $0xffff, v55  }
0x2fd: {  	v35 =	vadd.s32 v28, v35;
	v61 =	vld [tilespmem:s1+$0xB0];
	[tilespmem:v54+s18+$0x0] =	vst.idx.msk $0xffff, v53  }
0x2fe: {  	v63 =	vadd.s32 v4, v45;
	[tilespmem:v40+s18+$0x0] =	vst.idx.msk $0xffff, v56;
	v62 =	vld [tilespmem:s1+$0xFFFFFF30]  }
0x2ff: {  	[tilespmem:v42+s18+$0x0] =	vst.idx.msk $0xffff, v57  }
0x300: {  	[tilespmem:v59+s18+$0x0] =	vst.idx.msk $0xffff, v58  }
0x301: {  	[tilespmem:v38+s18+$0x0] =	vst.idx.msk $0xffff, v60  }
0x302: {  	[tilespmem:v35+s18+$0x0] =	vst.idx.msk $0xffff, v61  }
0x303: {  	s1 =	simm.s32 $0xA400;
	[tilespmem:v63+s18+$0x0] =	vst.idx.msk $0xffff, v62  }
0x304: {  	[hbm4b:s10+s3] =	stream.linear.scatter [tilespmem:s1], [sflag:$0x3], $0x80, $0x38;
	[tilespmem:$0xE800] =	vst v63  }
0x305: {  	s19 =	simm.s32 $0xA488;
	s22 =	sadd.s32 $0x10, s10  }
0x306: {  	[hbm4b:s22+s3] =	stream.linear.scatter [tilespmem:s19], [sflag:$0x3], $0x80, $0x38;
	[tilespmem:$0xE800] =	vst v63  }
0x307: {  	s29 =	sadd.s32 $0x20, s10;
	s30 =	simm.s32 $0xA598;
	s26 =	simm.s32 $0xA510  }
0x308: {  	[hbm4b:s29+s3] =	stream.linear.scatter [tilespmem:s26], [sflag:$0x3], $0x80, $0x38;
	[tilespmem:$0xE800] =	vst v63  }
0x309: {  	s31 =	sadd.s32 $0x30, s10;
	s28 =	simm.s32 $0x2200;
	s0 =	simm.s32 $0xA7B8  }
0x30a: {  	[hbm4b:s31+s3] =	stream.linear.scatter [tilespmem:s30], [sflag:$0x3], $0x80, $0x38;
	[tilespmem:$0xE800] =	vst v63  }
0x30b: {  	s1 =	simm.s32 $0x440;
	s19 =	simm.s32 $0xA620;
	s22 =	sadd.s32 $0x40, s10  }
0x30c: {  	[hbm4b:s22+s3] =	stream.linear.scatter [tilespmem:s19], [sflag:$0x3], $0x80, $0x38;
	[tilespmem:$0xE800] =	vst v63  }
0x30d: {  	s26 =	simm.s32 $0xA6A8;
	s29 =	sadd.s32 $0x50, s10;
	s30 =	simm.s32 $0xA730  }
0x30e: {  	[hbm4b:s29+s3] =	stream.linear.scatter [tilespmem:s26], [sflag:$0x3], $0x80, $0x38;
	[tilespmem:$0xE800] =	vst v63  }
0x30f: {  	s31 =	sadd.s32 $0x60, s10;
	s19 =	sadd.s32 $0x70, s10;
	s26 =	sadd.s32 $0x1000, s10  }
0x310: {  	[hbm4b:s31+s3] =	stream.linear.scatter [tilespmem:s30], [sflag:$0x3], $0x80, $0x38;
	[tilespmem:$0xE800] =	vst v63  }
.LBB2_22:
0x311: {  	[hbm4b:s19+s3] =	stream.linear.scatter [tilespmem:s0], [sflag:$0x3], $0x80, $0x38;
	[tilespmem:$0xE800] =	vst v63  }
0x312: {  	s0 =	smov.u32 s1;
	s1 =	smov.u32 s28  }
0x313: {  	s22 =	sadd.s32 $0x1100, s28;
	s1 =	sshra.s32 s1, $0x2;
	s19 =	sadd.s32 $0xA400, s0  }
0x314: {  	[hbm4b:s26+s3] =	stream.linear.scatter [tilespmem:s19], [sflag:$0x3], $0x80, $0x38;
	[tilespmem:$0xE800] =	vst v63  }
0x315: {  	p0 =	sne.s32 s28, $0x7700;
	s28 =	sadd.s32 $0x10, s26;
	s19 =	sadd.s32 $0xA488, s0  }
0x316: {  	[hbm4b:s28+s3] =	stream.linear.scatter [tilespmem:s19], [sflag:$0x3], $0x80, $0x38;
	[tilespmem:$0xE800] =	vst v63  }
0x317: {  	s19 =	sadd.s32 $0xA510, s0;
	s28 =	sadd.s32 $0x20, s26  }
0x318: {  	[hbm4b:s28+s3] =	stream.linear.scatter [tilespmem:s19], [sflag:$0x3], $0x80, $0x38;
	[tilespmem:$0xE800] =	vst v63  }
0x319: {  	s19 =	sadd.s32 $0xA598, s0;
	s28 =	sadd.s32 $0x30, s26  }
0x31a: {  	[hbm4b:s28+s3] =	stream.linear.scatter [tilespmem:s19], [sflag:$0x3], $0x80, $0x38;
	[tilespmem:$0xE800] =	vst v63  }
0x31b: {  	s19 =	sadd.s32 $0xA620, s0;
	s28 =	sadd.s32 $0x40, s26  }
0x31c: {  	[hbm4b:s28+s3] =	stream.linear.scatter [tilespmem:s19], [sflag:$0x3], $0x80, $0x38;
	[tilespmem:$0xE800] =	vst v63  }
.Ltmp10:
0x31d: {  	s19 =	sadd.s32 $0xA6A8, s0;
	s28 =	sadd.s32 $0x50, s26;
	(pc) =	sbr.rel @p0 .LBB2_22-.Ltmp10, $4  }
0x31e: {  	[hbm4b:s28+s3] =	stream.linear.scatter [tilespmem:s19], [sflag:$0x3], $0x80, $0x38;
	[tilespmem:$0xE800] =	vst v63  }
0x31f: {  	s19 =	sadd.s32 $0xA730, s0;
	s28 =	sadd.s32 $0x60, s26;
	s0 =	sadd.s32 $0xA7B8, s0  }
0x320: {  	[hbm4b:s28+s3] =	stream.linear.scatter [tilespmem:s19], [sflag:$0x3], $0x80, $0x38;
	[tilespmem:$0xE800] =	vst v63  }
0x321: {  	s19 =	sadd.s32 $0x70, s26;
	s26 =	sadd.s32 $0x1000, s26;
	s28 =	smov.u32 s22  }
0x322: {  	[hbm4b:s19+s3] =	stream.linear.scatter [tilespmem:s0], [sflag:$0x3], $0x80, $0x38;
	[tilespmem:$0xE800] =	vst v63  }
0x323: {  	s29 =	sadd.s32 $0xA400, s1  }
0x324: {  	[hbm4b:s26+s3] =	stream.linear.scatter [tilespmem:s29], [sflag:$0x3], $0x80, $0x38;
	[tilespmem:$0xE800] =	vst v63  }
0x325: {  	s30 =	sadd.s32 $0xA488, s1;
	s31 =	sadd.s32 $0x10, s26  }
0x326: {  	[hbm4b:s31+s3] =	stream.linear.scatter [tilespmem:s30], [sflag:$0x3], $0x80, $0x38;
	[tilespmem:$0xE800] =	vst v63  }
0x327: {  	s19 =	sadd.s32 $0xA510, s1;
	s22 =	sadd.s32 $0x20, s26  }
0x328: {  	[hbm4b:s22+s3] =	stream.linear.scatter [tilespmem:s19], [sflag:$0x3], $0x80, $0x38;
	[tilespmem:$0xE800] =	vst v63  }
0x329: {  	s28 =	sadd.s32 $0xA598, s1;
	s29 =	sadd.s32 $0x30, s26  }
0x32a: {  	[hbm4b:s29+s3] =	stream.linear.scatter [tilespmem:s28], [sflag:$0x3], $0x80, $0x38;
	[tilespmem:$0xE800] =	vst v63  }
0x32b: {  	s30 =	sadd.s32 $0xA620, s1;
	s31 =	sadd.s32 $0x40, s26;
	s19 =	sadd.s32 $0xA6A8, s1  }
0x32c: {  	[hbm4b:s31+s3] =	stream.linear.scatter [tilespmem:s30], [sflag:$0x3], $0x80, $0x38;
	[tilespmem:$0xE800] =	vst v63  }
0x32d: {  	s22 =	sadd.s32 $0x50, s26;
	s28 =	sadd.s32 $0xA730, s1;
	s29 =	sadd.s32 $0x60, s26  }
0x32e: {  	[hbm4b:s22+s3] =	stream.linear.scatter [tilespmem:s19], [sflag:$0x3], $0x80, $0x38;
	[tilespmem:$0xE800] =	vst v63  }
0x32f: {  	s30 =	sadd.s32 $0xA7B8, s1;
	s31 =	sadd.s32 $0x70, s26;
	s1 =	simm.s32 $0x0  }
0x330: {  	[hbm4b:s29+s3] =	stream.linear.scatter [tilespmem:s28], [sflag:$0x3], $0x80, $0x38;
	[tilespmem:$0xE800] =	vst v63  }
0x331: {  	s26 =	simm.s32 $0x3;
	v33 =	vmov s1;
	s19 =	simm.s32 $0x1;
	s22 =	simm.s32 $0x2  }
0x332: {  	v36 =	vmov s26;
	v33 =	vshrl.u32 v33, $0x3;
	[hbm4b:s31+s3] =	stream.linear.scatter [tilespmem:s30], [sflag:$0x3], $0x80, $0x38;
	[tilespmem:$0xE800] =	vst v63  }
0x333: {  	v36 =	vshrl.u32 v36, $0x3;
	v34 =	vmov s19;
	v35 =	vmov s22;
	s29 =	simm.s32 $0x7;
	_ =	swait.ge [sflag:s20], $0x2000  }
0x334: {  	v33 =	vshll.u32 v33, v1;
	v53 =	vshll.u32 v36, v1;
	v38 =	vmov s29;
	[sflag:s20] =	ssyncset.done $0x0  }
0x335: {  	s28 =	simm.s32 $0x4;
	v34 =	vshrl.u32 v34, $0x3;
	v35 =	vshrl.u32 v35, $0x3;
	v38 =	vshrl.u32 v38, $0x3;
	[sflag:s20] =	ssyncadd.s32 $0xFFFFE000  }
0x336: {  	v33 =	vbroadcast v33, $0x0;
	v37 =	vmov s28;
	v38 =	vshll.u32 v38, v1;
	_ =	swait.ge [sflag:s24], $0x2000  }
0x337: {  	v34 =	vshll.u32 v34, v1;
	v52 =	vshll.u32 v35, v1;
	v38 =	vbroadcast v38, $0x0;
	[sflag:s24] =	ssyncset.done $0x0  }
0x338: {  	s26 =	simm.s32 $0x85F0;
	v35 =	vbroadcast v53, $0x0;
	v37 =	vshrl.u32 v37, $0x3;
	v45 =	vbroadcast v34, $0x0;
	[sflag:s24] =	ssyncadd.s32 $0xFFFFE000  }
0x339: {  	s30 =	simm.s32 $0x5;
	s31 =	simm.s32 $0x6;
	v44 =	vadd.s32 v0, v33;
	v52 =	vbroadcast v52, $0x0;
	v42 =	vadd.s32 v29, v38;
	v41 =	vld [tilespmem:s26+$0xFFFFFFD0]  }
0x33a: {  	v39 =	vmov s30;
	v40 =	vmov s31;
	v54 =	vshll.u32 v37, v1;
	v43 =	vld [tilespmem:s26+$0xFFFFFE10]  }
0x33b: {  	v47 =	vadd.s32 v5, v45;
	v49 =	vadd.s32 v9, v52;
	v55 =	vshrl.u32 v39, $0x3;
	v46 =	vld [tilespmem:s26+$0xFFFFFE50]  }
0x33c: {  	v34 =	vbroadcast v54, $0x0;
	v40 =	vshrl.u32 v40, $0x3;
	v36 =	vshll.u32 v55, v1;
	v48 =	vld [tilespmem:s26+$0xFFFFFE90]  }
0x33d: {  	v50 =	vadd.s32 v13, v35;
	v56 =	vshll.u32 v40, v1;
	v37 =	vbroadcast v36, $0x0;
	v39 =	vld [tilespmem:s26+$0xFFFFFED0]  }
0x33e: {  	v53 =	vadd.s32 v17, v34;
	v36 =	vbroadcast v56, $0x0;
	v51 =	vld [tilespmem:s26+$0xFFFFFF10];
	[tilespmem:v42+s21+$0x0] =	vst.idx.msk $0xffff, v41  }
0x33f: {  	v60 =	vadd.s32 v21, v37;
	v59 =	vld [tilespmem:s26+$0xFFFFFF50];
	[tilespmem:v44+s21+$0x0] =	vst.idx.msk $0xffff, v43  }
0x340: {  	v62 =	vadd.s32 v25, v36;
	v61 =	vld [tilespmem:s26+$0xFFFFFF90];
	[tilespmem:v47+s21+$0x0] =	vst.idx.msk $0xffff, v46  }
0x341: {  	v58 =	vadd.s32 v30, v38;
	[tilespmem:v49+s21+$0x0] =	vst.idx.msk $0xffff, v48;
	v57 =	vld [tilespmem:s26+$0xFFFFFFE0]  }
0x342: {  	v63 =	vadd.s32 v6, v45;
	[tilespmem:v50+s21+$0x0] =	vst.idx.msk $0xffff, v39;
	v47 =	vld [tilespmem:s26+$0xFFFFFE60]  }
0x343: {  	v55 =	vadd.s32 v10, v52;
	[tilespmem:v53+s21+$0x0] =	vst.idx.msk $0xffff, v51;
	v54 =	vld [tilespmem:s26+$0xFFFFFEA0]  }
0x344: {  	v56 =	vadd.s32 v14, v35;
	[tilespmem:v60+s21+$0x0] =	vst.idx.msk $0xffff, v59;
	v50 =	vld [tilespmem:s26+$0xFFFFFEE0]  }
0x345: {  	[tilespmem:v62+s21+$0x0] =	vst.idx.msk $0xffff, v61;
	v46 =	vadd.s32 v22, v37;
	v44 =	vld [tilespmem:s26+$0xFFFFFF60]  }
0x346: {  	v59 =	vadd.s32 v18, v34;
	[tilespmem:v58+s21+$0x0] =	vst.idx.msk $0xffff, v57;
	v58 =	vld [tilespmem:s26+$0xFFFFFF20]  }
0x347: {  	v57 =	vadd.s32 v31, v38;
	[tilespmem:v63+s21+$0x0] =	vst.idx.msk $0xffff, v47;
	v40 =	vld [tilespmem:s26+$0xFFFFFFF0]  }
0x348: {  	v60 =	vadd.s32 v26, v36;
	[tilespmem:v55+s21+$0x0] =	vst.idx.msk $0xffff, v54;
	v63 =	vld [tilespmem:s26+$0xFFFFFFA0]  }
0x349: {  	v62 =	vadd.s32 v2, v33;
	v61 =	vld [tilespmem:s26+$0xFFFFFE20];
	[tilespmem:v56+s21+$0x0] =	vst.idx.msk $0xffff, v50  }
0x34a: {  	v51 =	vadd.s32 v7, v45;
	[tilespmem:v46+s21+$0x0] =	vst.idx.msk $0xffff, v44;
	v50 =	vld [tilespmem:s26+$0xFFFFFE70]  }
0x34b: {  	v56 =	vadd.s32 v11, v52;
	v55 =	vld [tilespmem:s26+$0xFFFFFEB0];
	[tilespmem:v59+s21+$0x0] =	vst.idx.msk $0xffff, v58  }
0x34c: {  	v58 =	vadd.s32 v15, v35;
	[tilespmem:v57+s21+$0x0] =	vst.idx.msk $0xffff, v40;
	v57 =	vld [tilespmem:s26+$0xFFFFFEF0]  }
0x34d: {  	[tilespmem:v60+s21+$0x0] =	vst.idx.msk $0xffff, v63;
	v60 =	vadd.s32 v19, v34;
	v59 =	vld [tilespmem:s26+$0xFFFFFF30]  }
0x34e: {  	s19 =	simm.s32 $0x9;
	v38 =	vadd.s32 v32, v38;
	[tilespmem:v62+s21+$0x0] =	vst.idx.msk $0xffff, v61;
	v54 =	vld [tilespmem:s26+$0x0]  }
0x34f: {  	s1 =	simm.s32 $0x8;
	v41 =	vadd.s32 v23, v37;
	v53 =	vmov s19;
	[tilespmem:v51+s21+$0x0] =	vst.idx.msk $0xffff, v50;
	v40 =	vld [tilespmem:s26+$0xFFFFFF70]  }
0x350: {  	s28 =	simm.s32 $0xB;
	s29 =	simm.s32 $0xC;
	v43 =	vadd.s32 v27, v36;
	v48 =	vadd.s32 v3, v33;
	v63 =	vmov s1;
	v42 =	vld [tilespmem:s26+$0xFFFFFFB0];
	[tilespmem:v56+s21+$0x0] =	vst.idx.msk $0xffff, v55  }
0x351: {  	s31 =	simm.s32 $0xE;
	v44 =	vmov s28;
	v47 =	vmov s29;
	v46 =	vld [tilespmem:s26+$0xFFFFFE30];
	v39 =	vshrl.u32 v63, $0x3;
	[tilespmem:v58+s21+$0x0] =	vst.idx.msk $0xffff, v57  }
0x352: {  	s22 =	simm.s32 $0xA;
	s30 =	simm.s32 $0xD;
	v51 =	vadd.s32 v8, v45;
	v49 =	vld [tilespmem:s26+$0xFFFFFE80];
	v45 =	vshll.u32 v39, v1;
	v39 =	vmov s31;
	[tilespmem:v60+s21+$0x0] =	vst.idx.msk $0xffff, v59  }
0x353: {  	s0 =	simm.s32 $0xF;
	v52 =	vadd.s32 v12, v52;
	s1 =	simm.s32 $0x10;
	v50 =	vld [tilespmem:s26+$0xFFFFFEC0];
	[tilespmem:v38+s21+$0x0] =	vst.idx.msk $0xffff, v54;
	v54 =	vmov s22;
	v38 =	vmov s30  }
.LBB2_24:
0x354: {  	p0 =	slt.u32 s1, $0x78;
	v53 =	vshrl.u32 v53, $0x3;
	v55 =	vmov s0;
	v56 =	vld [tilespmem:s26+$0xFFFFFF00];
	v35 =	vadd.s32 v16, v35;
	[tilespmem:v41+s21+$0x0] =	vst.idx.msk $0xffff, v40  }
0x355: {  	v40 =	vshrl.u32 v54, $0x3;
	v34 =	vadd.s32 v20, v34;
	v41 =	vshrl.u32 v55, $0x3;
	v54 =	vld [tilespmem:s26+$0xFFFFFF40];
	[tilespmem:v43+s21+$0x0] =	vst.idx.msk $0xffff, v42  }
0x356: {  	v37 =	vadd.s32 v24, v37;
	v42 =	vshrl.u32 v44, $0x3;
	v41 =	vshll.u32 v41, v1;
	[tilespmem:v48+s21+$0x0] =	vst.idx.msk $0xffff, v46;
	v43 =	vld [tilespmem:s26+$0xFFFFFF80]  }
0x357: {  	v36 =	vadd.s32 v28, v36;
	v44 =	vshrl.u32 v47, $0x3;
	v41 =	vbroadcast v41, $0x0;
	[tilespmem:v51+s21+$0x0] =	vst.idx.msk $0xffff, v49;
	v46 =	vld [tilespmem:s26+$0xFFFFFFC0]  }
0x358: {  	v47 =	vshll.u32 v53, v1;
	v49 =	vadd.s32 v4, v33;
	v33 =	vbroadcast v45, $0x0;
	v48 =	vld [tilespmem:s26+$0xFFFFFE40];
	[tilespmem:v52+s21+$0x0] =	vst.idx.msk $0xffff, v50;
	s26 =	sadd.s32 $0x200, s26  }
0x359: {  	v40 =	vshll.u32 v40, v1;
	v45 =	vbroadcast v47, $0x0;
	v47 =	vld [tilespmem:s26+$0xFFFFFFD0];
	v50 =	vadd.s32 v29, v41;
	[tilespmem:v35+s21+$0x0] =	vst.idx.msk $0xffff, v56  }
0x35a: {  	v55 =	vbroadcast v40, $0x0;
	v52 =	vadd.s32 v0, v33;
	v35 =	vshll.u32 v42, v1;
	v51 =	vld [tilespmem:s26+$0xFFFFFE10];
	[tilespmem:v34+s21+$0x0] =	vst.idx.msk $0xffff, v54  }
0x35b: {  	v42 =	vadd.s32 v5, v45;
	v35 =	vbroadcast v35, $0x0;
	v34 =	vshll.u32 v44, v1;
	v40 =	vld [tilespmem:s26+$0xFFFFFE50];
	[tilespmem:v37+s21+$0x0] =	vst.idx.msk $0xffff, v43  }
0x35c: {  	v44 =	vadd.s32 v9, v55;
	v34 =	vbroadcast v34, $0x0;
	v37 =	vshrl.u32 v38, $0x3;
	v43 =	vld [tilespmem:s26+$0xFFFFFE90];
	[tilespmem:v36+s21+$0x0] =	vst.idx.msk $0xffff, v46  }
0x35d: {  	v39 =	vshrl.u32 v39, $0x3;
	v46 =	vadd.s32 v13, v35;
	v36 =	vshll.u32 v37, v1;
	v38 =	vld [tilespmem:s26+$0xFFFFFED0];
	[tilespmem:v49+s21+$0x0] =	vst.idx.msk $0xffff, v48  }
0x35e: {  	v49 =	vadd.s32 v17, v34;
	v37 =	vbroadcast v36, $0x0;
	v36 =	vshll.u32 v39, v1;
	v48 =	vld [tilespmem:s26+$0xFFFFFF10];
	[tilespmem:v50+s21+$0x0] =	vst.idx.msk $0xffff, v47  }
0x35f: {  	v36 =	vbroadcast v36, $0x0;
	v47 =	vadd.s32 v30, v41;
	[tilespmem:v52+s21+$0x0] =	vst.idx.msk $0xffff, v51;
	v39 =	vld [tilespmem:s26+$0xFFFFFFE0]  }
0x360: {  	[tilespmem:v42+s21+$0x0] =	vst.idx.msk $0xffff, v40;
	v40 =	vld [tilespmem:s26+$0xFFFFFF50];
	v42 =	vadd.s32 v21, v37  }
0x361: {  	[tilespmem:v44+s21+$0x0] =	vst.idx.msk $0xffff, v43;
	v43 =	vld [tilespmem:s26+$0xFFFFFF90];
	v44 =	vadd.s32 v25, v36  }
0x362: {  	v51 =	vadd.s32 v6, v45;
	v50 =	vld [tilespmem:s26+$0xFFFFFE60];
	[tilespmem:v46+s21+$0x0] =	vst.idx.msk $0xffff, v38  }
0x363: {  	v46 =	vadd.s32 v10, v55;
	v38 =	vld [tilespmem:s26+$0xFFFFFEA0];
	[tilespmem:v49+s21+$0x0] =	vst.idx.msk $0xffff, v48  }
0x364: {  	v49 =	vadd.s32 v14, v35;
	v48 =	vld [tilespmem:s26+$0xFFFFFEE0];
	[tilespmem:v47+s21+$0x0] =	vst.idx.msk $0xffff, v39  }
0x365: {  	[tilespmem:v42+s21+$0x0] =	vst.idx.msk $0xffff, v40;
	v39 =	vld [tilespmem:s26+$0xFFFFFFF0];
	v40 =	vadd.s32 v31, v41  }
0x366: {  	v47 =	vadd.s32 v18, v34;
	v42 =	vld [tilespmem:s26+$0xFFFFFF20];
	[tilespmem:v44+s21+$0x0] =	vst.idx.msk $0xffff, v43  }
0x367: {  	v44 =	vadd.s32 v22, v37;
	[tilespmem:v51+s21+$0x0] =	vst.idx.msk $0xffff, v50;
	v43 =	vld [tilespmem:s26+$0xFFFFFF60]  }
0x368: {  	[tilespmem:v46+s21+$0x0] =	vst.idx.msk $0xffff, v38;
	v38 =	vld [tilespmem:s26+$0xFFFFFFA0];
	v46 =	vadd.s32 v26, v36  }
0x369: {  	v51 =	vadd.s32 v2, v33;
	v50 =	vld [tilespmem:s26+$0xFFFFFE20];
	[tilespmem:v49+s21+$0x0] =	vst.idx.msk $0xffff, v48  }
0x36a: {  	v49 =	vadd.s32 v7, v45;
	v48 =	vld [tilespmem:s26+$0xFFFFFE70];
	[tilespmem:v40+s21+$0x0] =	vst.idx.msk $0xffff, v39  }
0x36b: {  	[tilespmem:v47+s21+$0x0] =	vst.idx.msk $0xffff, v42;
	v39 =	vld [tilespmem:s26+$0x0];
	v47 =	vadd.s32 v32, v41  }
0x36c: {  	v56 =	vadd.s32 v11, v55;
	v52 =	vld [tilespmem:s26+$0xFFFFFEB0];
	[tilespmem:v44+s21+$0x0] =	vst.idx.msk $0xffff, v43  }
0x36d: {  	v58 =	vadd.s32 v15, v35;
	v57 =	vld [tilespmem:s26+$0xFFFFFEF0];
	[tilespmem:v46+s21+$0x0] =	vst.idx.msk $0xffff, v38  }
0x36e: {  	v60 =	vadd.s32 v19, v34;
	[tilespmem:v51+s21+$0x0] =	vst.idx.msk $0xffff, v50;
	v59 =	vld [tilespmem:s26+$0xFFFFFF30]  }
.Ltmp11:
0x36f: {  	s0 =	sadd.s32 $0x1, s1;
	v41 =	vadd.s32 v23, v37;
	v38 =	vmov s1;
	[tilespmem:v49+s21+$0x0] =	vst.idx.msk $0xffff, v48;
	v40 =	vld [tilespmem:s26+$0xFFFFFF70];
	(pc) =	sbr.rel @p0 .LBB2_24-.Ltmp11, $4  }
0x370: {  	s19 =	sadd.s32 $0x3, s1;
	v53 =	vmov s0;
	s0 =	sadd.s32 $0x2, s1;
	v43 =	vadd.s32 v27, v36;
	v50 =	vshrl.u32 v38, $0x3;
	v42 =	vld [tilespmem:s26+$0xFFFFFFB0];
	[tilespmem:v47+s21+$0x0] =	vst.idx.msk $0xffff, v39  }
0x371: {  	v54 =	vmov s0;
	s0 =	sadd.s32 $0x4, s1;
	v44 =	vmov s19;
	s19 =	sadd.s32 $0x5, s1;
	v48 =	vadd.s32 v3, v33;
	v46 =	vld [tilespmem:s26+$0xFFFFFE30];
	[tilespmem:v56+s21+$0x0] =	vst.idx.msk $0xffff, v52  }
0x372: {  	v38 =	vmov s19;
	v51 =	vadd.s32 v8, v45;
	v47 =	vmov s0;
	s0 =	sadd.s32 $0x6, s1;
	v49 =	vld [tilespmem:s26+$0xFFFFFE80];
	[tilespmem:v58+s21+$0x0] =	vst.idx.msk $0xffff, v57  }
0x373: {  	v45 =	vshll.u32 v50, v1;
	v39 =	vmov s0;
	s0 =	sadd.s32 $0x7, s1;
	s1 =	sadd.s32 $0x8, s1;
	v52 =	vadd.s32 v12, v55;
	v50 =	vld [tilespmem:s26+$0xFFFFFEC0];
	[tilespmem:v60+s21+$0x0] =	vst.idx.msk $0xffff, v59  }
0x374: {  	_ =	sdelay $0x2  }
0x375: {  	v53 =	vshrl.u32 v53, $0x3  }
0x376: {  	v55 =	vmov s0;
	v56 =	vld [tilespmem:s26+$0xFFFFFF00];
	v35 =	vadd.s32 v16, v35;
	[tilespmem:v41+s21+$0x0] =	vst.idx.msk $0xffff, v40;
	v57 =	vshrl.u32 v54, $0x3  }
0x377: {  	v59 =	vld [tilespmem:s26+$0xFFFFFF40];
	v34 =	vadd.s32 v20, v34;
	v60 =	vshrl.u32 v44, $0x3;
	v58 =	vshrl.u32 v55, $0x3;
	[tilespmem:v43+s21+$0x0] =	vst.idx.msk $0xffff, v42  }
0x378: {  	v37 =	vadd.s32 v24, v37;
	v62 =	vshrl.u32 v47, $0x3;
	v61 =	vld [tilespmem:s26+$0xFFFFFF80];
	v41 =	vshll.u32 v58, v1;
	[tilespmem:v48+s21+$0x0] =	vst.idx.msk $0xffff, v46  }
0x379: {  	v36 =	vadd.s32 v28, v36;
	v45 =	vbroadcast v45, $0x0;
	v63 =	vld [tilespmem:s26+$0xFFFFFFC0];
	v41 =	vbroadcast v41, $0x0;
	[tilespmem:v51+s21+$0x0] =	vst.idx.msk $0xffff, v49  }
0x37a: {  	v33 =	vadd.s32 v4, v33;
	s1 =	sadd.s32 $0x200, s26;
	v38 =	vshrl.u32 v38, $0x3;
	v55 =	vshll.u32 v53, v1;
	v48 =	vld [tilespmem:s26+$0xFFFFFE40];
	[tilespmem:v52+s21+$0x0] =	vst.idx.msk $0xffff, v50  }
0x37b: {  	v40 =	vshll.u32 v57, v1;
	v47 =	vbroadcast v55, $0x0;
	v49 =	vld [tilespmem:s1+$0xFFFFFFD0];
	v50 =	vadd.s32 v29, v41;
	[tilespmem:v35+s21+$0x0] =	vst.idx.msk $0xffff, v56  }
0x37c: {  	v42 =	vshll.u32 v60, v1;
	v40 =	vbroadcast v40, $0x0;
	v35 =	vld [tilespmem:s1+$0xFFFFFE10];
	v56 =	vadd.s32 v0, v45;
	[tilespmem:v34+s21+$0x0] =	vst.idx.msk $0xffff, v59  }
0x37d: {  	v57 =	vld [tilespmem:s1+$0xFFFFFE50];
	v44 =	vshll.u32 v62, v1;
	v42 =	vbroadcast v42, $0x0;
	v58 =	vadd.s32 v5, v47;
	[tilespmem:v37+s21+$0x0] =	vst.idx.msk $0xffff, v61  }
0x37e: {  	v38 =	vshll.u32 v38, v1;
	v44 =	vbroadcast v44, $0x0;
	v60 =	vadd.s32 v9, v40;
	v59 =	vld [tilespmem:s1+$0xFFFFFE90];
	[tilespmem:v36+s21+$0x0] =	vst.idx.msk $0xffff, v63  }
0x37f: {  	v38 =	vbroadcast v38, $0x0;
	v62 =	vadd.s32 v13, v42;
	v61 =	vld [tilespmem:s1+$0xFFFFFED0];
	[tilespmem:v33+s21+$0x0] =	vst.idx.msk $0xffff, v48  }
0x380: {  	v39 =	vshrl.u32 v39, $0x3;
	v63 =	vadd.s32 v17, v44;
	v33 =	vld [tilespmem:s1+$0xFFFFFF10];
	[tilespmem:v50+s21+$0x0] =	vst.idx.msk $0xffff, v49  }
0x381: {  	v39 =	vshll.u32 v39, v1;
	v34 =	vld [tilespmem:s1+$0xFFFFFF50];
	[tilespmem:v56+s21+$0x0] =	vst.idx.msk $0xffff, v35;
	v56 =	vadd.s32 v21, v38  }
0x382: {  	[tilespmem:v58+s21+$0x0] =	vst.idx.msk $0xffff, v57;
	v35 =	vbroadcast v39, $0x0;
	v49 =	vadd.s32 v30, v41;
	v39 =	vld [tilespmem:s1+$0xFFFFFFE0]  }
0x383: {  	[tilespmem:v60+s21+$0x0] =	vst.idx.msk $0xffff, v59;
	v59 =	vld [tilespmem:s1+$0xFFFFFE60];
	v60 =	vadd.s32 v6, v47  }
0x384: {  	v57 =	vld [tilespmem:s1+$0xFFFFFF90];
	[tilespmem:v62+s21+$0x0] =	vst.idx.msk $0xffff, v61;
	v58 =	vadd.s32 v25, v35  }
0x385: {  	v61 =	vld [tilespmem:s1+$0xFFFFFEA0];
	v62 =	vadd.s32 v10, v40;
	[tilespmem:v63+s21+$0x0] =	vst.idx.msk $0xffff, v33  }
0x386: {  	v33 =	vld [tilespmem:s1+$0xFFFFFEE0];
	v63 =	vadd.s32 v14, v42;
	[tilespmem:v56+s21+$0x0] =	vst.idx.msk $0xffff, v34  }
0x387: {  	v56 =	vadd.s32 v18, v44;
	[tilespmem:v49+s21+$0x0] =	vst.idx.msk $0xffff, v39;
	v49 =	vld [tilespmem:s1+$0xFFFFFF20]  }
0x388: {  	[tilespmem:v60+s21+$0x0] =	vst.idx.msk $0xffff, v59;
	v39 =	vadd.s32 v31, v41;
	v34 =	vld [tilespmem:s1+$0xFFFFFFF0]  }
0x389: {  	[tilespmem:v58+s21+$0x0] =	vst.idx.msk $0xffff, v57;
	v57 =	vld [tilespmem:s1+$0xFFFFFF60];
	v58 =	vadd.s32 v22, v38  }
0x38a: {  	[tilespmem:v62+s21+$0x0] =	vst.idx.msk $0xffff, v61;
	v61 =	vld [tilespmem:s1+$0xFFFFFE20];
	v62 =	vadd.s32 v2, v45  }
0x38b: {  	v60 =	vadd.s32 v26, v35;
	v59 =	vld [tilespmem:s1+$0xFFFFFFA0];
	[tilespmem:v63+s21+$0x0] =	vst.idx.msk $0xffff, v33  }
0x38c: {  	v55 =	vadd.s32 v11, v40;
	v54 =	vadd.s32 v32, v41;
	v41 =	vld [tilespmem:s1+$0xFFFFFEB0];
	[tilespmem:v56+s21+$0x0] =	vst.idx.msk $0xffff, v49  }
0x38d: {  	v53 =	vadd.s32 v7, v47;
	v63 =	vld [tilespmem:s1+$0xFFFFFE70];
	[tilespmem:v39+s21+$0x0] =	vst.idx.msk $0xffff, v34  }
0x38e: {  	v56 =	vld [tilespmem:s1+$0xFFFFFEF0];
	[tilespmem:v58+s21+$0x0] =	vst.idx.msk $0xffff, v57;
	v57 =	vadd.s32 v15, v42  }
0x38f: {  	[tilespmem:v62+s21+$0x0] =	vst.idx.msk $0xffff, v61;
	v34 =	vld [tilespmem:s1+$0x0]  }
0x390: {  	v58 =	vld [tilespmem:s1+$0xFFFFFF30];
	[tilespmem:v60+s21+$0x0] =	vst.idx.msk $0xffff, v59;
	v59 =	vadd.s32 v19, v44  }
0x391: {  	v61 =	vadd.s32 v23, v38;
	[tilespmem:v55+s21+$0x0] =	vst.idx.msk $0xffff, v41;
	v60 =	vld [tilespmem:s1+$0xFFFFFF70]  }
0x392: {  	[tilespmem:v53+s21+$0x0] =	vst.idx.msk $0xffff, v63;
	v63 =	vadd.s32 v27, v35;
	v62 =	vld [tilespmem:s1+$0xFFFFFFB0]  }
0x393: {  	v47 =	vadd.s32 v8, v47;
	v55 =	vld [tilespmem:s1+$0xFFFFFE80];
	[tilespmem:v57+s21+$0x0] =	vst.idx.msk $0xffff, v56  }
0x394: {  	v53 =	vld [tilespmem:s1+$0xFFFFFE30];
	[tilespmem:v54+s21+$0x0] =	vst.idx.msk $0xffff, v34;
	v54 =	vadd.s32 v3, v45  }
0x395: {  	v40 =	vadd.s32 v12, v40;
	v56 =	vld [tilespmem:s1+$0xFFFFFEC0];
	[tilespmem:v59+s21+$0x0] =	vst.idx.msk $0xffff, v58  }
0x396: {  	v42 =	vadd.s32 v16, v42;
	v57 =	vld [tilespmem:s1+$0xFFFFFF00];
	[tilespmem:v61+s21+$0x0] =	vst.idx.msk $0xffff, v60  }
0x397: {  	v59 =	vadd.s32 v20, v44;
	v58 =	vld [tilespmem:s1+$0xFFFFFF40];
	[tilespmem:v63+s21+$0x0] =	vst.idx.msk $0xffff, v62  }
0x398: {  	v38 =	vadd.s32 v24, v38;
	v60 =	vld [tilespmem:s1+$0xFFFFFF80];
	[tilespmem:v47+s21+$0x0] =	vst.idx.msk $0xffff, v55  }
0x399: {  	v35 =	vadd.s32 v28, v35;
	v61 =	vld [tilespmem:s1+$0xFFFFFFC0];
	[tilespmem:v54+s21+$0x0] =	vst.idx.msk $0xffff, v53  }
0x39a: {  	v63 =	vadd.s32 v4, v45;
	[tilespmem:v40+s21+$0x0] =	vst.idx.msk $0xffff, v56;
	v62 =	vld [tilespmem:s1+$0xFFFFFE40]  }
0x39b: {  	[tilespmem:v42+s21+$0x0] =	vst.idx.msk $0xffff, v57  }
0x39c: {  	[tilespmem:v59+s21+$0x0] =	vst.idx.msk $0xffff, v58  }
0x39d: {  	[tilespmem:v38+s21+$0x0] =	vst.idx.msk $0xffff, v60  }
0x39e: {  	[tilespmem:v35+s21+$0x0] =	vst.idx.msk $0xffff, v61  }
0x39f: {  	s1 =	simm.s32 $0xC600;
	[tilespmem:v63+s21+$0x0] =	vst.idx.msk $0xffff, v62  }
0x3a0: {  	[hbm4b:s11+s3] =	stream.linear.scatter [tilespmem:s1], [sflag:$0x4], $0x80, $0x38;
	[tilespmem:$0xE800] =	vst v63  }
0x3a1: {  	s19 =	simm.s32 $0xC688;
	s22 =	sadd.s32 $0x10, s11  }
0x3a2: {  	[hbm4b:s22+s3] =	stream.linear.scatter [tilespmem:s19], [sflag:$0x4], $0x80, $0x38;
	[tilespmem:$0xE800] =	vst v63  }
0x3a3: {  	s29 =	sadd.s32 $0x20, s11;
	s30 =	simm.s32 $0xC798;
	s26 =	simm.s32 $0xC710  }
0x3a4: {  	[hbm4b:s29+s3] =	stream.linear.scatter [tilespmem:s26], [sflag:$0x4], $0x80, $0x38;
	[tilespmem:$0xE800] =	vst v63  }
0x3a5: {  	s31 =	sadd.s32 $0x30, s11;
	s28 =	simm.s32 $0x2200;
	s0 =	simm.s32 $0xC9B8  }
0x3a6: {  	[hbm4b:s31+s3] =	stream.linear.scatter [tilespmem:s30], [sflag:$0x4], $0x80, $0x38;
	[tilespmem:$0xE800] =	vst v63  }
0x3a7: {  	s1 =	simm.s32 $0x440;
	s19 =	simm.s32 $0xC820;
	s22 =	sadd.s32 $0x40, s11  }
0x3a8: {  	[hbm4b:s22+s3] =	stream.linear.scatter [tilespmem:s19], [sflag:$0x4], $0x80, $0x38;
	[tilespmem:$0xE800] =	vst v63  }
0x3a9: {  	s26 =	simm.s32 $0xC8A8;
	s29 =	sadd.s32 $0x50, s11;
	s30 =	simm.s32 $0xC930  }
0x3aa: {  	[hbm4b:s29+s3] =	stream.linear.scatter [tilespmem:s26], [sflag:$0x4], $0x80, $0x38;
	[tilespmem:$0xE800] =	vst v63  }
0x3ab: {  	s31 =	sadd.s32 $0x60, s11;
	s19 =	sadd.s32 $0x70, s11;
	s26 =	sadd.s32 $0x1000, s11  }
0x3ac: {  	[hbm4b:s31+s3] =	stream.linear.scatter [tilespmem:s30], [sflag:$0x4], $0x80, $0x38;
	[tilespmem:$0xE800] =	vst v63  }
.LBB2_26:
0x3ad: {  	[hbm4b:s19+s3] =	stream.linear.scatter [tilespmem:s0], [sflag:$0x4], $0x80, $0x38;
	[tilespmem:$0xE800] =	vst v63  }
0x3ae: {  	s0 =	smov.u32 s1;
	s1 =	smov.u32 s28  }
0x3af: {  	s22 =	sadd.s32 $0x1100, s28;
	s1 =	sshra.s32 s1, $0x2;
	s19 =	sadd.s32 $0xC600, s0  }
0x3b0: {  	[hbm4b:s26+s3] =	stream.linear.scatter [tilespmem:s19], [sflag:$0x4], $0x80, $0x38;
	[tilespmem:$0xE800] =	vst v63  }
0x3b1: {  	p0 =	sne.s32 s28, $0x7700;
	s28 =	sadd.s32 $0x10, s26;
	s19 =	sadd.s32 $0xC688, s0  }
0x3b2: {  	[hbm4b:s28+s3] =	stream.linear.scatter [tilespmem:s19], [sflag:$0x4], $0x80, $0x38;
	[tilespmem:$0xE800] =	vst v63  }
0x3b3: {  	s19 =	sadd.s32 $0xC710, s0;
	s28 =	sadd.s32 $0x20, s26  }
0x3b4: {  	[hbm4b:s28+s3] =	stream.linear.scatter [tilespmem:s19], [sflag:$0x4], $0x80, $0x38;
	[tilespmem:$0xE800] =	vst v63  }
0x3b5: {  	s19 =	sadd.s32 $0xC798, s0;
	s28 =	sadd.s32 $0x30, s26  }
0x3b6: {  	[hbm4b:s28+s3] =	stream.linear.scatter [tilespmem:s19], [sflag:$0x4], $0x80, $0x38;
	[tilespmem:$0xE800] =	vst v63  }
0x3b7: {  	s19 =	sadd.s32 $0xC820, s0;
	s28 =	sadd.s32 $0x40, s26  }
0x3b8: {  	[hbm4b:s28+s3] =	stream.linear.scatter [tilespmem:s19], [sflag:$0x4], $0x80, $0x38;
	[tilespmem:$0xE800] =	vst v63  }
.Ltmp12:
0x3b9: {  	s19 =	sadd.s32 $0xC8A8, s0;
	s28 =	sadd.s32 $0x50, s26;
	(pc) =	sbr.rel @p0 .LBB2_26-.Ltmp12, $4  }
0x3ba: {  	[hbm4b:s28+s3] =	stream.linear.scatter [tilespmem:s19], [sflag:$0x4], $0x80, $0x38;
	[tilespmem:$0xE800] =	vst v63  }
0x3bb: {  	s19 =	sadd.s32 $0xC930, s0;
	s28 =	sadd.s32 $0x60, s26;
	s0 =	sadd.s32 $0xC9B8, s0  }
0x3bc: {  	[hbm4b:s28+s3] =	stream.linear.scatter [tilespmem:s19], [sflag:$0x4], $0x80, $0x38;
	[tilespmem:$0xE800] =	vst v63  }
0x3bd: {  	s19 =	sadd.s32 $0x70, s26;
	s26 =	sadd.s32 $0x1000, s26;
	s28 =	smov.u32 s22  }
0x3be: {  	[hbm4b:s19+s3] =	stream.linear.scatter [tilespmem:s0], [sflag:$0x4], $0x80, $0x38;
	[tilespmem:$0xE800] =	vst v63  }
0x3bf: {  	s29 =	sadd.s32 $0xC600, s1  }
0x3c0: {  	[hbm4b:s26+s3] =	stream.linear.scatter [tilespmem:s29], [sflag:$0x4], $0x80, $0x38;
	[tilespmem:$0xE800] =	vst v63  }
0x3c1: {  	s30 =	sadd.s32 $0xC688, s1;
	s31 =	sadd.s32 $0x10, s26  }
0x3c2: {  	[hbm4b:s31+s3] =	stream.linear.scatter [tilespmem:s30], [sflag:$0x4], $0x80, $0x38;
	[tilespmem:$0xE800] =	vst v63  }
0x3c3: {  	s19 =	sadd.s32 $0xC710, s1;
	s22 =	sadd.s32 $0x20, s26  }
0x3c4: {  	[hbm4b:s22+s3] =	stream.linear.scatter [tilespmem:s19], [sflag:$0x4], $0x80, $0x38;
	[tilespmem:$0xE800] =	vst v63  }
0x3c5: {  	s28 =	sadd.s32 $0xC798, s1;
	s29 =	sadd.s32 $0x30, s26  }
0x3c6: {  	[hbm4b:s29+s3] =	stream.linear.scatter [tilespmem:s28], [sflag:$0x4], $0x80, $0x38;
	[tilespmem:$0xE800] =	vst v63  }
0x3c7: {  	s30 =	sadd.s32 $0xC820, s1;
	s31 =	sadd.s32 $0x40, s26  }
0x3c8: {  	[hbm4b:s31+s3] =	stream.linear.scatter [tilespmem:s30], [sflag:$0x4], $0x80, $0x38;
	[tilespmem:$0xE800] =	vst v63  }
0x3c9: {  	s19 =	sadd.s32 $0xC8A8, s1;
	s22 =	sadd.s32 $0x50, s26  }
0x3ca: {  	[hbm4b:s22+s3] =	stream.linear.scatter [tilespmem:s19], [sflag:$0x4], $0x80, $0x38;
	[tilespmem:$0xE800] =	vst v63  }
0x3cb: {  	s28 =	sadd.s32 $0xC930, s1;
	s29 =	sadd.s32 $0x60, s26  }
0x3cc: {  	[hbm4b:s29+s3] =	stream.linear.scatter [tilespmem:s28], [sflag:$0x4], $0x80, $0x38;
	[tilespmem:$0xE800] =	vst v63  }
0x3cd: {  	s25 =	sadd.s32 $0x1, s25;
	s30 =	sadd.s32 $0xC9B8, s1;
	s31 =	sadd.s32 $0x70, s26  }
0x3ce: {  	[hbm4b:s31+s3] =	stream.linear.scatter [tilespmem:s30], [sflag:$0x4], $0x80, $0x38;
	[tilespmem:$0xE800] =	vst v63  }
0x3cf: {  	p0 =	sne.s32 s25, s12;
	_ =	swait.ge [sflag:s23], $0x2000  }
.Ltmp13:
0x3d0: {  	[sflag:s23] =	ssyncset.done $0x0;
	(pc) =	sbr.rel @p0 .LBB2_1-.Ltmp13, $4  }
0x3d1: {  	[sflag:s23] =	ssyncadd.s32 $0xFFFFE000  }
0x3d2: {  	_ =	swait.ge [sflag:s24], $0x2000  }
0x3d3: {  	[sflag:s24] =	ssyncset.done $0x0  }
0x3d4: {  	[sflag:s24] =	ssyncadd.s32 $0xFFFFE000  }
0x3d5: {  	_ =	sfence.sel $0x180000  }
0x3d6: {  	[bflag:$0x0] =	sbarrier.arrive $0xFFFF  }
0x3d7: {  	_ =	strace $0x90000047  }
0x3d8: {  	s0 =	stileid.u32;
	[bflag:$0x2] =	sbarrier.arrive $0xFFFF  }
0x3d9: {  	p0 =	sne.s32 s0, $0x0;
	s0 =	rddreg [dreg:$0x2]  }
0x3da: {  	s0 =	sadd.s32 @!p0 $0x100000, s0  }
0x3db: {  	[sflag:s0] =	ssyncadd.tile.s32 @!p0 $0x1;
	_ =	shalt  }
.Lfunc_end2:
_tile_overlayer_lowered:
.L_overlay_start_2:
0x3dc: {  	(tag) =	ssettag $0x2  }
0x3dd: {  	s0 =	rddreg [dreg:$0x0];
	s2 =	stileid.u32  }
0x3de: {  	s1 =	rddreg [dreg:$0x1];
	p0 =	sne.s32 s2, $0x0  }
0x3df: {  	s3 =	rddreg [dreg:$0x2];
	[bflag:$0x3] =	sbarrier.arrive $0xFFFF;
	s2 =	simm.s32 @!p0 $0x1C05  }
0x3e0: {  	[timem:s3], [sflag:s2] =	dma.local @!p0 [hbm:s0], s1  }
0x3e1: {  	s0 =	simm.s32 @!p0 $0x5  }
0x3e2: {  	_ =	swait.ge @!p0 [sflag:s0], s1  }
0x3e3: {  	s1 =	ssub.s32 @!p0 $0x0, s1;
	[sflag:s0] =	ssyncset.done @!p0 $0x0  }
0x3e4: {  	[sflag:s0] =	ssyncadd.s32 @!p0 s1  }
0x3e5: {  	[bflag:$0x3] =	sbarrier.arrive $0xFFFF  }
0x3e6: {  	_ =	shalt  }

</sc_bundles>
